<compile_context>
chip_gen: v7x
topology: tpu7x:2x2x1
jax: 0.10.2.dev20260603
libtpu: 0.0.44.dev20260713+nightly
codegen_flags: <defaults>
</compile_context>

<pallas_src>
import jax
import jax.numpy as jnp
from jax import lax
from jax.experimental import pallas as pl
from jax.experimental.pallas import tpu as pltpu
from jax.experimental.pallas import tpu_sc as plsc

N_P = 100000
D_LAT = 128
HIDDEN = 64
D_DYN = 32

NC = 2
NS = 16
NW = NC * NS

CH = 80
NCH = N_P // CH
RAW = 3 * CH
SUB = 80
NSUB = RAW // SUB
RAW_BUF = ((RAW + 15) // 16) * 16
K2MAX = ((NCH + NW - 1) // NW + 2 + 1) // 2


def _k1_body(z_ref, wab_ref, wc_ref, uu_ref):
    z = z_ref[...]
    uu_ref[0] = jnp.dot(z, wab_ref[...], preferred_element_type=jnp.float32)
    uu_ref[1] = jnp.dot(z, wc_ref[...], preferred_element_type=jnp.float32)


def _k3_body(z_ref, s_ref, a_ref, b1_ref, w2_ref, b2_ref, out_ref):
    z = z_ref[...]
    h = jnp.maximum(
        jnp.dot(z, a_ref[...], preferred_element_type=jnp.float32)
        + s_ref[...] + b1_ref[...], 0.0)
    out_ref[...] = z + jnp.dot(h, w2_ref[...],
                               preferred_element_type=jnp.float32) + b2_ref[...]


def _make_sc_body(T0, T1, K2):
  def _sc_body(uu_hbm, nlf_hbm, s_hbm,
               raw0, raw1, g0, g1, s0, s1, semg0, semg1, semw0, semw1):
    wid = lax.axis_index("s") * NC + lax.axis_index("c")
    iota = lax.iota(jnp.int32, 16)
    patt = [(((iota + r) % 3) >> 1) * N_P for r in range(3)]
    raws, gs, ss = (raw0, raw1), (g0, g1), (s0, s1)
    semgs, semws = (semg0, semg1), (semw0, semw1)

    def zrow(i, c):
        for j in range(4):
            s0[i, pl.ds(64 + 16 * j, 16)] = jnp.zeros((16,), jnp.float32)
            s1[i, pl.ds(64 + 16 * j, 16)] = jnp.zeros((16,), jnp.float32)
        return c

    lax.fori_loop(0, CH, zrow, 0)

    def prep_and_fire(b, t):
        pltpu.sync_copy(nlf_hbm.at[pl.ds(t * RAW, RAW)], raws[b].at[pl.ds(0, RAW)])
        for q in range(RAW_BUF // 16):
            sl = pl.ds(16 * q, 16)
            raws[b][sl] = raws[b][sl] + patt[q % 3]
        for j in range(NSUB):
            pltpu.async_copy(
                uu_hbm.at[raws[b].at[pl.ds(j * SUB, SUB)]],
                gs[b].at[pl.ds(j * SUB, SUB)],
                semgs[b],
            )

    def wait_gathers(b, t):
        for j in range(NSUB):
            pltpu.make_async_copy(
                uu_hbm.at[raws[b].at[pl.ds(j * SUB, SUB)]],
                gs[b].at[pl.ds(j * SUB, SUB)],
                semgs[b],
            ).wait()

    def step(m, b):
        t = T0 + wid + m * NW
        tn = t + NW
        tp = t - 2 * NW

        @pl.when(tn < T1)
        def _():
            prep_and_fire(b ^ 1, tn)

        @pl.when(jnp.logical_and(tp >= T0, tp < T1))
        def _():
            pltpu.make_async_copy(
                ss[b], s_hbm.at[pl.ds((tp - T0) * CH, CH)], semws[b]).wait()

        @pl.when(t < T1)
        def _():
            wait_gathers(b, t)

            def red(i, c):
                for j in range(4):
                    sl = pl.ds(16 * j, 16)
                    ss[b][i, sl] = (gs[b][3 * i, sl]
                                    + gs[b][3 * i + 1, pl.ds(64 + 16 * j, 16)]
                                    + gs[b][3 * i + 2, sl])
                return c

            lax.fori_loop(0, CH, red, 0)
            pltpu.async_copy(ss[b], s_hbm.at[pl.ds((t - T0) * CH, CH)], semws[b])

    @pl.when(T0 + wid < T1)
    def _():
        prep_and_fire(0, T0 + wid)

    def pair(k2, carry):
        step(2 * k2, 0)
        step(2 * k2 + 1, 1)
        return carry

    lax.fori_loop(0, K2, pair, 0)

  return _sc_body


def kernel(z_old, neighbour_list, W1, b1, W2, b2):
    n = z_old.shape[0]
    assert n == N_P
    nlf = neighbour_list.astype(jnp.int32).reshape(-1)

    w1r = W1.reshape(D_LAT, 4, HIDDEN)
    zero_h = jnp.zeros((D_LAT, HIDDEN), jnp.float32)
    wab = jnp.concatenate([w1r[:, 1, :], w1r[:, 2, :]], axis=1)
    wc = jnp.concatenate([w1r[:, 3, :], zero_h], axis=1)
    a128 = jnp.concatenate([w1r[:, 0, :], zero_h], axis=1)
    w2ext = jnp.zeros((D_LAT, D_LAT), jnp.float32).at[:HIDDEN, :D_DYN].set(W2)
    b1pad = jnp.zeros((1, D_LAT), jnp.float32).at[0, :HIDDEN].set(b1)
    b2pad = jnp.zeros((1, D_LAT), jnp.float32).at[0, :D_DYN].set(b2)

    bn = 2000
    grid1 = (n // bn,)
    uu3 = pl.pallas_call(
        _k1_body,
        grid=grid1,
        in_specs=[
            pl.BlockSpec((bn, D_LAT), lambda i: (i, 0)),
            pl.BlockSpec((D_LAT, D_LAT), lambda i: (0, 0)),
            pl.BlockSpec((D_LAT, D_LAT), lambda i: (0, 0)),
        ],
        out_specs=pl.BlockSpec((2, bn, D_LAT), lambda i: (0, i, 0)),
        out_shape=jax.ShapeDtypeStruct((2, n, D_LAT), jnp.float32),
    )(z_old, wab, wc)
    uu = uu3.reshape(2 * n, D_LAT)

    sc_mesh = plsc.VectorSubcoreMesh(core_axis_name="c", subcore_axis_name="s")
    sc_scratch = [
        pltpu.VMEM((RAW_BUF,), jnp.int32),
        pltpu.VMEM((RAW_BUF,), jnp.int32),
        pltpu.VMEM((RAW, D_LAT), jnp.float32),
        pltpu.VMEM((RAW, D_LAT), jnp.float32),
        pltpu.VMEM((CH, D_LAT), jnp.float32),
        pltpu.VMEM((CH, D_LAT), jnp.float32),
        pltpu.SemaphoreType.DMA,
        pltpu.SemaphoreType.DMA,
        pltpu.SemaphoreType.DMA,
        pltpu.SemaphoreType.DMA,
    ]
    NSPLIT = 2
    HCH = NCH // NSPLIT
    K2H = ((HCH + NW - 1) // NW + 2 + 1) // 2
    s_part = []
    for h in range(NSPLIT):
        s_part.append(pl.kernel(
            _make_sc_body(h * HCH, (h + 1) * HCH, K2H),
            out_type=jax.ShapeDtypeStruct((n // NSPLIT, D_LAT), jnp.float32),
            mesh=sc_mesh,
            scratch_types=sc_scratch,
            compiler_params=pltpu.CompilerParams(use_tc_tiling_on_sc=False),
        )(uu, nlf))

    bnk = 5000
    nb_h = n // NSPLIT // bnk
    k3_common = dict(
        grid=(nb_h,),
        out_shape=jax.ShapeDtypeStruct((n, D_LAT), jnp.float32),
    )
    w_specs = [
        pl.BlockSpec((D_LAT, D_LAT), lambda i: (0, 0)),
        pl.BlockSpec((1, D_LAT), lambda i: (0, 0)),
        pl.BlockSpec((D_LAT, D_LAT), lambda i: (0, 0)),
        pl.BlockSpec((1, D_LAT), lambda i: (0, 0)),
    ]

    def _k3b_body(z_ref, s_ref, a_ref, b1_ref, w2_ref, b2_ref, prev_ref, out_ref):
        _k3_body(z_ref, s_ref, a_ref, b1_ref, w2_ref, b2_ref, out_ref)

    out = None
    for h in range(NSPLIT):
        def mk(off):
            return lambda i: (i + off, 0)
        zspec = pl.BlockSpec((bnk, D_LAT), mk(h * nb_h))
        sspec = pl.BlockSpec((bnk, D_LAT), lambda i: (i, 0))
        if h == 0:
            out = pl.pallas_call(
                _k3_body,
                in_specs=[zspec, sspec] + w_specs,
                out_specs=pl.BlockSpec((bnk, D_LAT), mk(0)),
                **k3_common,
            )(z_old, s_part[0], a128, b1pad, w2ext, b2pad)
        else:
            out = pl.pallas_call(
                _k3b_body,
                in_specs=[zspec, sspec] + w_specs
                + [pl.BlockSpec(memory_space=pltpu.HBM)],
                out_specs=pl.BlockSpec((bnk, D_LAT), mk(h * nb_h)),
                input_output_aliases={6: 0},
                **k3_common,
            )(z_old, s_part[h], a128, b1pad, w2ext, b2pad, out)
    return out

# --- scband reference (transcript-rebuilt; emitter-appended) ---
"""Pipeline reference for scband-katies-neural-solver-15745350107828 (READ-ONLY COPY).

The authoritative reference and input builder live on the scoring server;
editing this copy changes nothing except your own understanding.
"""

import jax, jax.numpy as jnp
import numpy as np

N_PATCHES = 100000
D_LAT = 128
D_DYN = 32
HIDDEN = 64
NSTEPS = 1
STEPSIZE = 1.0


def setup_inputs(seed: int = 0) -> dict:
    key = jax.random.key(seed)
    k1, k2, k3, k4, k5, k6 = jax.random.split(key, 6)
    z_old = jax.random.normal(k1, (N_PATCHES, D_LAT), dtype=jnp.float32)
    neighbour_list = jax.random.randint(k2, (N_PATCHES, 3), 0, N_PATCHES, dtype=jnp.int64)
    # interaction_model: MLP mapping flattened (d_lat, 4) -> hidden -> d_dyn
    scale1 = 1.0 / np.sqrt(4 * D_LAT)
    scale2 = 1.0 / np.sqrt(HIDDEN)
    W1 = jax.random.normal(k3, (4 * D_LAT, HIDDEN), dtype=jnp.float32) * scale1
    b1 = jnp.zeros((HIDDEN,), dtype=jnp.float32)
    W2 = jax.random.normal(k4, (HIDDEN, D_DYN), dtype=jnp.float32) * scale2
    b2 = jnp.zeros((D_DYN,), dtype=jnp.float32)
    return {"z_old": z_old, "neighbour_list": neighbour_list, "W1": W1, "b1": b1, "W2": W2, "b2": b2}


def _interaction_model(z_mid, W1, b1, W2, b2):
    # z_mid: (N, d_lat, 4) -> flatten -> MLP -> (N, d_dyn)
    flat = z_mid.reshape(z_mid.shape[0], -1)
    h = jnp.maximum(flat @ W1 + b1, 0.0)
    return h @ W2 + b2


def reference(z_old, neighbour_list, W1, b1, W2, b2):
    # 2D path of Katies_NeuralSolver.forward
    for _ in range(NSTEPS):
        # z_mid[:, :, 0] = z_old; z_mid[:, :, beta+1] = z_old[neighbour_list[:, beta], :]
        gathered = jnp.take(z_old, neighbour_list, axis=0)  # (N, 3, d_lat)
        z_mid = jnp.concatenate(
            [z_old[:, :, None], jnp.transpose(gathered, (0, 2, 1))], axis=2
        )  # (N, d_lat, 4)
        F_theta = _interaction_model(z_mid, W1, b1, W2, b2)  # (N, d_dyn)
        num_dyn = F_theta.shape[1]
        z_old = z_old.at[:, :num_dyn].add(STEPSIZE * F_theta)
    return z_old

if __name__ == "__main__":
    import jax
    _d = setup_inputs()
    print(jax.jit(kernel)(*tuple(_d.values())))

</pallas_src>

<mosaic_0001>
#map = affine_map<(d0, d1) -> (0, 0)>
#map1 = affine_map<(d0, d1) -> (0)>
module attributes {stable_mosaic.version = 14 : i64} {
  func.func @_sc_body(%arg0: i32, %arg1: i32, %arg2: memref<200000x128xf32, #tpu.memory_space<hbm>>, %arg3: memref<300000xi32, #tpu.memory_space<hbm>>, %arg4: memref<50000x128xf32, #tpu.memory_space<hbm>>, %arg5: memref<240xi32, #tpu.memory_space<vmem>>, %arg6: memref<240xi32, #tpu.memory_space<vmem>>, %arg7: memref<240x128xf32, #tpu.memory_space<vmem>>, %arg8: memref<240x128xf32, #tpu.memory_space<vmem>>, %arg9: memref<80x128xf32, #tpu.memory_space<vmem>>, %arg10: memref<80x128xf32, #tpu.memory_space<vmem>>, %arg11: memref<!tpu.dma_semaphore, #tpu.memory_space<semaphore_mem>>, %arg12: memref<!tpu.dma_semaphore, #tpu.memory_space<semaphore_mem>>, %arg13: memref<!tpu.dma_semaphore, #tpu.memory_space<semaphore_mem>>, %arg14: memref<!tpu.dma_semaphore, #tpu.memory_space<semaphore_mem>>) attributes {dimension_semantics = [#tpu.dimension_semantics<core_parallel>, #tpu.dimension_semantics<subcore_parallel>], iteration_bounds = array<i64: 2, 16>, scalar_prefetch = 0 : i64, scratch_operands = 10 : i64, tpu.core_type = #tpu.core_type<sc_vector_subcore>, window_params = [{transform_indices = #map}, {transform_indices = #map1}, {transform_indices = #map}]} {
    %mul3A = arith.constant 2 : i32
    %mul3A_0 = arith.muli %arg1, %mul3A : i32
    %add3A = arith.addi %mul3A_0, %arg0 : i32
    %iota3A = tpu.iota {dimensions = array<i32: 0>} : vector<16xi32>
    %add3A_1 = arith.constant 0 : i32
    %add3A_2 = vector.broadcast %add3A_1 : i32 to vector<16xi32>
    %add3A_3 = arith.addi %iota3A, %add3A_2 : vector<16xi32>
    %jit3A = arith.constant 3 : i32
    %eq3A = arith.constant 0 : i32
    %eq3A_4 = arith.cmpi eq, %jit3A, %eq3A : i32
    %jit3A_5 = arith.constant 1 : i32
    %select_n3A = arith.select %eq3A_4, %jit3A_5, %jit3A : i32
    %rem3A = vector.broadcast %select_n3A : i32 to vector<16xi32>
    %rem3A_6 = arith.remsi %add3A_3, %rem3A : vector<16xi32>
    %ne3A = arith.constant 0 : i32
    %ne3A_7 = vector.broadcast %ne3A : i32 to vector<16xi32>
    %ne3A_8 = arith.cmpi ne, %rem3A_6, %ne3A_7 : vector<16xi32>
    %lt3A = arith.constant 0 : i32
    %lt3A_9 = vector.broadcast %lt3A : i32 to vector<16xi32>
    %lt3A_10 = arith.cmpi slt, %rem3A_6, %lt3A_9 : vector<16xi32>
    %lt3A_11 = arith.constant 0 : i32
    %lt3A_12 = arith.cmpi slt, %select_n3A, %lt3A_11 : i32
    %ne3A_13 = vector.broadcast %lt3A_12 : i1 to vector<16xi1>
    %ne3A_14 = vector.broadcast %ne3A_13 : vector<16xi1> to vector<16xi1>
    %ne3A_15 = arith.xori %lt3A_10, %ne3A_14 : vector<16xi1>
    %and3A = arith.andi %ne3A_15, %ne3A_8 : vector<16xi1>
    %add3A_16 = vector.broadcast %select_n3A : i32 to vector<16xi32>
    %add3A_17 = arith.addi %rem3A_6, %add3A_16 : vector<16xi32>
    %select_n3A_18 = arith.select %and3A, %add3A_17, %rem3A_6 : vector<16xi1>, vector<16xi32>
    %shift_right_arithmetic3A = arith.constant 1 : i32
    %shift_right_arithmetic3A_19 = vector.broadcast %shift_right_arithmetic3A : i32 to vector<16xi32>
    %shift_right_arithmetic3A_20 = arith.shrsi %select_n3A_18, %shift_right_arithmetic3A_19 : vector<16xi32>
    %mul3A_21 = arith.constant 100000 : i32
    %mul3A_22 = vector.broadcast %mul3A_21 : i32 to vector<16xi32>
    %mul3A_23 = arith.muli %shift_right_arithmetic3A_20, %mul3A_22 : vector<16xi32>
    %add3A_24 = arith.constant 1 : i32
    %add3A_25 = vector.broadcast %add3A_24 : i32 to vector<16xi32>
    %add3A_26 = arith.addi %iota3A, %add3A_25 : vector<16xi32>
    %jit3A_27 = arith.constant 3 : i32
    %eq3A_28 = arith.constant 0 : i32
    %eq3A_29 = arith.cmpi eq, %jit3A_27, %eq3A_28 : i32
    %jit3A_30 = arith.constant 1 : i32
    %select_n3A_31 = arith.select %eq3A_29, %jit3A_30, %jit3A_27 : i32
    %rem3A_32 = vector.broadcast %select_n3A_31 : i32 to vector<16xi32>
    %rem3A_33 = arith.remsi %add3A_26, %rem3A_32 : vector<16xi32>
    %ne3A_34 = arith.constant 0 : i32
    %ne3A_35 = vector.broadcast %ne3A_34 : i32 to vector<16xi32>
    %ne3A_36 = arith.cmpi ne, %rem3A_33, %ne3A_35 : vector<16xi32>
    %lt3A_37 = arith.constant 0 : i32
    %lt3A_38 = vector.broadcast %lt3A_37 : i32 to vector<16xi32>
    %lt3A_39 = arith.cmpi slt, %rem3A_33, %lt3A_38 : vector<16xi32>
    %lt3A_40 = arith.constant 0 : i32
    %lt3A_41 = arith.cmpi slt, %select_n3A_31, %lt3A_40 : i32
    %ne3A_42 = vector.broadcast %lt3A_41 : i1 to vector<16xi1>
    %ne3A_43 = vector.broadcast %ne3A_42 : vector<16xi1> to vector<16xi1>
    %ne3A_44 = arith.xori %lt3A_39, %ne3A_43 : vector<16xi1>
    %and3A_45 = arith.andi %ne3A_44, %ne3A_36 : vector<16xi1>
    %add3A_46 = vector.broadcast %select_n3A_31 : i32 to vector<16xi32>
    %add3A_47 = arith.addi %rem3A_33, %add3A_46 : vector<16xi32>
    %select_n3A_48 = arith.select %and3A_45, %add3A_47, %rem3A_33 : vector<16xi1>, vector<16xi32>
    %shift_right_arithmetic3A_49 = arith.constant 1 : i32
    %shift_right_arithmetic3A_50 = vector.broadcast %shift_right_arithmetic3A_49 : i32 to vector<16xi32>
    %shift_right_arithmetic3A_51 = arith.shrsi %select_n3A_48, %shift_right_arithmetic3A_50 : vector<16xi32>
    %mul3A_52 = arith.constant 100000 : i32
    %mul3A_53 = vector.broadcast %mul3A_52 : i32 to vector<16xi32>
    %mul3A_54 = arith.muli %shift_right_arithmetic3A_51, %mul3A_53 : vector<16xi32>
    %add3A_55 = arith.constant 2 : i32
    %add3A_56 = vector.broadcast %add3A_55 : i32 to vector<16xi32>
    %add3A_57 = arith.addi %iota3A, %add3A_56 : vector<16xi32>
    %jit3A_58 = arith.constant 3 : i32
    %eq3A_59 = arith.constant 0 : i32
    %eq3A_60 = arith.cmpi eq, %jit3A_58, %eq3A_59 : i32
    %jit3A_61 = arith.constant 1 : i32
    %select_n3A_62 = arith.select %eq3A_60, %jit3A_61, %jit3A_58 : i32
    %rem3A_63 = vector.broadcast %select_n3A_62 : i32 to vector<16xi32>
    %rem3A_64 = arith.remsi %add3A_57, %rem3A_63 : vector<16xi32>
    %ne3A_65 = arith.constant 0 : i32
    %ne3A_66 = vector.broadcast %ne3A_65 : i32 to vector<16xi32>
    %ne3A_67 = arith.cmpi ne, %rem3A_64, %ne3A_66 : vector<16xi32>
    %lt3A_68 = arith.constant 0 : i32
    %lt3A_69 = vector.broadcast %lt3A_68 : i32 to vector<16xi32>
    %lt3A_70 = arith.cmpi slt, %rem3A_64, %lt3A_69 : vector<16xi32>
    %lt3A_71 = arith.constant 0 : i32
    %lt3A_72 = arith.cmpi slt, %select_n3A_62, %lt3A_71 : i32
    %ne3A_73 = vector.broadcast %lt3A_72 : i1 to vector<16xi1>
    %ne3A_74 = vector.broadcast %ne3A_73 : vector<16xi1> to vector<16xi1>
    %ne3A_75 = arith.xori %lt3A_70, %ne3A_74 : vector<16xi1>
    %and3A_76 = arith.andi %ne3A_75, %ne3A_67 : vector<16xi1>
    %add3A_77 = vector.broadcast %select_n3A_62 : i32 to vector<16xi32>
    %add3A_78 = arith.addi %rem3A_64, %add3A_77 : vector<16xi32>
    %select_n3A_79 = arith.select %and3A_76, %add3A_78, %rem3A_64 : vector<16xi1>, vector<16xi32>
    %shift_right_arithmetic3A_80 = arith.constant 1 : i32
    %shift_right_arithmetic3A_81 = vector.broadcast %shift_right_arithmetic3A_80 : i32 to vector<16xi32>
    %shift_right_arithmetic3A_82 = arith.shrsi %select_n3A_79, %shift_right_arithmetic3A_81 : vector<16xi32>
    %mul3A_83 = arith.constant 100000 : i32
    %mul3A_84 = vector.broadcast %mul3A_83 : i32 to vector<16xi32>
    %mul3A_85 = arith.muli %shift_right_arithmetic3A_82, %mul3A_84 : vector<16xi32>
    %scan3A = arith.constant 0 : i32
    %scan3A_86 = arith.constant 0 : i32
    %scan3A_87 = arith.constant 80 : i32
    %scan3A_88 = arith.addi %scan3A_86, %scan3A_87 : i32
    %scan3A_89 = arith.constant 1 : i32
    scf.for %scan3A_102 = %scan3A_86 to %scan3A_88 step %scan3A_89  : i32 {
      %broadcast_in_dim3A = arith.constant 0.000000e+00 : f32
      %broadcast_in_dim3A_103 = vector.broadcast %broadcast_in_dim3A : f32 to vector<16xf32>
      %swap3A = arith.index_cast %scan3A_102 : i32 to index
      %swap3A_104 = arith.constant 64 : index
      %swap3A_105 = tpu.vector_load %arg9[%swap3A, %swap3A_104] {strides = array<i32>} : memref<80x128xf32, #tpu.memory_space<vmem>>, vector<1x16xf32>,
      %swap3A_106 = vector.shape_cast %swap3A_105 : vector<1x16xf32> to vector<16xf32>
      %swap3A_107 = vector.shape_cast %broadcast_in_dim3A_103 : vector<16xf32> to vector<1x16xf32>
      tpu.vector_store %arg9[%swap3A, %swap3A_104], %swap3A_107 {strides = array<i32>} : memref<80x128xf32, #tpu.memory_space<vmem>>, vector<1x16xf32>,
      %broadcast_in_dim3A_108 = arith.constant 0.000000e+00 : f32
      %broadcast_in_dim3A_109 = vector.broadcast %broadcast_in_dim3A_108 : f32 to vector<16xf32>
      %swap3A_110 = arith.index_cast %scan3A_102 : i32 to index
      %swap3A_111 = arith.constant 64 : index
      %swap3A_112 = tpu.vector_load %arg10[%swap3A_110, %swap3A_111] {strides = array<i32>} : memref<80x128xf32, #tpu.memory_space<vmem>>, vector<1x16xf32>,
      %swap3A_113 = vector.shape_cast %swap3A_112 : vector<1x16xf32> to vector<16xf32>
      %swap3A_114 = vector.shape_cast %broadcast_in_dim3A_109 : vector<16xf32> to vector<1x16xf32>
      tpu.vector_store %arg10[%swap3A_110, %swap3A_111], %swap3A_114 {strides = array<i32>} : memref<80x128xf32, #tpu.memory_space<vmem>>, vector<1x16xf32>,
      %broadcast_in_dim3A_115 = arith.constant 0.000000e+00 : f32
      %broadcast_in_dim3A_116 = vector.broadcast %broadcast_in_dim3A_115 : f32 to vector<16xf32>
      %swap3A_117 = arith.index_cast %scan3A_102 : i32 to index
      %swap3A_118 = arith.constant 80 : index
      %swap3A_119 = tpu.vector_load %arg9[%swap3A_117, %swap3A_118] {strides = array<i32>} : memref<80x128xf32, #tpu.memory_space<vmem>>, vector<1x16xf32>,
      %swap3A_120 = vector.shape_cast %swap3A_119 : vector<1x16xf32> to vector<16xf32>
      %swap3A_121 = vector.shape_cast %broadcast_in_dim3A_116 : vector<16xf32> to vector<1x16xf32>
      tpu.vector_store %arg9[%swap3A_117, %swap3A_118], %swap3A_121 {strides = array<i32>} : memref<80x128xf32, #tpu.memory_space<vmem>>, vector<1x16xf32>,
      %broadcast_in_dim3A_122 = arith.constant 0.000000e+00 : f32
      %broadcast_in_dim3A_123 = vector.broadcast %broadcast_in_dim3A_122 : f32 to vector<16xf32>
      %swap3A_124 = arith.index_cast %scan3A_102 : i32 to index
      %swap3A_125 = arith.constant 80 : index
      %swap3A_126 = tpu.vector_load %arg10[%swap3A_124, %swap3A_125] {strides = array<i32>} : memref<80x128xf32, #tpu.memory_space<vmem>>, vector<1x16xf32>,
      %swap3A_127 = vector.shape_cast %swap3A_126 : vector<1x16xf32> to vector<16xf32>
      %swap3A_128 = vector.shape_cast %broadcast_in_dim3A_123 : vector<16xf32> to vector<1x16xf32>
      tpu.vector_store %arg10[%swap3A_124, %swap3A_125], %swap3A_128 {strides = array<i32>} : memref<80x128xf32, #tpu.memory_space<vmem>>, vector<1x16xf32>,
      %broadcast_in_dim3A_129 = arith.constant 0.000000e+00 : f32
      %broadcast_in_dim3A_130 = vector.broadcast %broadcast_in_dim3A_129 : f32 to vector<16xf32>
      %swap3A_131 = arith.index_cast %scan3A_102 : i32 to index
      %swap3A_132 = arith.constant 96 : index
      %swap3A_133 = tpu.vector_load %arg9[%swap3A_131, %swap3A_132] {strides = array<i32>} : memref<80x128xf32, #tpu.memory_space<vmem>>, vector<1x16xf32>,
      %swap3A_134 = vector.shape_cast %swap3A_133 : vector<1x16xf32> to vector<16xf32>
      %swap3A_135 = vector.shape_cast %broadcast_in_dim3A_130 : vector<16xf32> to vector<1x16xf32>
      tpu.vector_store %arg9[%swap3A_131, %swap3A_132], %swap3A_135 {strides = array<i32>} : memref<80x128xf32, #tpu.memory_space<vmem>>, vector<1x16xf32>,
      %broadcast_in_dim3A_136 = arith.constant 0.000000e+00 : f32
      %broadcast_in_dim3A_137 = vector.broadcast %broadcast_in_dim3A_136 : f32 to vector<16xf32>
      %swap3A_138 = arith.index_cast %scan3A_102 : i32 to index
      %swap3A_139 = arith.constant 96 : index
      %swap3A_140 = tpu.vector_load %arg10[%swap3A_138, %swap3A_139] {strides = array<i32>} : memref<80x128xf32, #tpu.memory_space<vmem>>, vector<1x16xf32>,
      %swap3A_141 = vector.shape_cast %swap3A_140 : vector<1x16xf32> to vector<16xf32>
      %swap3A_142 = vector.shape_cast %broadcast_in_dim3A_137 : vector<16xf32> to vector<1x16xf32>
      tpu.vector_store %arg10[%swap3A_138, %swap3A_139], %swap3A_142 {strides = array<i32>} : memref<80x128xf32, #tpu.memory_space<vmem>>, vector<1x16xf32>,
      %broadcast_in_dim3A_143 = arith.constant 0.000000e+00 : f32
      %broadcast_in_dim3A_144 = vector.broadcast %broadcast_in_dim3A_143 : f32 to vector<16xf32>
      %swap3A_145 = arith.index_cast %scan3A_102 : i32 to index
      %swap3A_146 = arith.constant 112 : index
      %swap3A_147 = tpu.vector_load %arg9[%swap3A_145, %swap3A_146] {strides = array<i32>} : memref<80x128xf32, #tpu.memory_space<vmem>>, vector<1x16xf32>,
      %swap3A_148 = vector.shape_cast %swap3A_147 : vector<1x16xf32> to vector<16xf32>
      %swap3A_149 = vector.shape_cast %broadcast_in_dim3A_144 : vector<16xf32> to vector<1x16xf32>
      tpu.vector_store %arg9[%swap3A_145, %swap3A_146], %swap3A_149 {strides = array<i32>} : memref<80x128xf32, #tpu.memory_space<vmem>>, vector<1x16xf32>,
      %broadcast_in_dim3A_150 = arith.constant 0.000000e+00 : f32
      %broadcast_in_dim3A_151 = vector.broadcast %broadcast_in_dim3A_150 : f32 to vector<16xf32>
      %swap3A_152 = arith.index_cast %scan3A_102 : i32 to index
      %swap3A_153 = arith.constant 112 : index
      %swap3A_154 = tpu.vector_load %arg10[%swap3A_152, %swap3A_153] {strides = array<i32>} : memref<80x128xf32, #tpu.memory_space<vmem>>, vector<1x16xf32>,
      %swap3A_155 = vector.shape_cast %swap3A_154 : vector<1x16xf32> to vector<16xf32>
      %swap3A_156 = vector.shape_cast %broadcast_in_dim3A_151 : vector<16xf32> to vector<1x16xf32>
      tpu.vector_store %arg10[%swap3A_152, %swap3A_153], %swap3A_156 {strides = array<i32>} : memref<80x128xf32, #tpu.memory_space<vmem>>, vector<1x16xf32>,
    }
    %scan3A_90 = arith.constant 80 : i32
    %add3A_91 = arith.constant 625 : i32
    %add3A_92 = arith.addi %add3A_91, %add3A : i32
    %lt3A_93 = arith.constant 1250 : i32
    %lt3A_94 = arith.cmpi slt, %add3A_92, %lt3A_93 : i32
    %convert_element_type3A = arith.extui %lt3A_94 : i1 to i32
    %cond3A = arith.constant 0 : i32
    %cond3A_95 = arith.cmpi ne, %convert_element_type3A, %cond3A : i32
    scf.if %cond3A_95 {
      %add3A_102 = arith.constant 625 : i32
      %add3A_103 = arith.addi %add3A_102, %add3A : i32
      %mul3A_104 = arith.constant 240 : i32
      %mul3A_105 = arith.muli %add3A_103, %mul3A_104 : i32
      "tpu.region"() ({
        %run_scoped3A = tpu.sem_alloc : memref<!tpu.dma_semaphore, #tpu.memory_space<semaphore_mem>>
        %dma_start3A_247 = arith.constant 0 : i32
        %dma_start3A_248 = tpu.memref_slice %arg5[%dma_start3A_247] : memref<240xi32, #tpu.memory_space<vmem>> -> memref<240xi32, #tpu.memory_space<vmem>>
        %dma_start3A_249 = tpu.memref_slice %arg3[%mul3A_105] : memref<300000xi32, #tpu.memory_space<hbm>> -> memref<240xi32, #tpu.memory_space<hbm>>
        %dma_start3A_250 = arith.constant 0 : i32
        %dma_start3A_251 = tpu.memref_slice %arg5[%dma_start3A_250] : memref<240xi32, #tpu.memory_space<vmem>> -> memref<240xi32, #tpu.memory_space<vmem>>
        %dma_start3A_252 = tpu.memref_slice %arg3[%mul3A_105] : memref<300000xi32, #tpu.memory_space<hbm>> -> memref<240xi32, #tpu.memory_space<hbm>>
        tpu.enqueue_dma source(%dma_start3A_252 : memref<240xi32, #tpu.memory_space<hbm>>) target(%dma_start3A_251 : memref<240xi32, #tpu.memory_space<vmem>>) target_semaphore(%run_scoped3A : memref<!tpu.dma_semaphore, #tpu.memory_space<semaphore_mem>>)
        %dma_wait3A = arith.constant 0 : i32
        %dma_wait3A_253 = tpu.memref_slice %arg5[%dma_wait3A] : memref<240xi32, #tpu.memory_space<vmem>> -> memref<240xi32, #tpu.memory_space<vmem>>
        %dma_wait3A_254 = tpu.memref_slice %arg3[%mul3A_105] : memref<300000xi32, #tpu.memory_space<hbm>> -> memref<240xi32, #tpu.memory_space<hbm>>
        %dma_wait3A_255 = arith.constant 0 : i32
        %dma_wait3A_256 = tpu.memref_slice %arg5[%dma_wait3A_255] : memref<240xi32, #tpu.memory_space<vmem>> -> memref<240xi32, #tpu.memory_space<vmem>>
        %dma_wait3A_257 = tpu.memref_slice %arg3[%mul3A_105] : memref<300000xi32, #tpu.memory_space<hbm>> -> memref<240xi32, #tpu.memory_space<hbm>>
        tpu.wait_dma2 semaphore(%run_scoped3A : memref<!tpu.dma_semaphore, #tpu.memory_space<semaphore_mem>>) src(%dma_wait3A_257 : memref<240xi32, #tpu.memory_space<hbm>>) dst(%dma_wait3A_256 : memref<240xi32, #tpu.memory_space<vmem>>)
        tpu.yield
      }) : () -> ()
      %get3A = arith.constant 0 : index
      %get3A_106 = tpu.vector_load %arg5[%get3A] {strides = array<i32>} : memref<240xi32, #tpu.memory_space<vmem>>, vector<16xi32>,
      %get3A_107 = vector.shape_cast %get3A_106 : vector<16xi32> to vector<16xi32>
      %add3A_108 = arith.addi %get3A_107, %mul3A_23 : vector<16xi32>
      %swap3A = arith.constant 0 : index
      %swap3A_109 = tpu.vector_load %arg5[%swap3A] {strides = array<i32>} : memref<240xi32, #tpu.memory_space<vmem>>, vector<16xi32>,
      %swap3A_110 = vector.shape_cast %swap3A_109 : vector<16xi32> to vector<16xi32>
      %swap3A_111 = vector.shape_cast %add3A_108 : vector<16xi32> to vector<16xi32>
      tpu.vector_store %arg5[%swap3A], %swap3A_111 {strides = array<i32>} : memref<240xi32, #tpu.memory_space<vmem>>, vector<16xi32>,
      %get3A_112 = arith.constant 16 : index
      %get3A_113 = tpu.vector_load %arg5[%get3A_112] {strides = array<i32>} : memref<240xi32, #tpu.memory_space<vmem>>, vector<16xi32>,
      %get3A_114 = vector.shape_cast %get3A_113 : vector<16xi32> to vector<16xi32>
      %add3A_115 = arith.addi %get3A_114, %mul3A_54 : vector<16xi32>
      %swap3A_116 = arith.constant 16 : index
      %swap3A_117 = tpu.vector_load %arg5[%swap3A_116] {strides = array<i32>} : memref<240xi32, #tpu.memory_space<vmem>>, vector<16xi32>,
      %swap3A_118 = vector.shape_cast %swap3A_117 : vector<16xi32> to vector<16xi32>
      %swap3A_119 = vector.shape_cast %add3A_115 : vector<16xi32> to vector<16xi32>
      tpu.vector_store %arg5[%swap3A_116], %swap3A_119 {strides = array<i32>} : memref<240xi32, #tpu.memory_space<vmem>>, vector<16xi32>,
      %get3A_120 = arith.constant 32 : index
      %get3A_121 = tpu.vector_load %arg5[%get3A_120] {strides = array<i32>} : memref<240xi32, #tpu.memory_space<vmem>>, vector<16xi32>,
      %get3A_122 = vector.shape_cast %get3A_121 : vector<16xi32> to vector<16xi32>
      %add3A_123 = arith.addi %get3A_122, %mul3A_85 : vector<16xi32>
      %swap3A_124 = arith.constant 32 : index
      %swap3A_125 = tpu.vector_load %arg5[%swap3A_124] {strides = array<i32>} : memref<240xi32, #tpu.memory_space<vmem>>, vector<16xi32>,
      %swap3A_126 = vector.shape_cast %swap3A_125 : vector<16xi32> to vector<16xi32>
      %swap3A_127 = vector.shape_cast %add3A_123 : vector<16xi32> to vector<16xi32>
      tpu.vector_store %arg5[%swap3A_124], %swap3A_127 {strides = array<i32>} : memref<240xi32, #tpu.memory_space<vmem>>, vector<16xi32>,
      %get3A_128 = arith.constant 48 : index
      %get3A_129 = tpu.vector_load %arg5[%get3A_128] {strides = array<i32>} : memref<240xi32, #tpu.memory_space<vmem>>, vector<16xi32>,
      %get3A_130 = vector.shape_cast %get3A_129 : vector<16xi32> to vector<16xi32>
      %add3A_131 = arith.addi %get3A_130, %mul3A_23 : vector<16xi32>
      %swap3A_132 = arith.constant 48 : index
      %swap3A_133 = tpu.vector_load %arg5[%swap3A_132] {strides = array<i32>} : memref<240xi32, #tpu.memory_space<vmem>>, vector<16xi32>,
      %swap3A_134 = vector.shape_cast %swap3A_133 : vector<16xi32> to vector<16xi32>
      %swap3A_135 = vector.shape_cast %add3A_131 : vector<16xi32> to vector<16xi32>
      tpu.vector_store %arg5[%swap3A_132], %swap3A_135 {strides = array<i32>} : memref<240xi32, #tpu.memory_space<vmem>>, vector<16xi32>,
      %get3A_136 = arith.constant 64 : index
      %get3A_137 = tpu.vector_load %arg5[%get3A_136] {strides = array<i32>} : memref<240xi32, #tpu.memory_space<vmem>>, vector<16xi32>,
      %get3A_138 = vector.shape_cast %get3A_137 : vector<16xi32> to vector<16xi32>
      %add3A_139 = arith.addi %get3A_138, %mul3A_54 : vector<16xi32>
      %swap3A_140 = arith.constant 64 : index
      %swap3A_141 = tpu.vector_load %arg5[%swap3A_140] {strides = array<i32>} : memref<240xi32, #tpu.memory_space<vmem>>, vector<16xi32>,
      %swap3A_142 = vector.shape_cast %swap3A_141 : vector<16xi32> to vector<16xi32>
      %swap3A_143 = vector.shape_cast %add3A_139 : vector<16xi32> to vector<16xi32>
      tpu.vector_store %arg5[%swap3A_140], %swap3A_143 {strides = array<i32>} : memref<240xi32, #tpu.memory_space<vmem>>, vector<16xi32>,
      %get3A_144 = arith.constant 80 : index
      %get3A_145 = tpu.vector_load %arg5[%get3A_144] {strides = array<i32>} : memref<240xi32, #tpu.memory_space<vmem>>, vector<16xi32>,
      %get3A_146 = vector.shape_cast %get3A_145 : vector<16xi32> to vector<16xi32>
      %add3A_147 = arith.addi %get3A_146, %mul3A_85 : vector<16xi32>
      %swap3A_148 = arith.constant 80 : index
      %swap3A_149 = tpu.vector_load %arg5[%swap3A_148] {strides = array<i32>} : memref<240xi32, #tpu.memory_space<vmem>>, vector<16xi32>,
      %swap3A_150 = vector.shape_cast %swap3A_149 : vector<16xi32> to vector<16xi32>
      %swap3A_151 = vector.shape_cast %add3A_147 : vector<16xi32> to vector<16xi32>
      tpu.vector_store %arg5[%swap3A_148], %swap3A_151 {strides = array<i32>} : memref<240xi32, #tpu.memory_space<vmem>>, vector<16xi32>,
      %get3A_152 = arith.constant 96 : index
      %get3A_153 = tpu.vector_load %arg5[%get3A_152] {strides = array<i32>} : memref<240xi32, #tpu.memory_space<vmem>>, vector<16xi32>,
      %get3A_154 = vector.shape_cast %get3A_153 : vector<16xi32> to vector<16xi32>
      %add3A_155 = arith.addi %get3A_154, %mul3A_23 : vector<16xi32>
      %swap3A_156 = arith.constant 96 : index
      %swap3A_157 = tpu.vector_load %arg5[%swap3A_156] {strides = array<i32>} : memref<240xi32, #tpu.memory_space<vmem>>, vector<16xi32>,
      %swap3A_158 = vector.shape_cast %swap3A_157 : vector<16xi32> to vector<16xi32>
      %swap3A_159 = vector.shape_cast %add3A_155 : vector<16xi32> to vector<16xi32>
      tpu.vector_store %arg5[%swap3A_156], %swap3A_159 {strides = array<i32>} : memref<240xi32, #tpu.memory_space<vmem>>, vector<16xi32>,
      %get3A_160 = arith.constant 112 : index
      %get3A_161 = tpu.vector_load %arg5[%get3A_160] {strides = array<i32>} : memref<240xi32, #tpu.memory_space<vmem>>, vector<16xi32>,
      %get3A_162 = vector.shape_cast %get3A_161 : vector<16xi32> to vector<16xi32>
      %add3A_163 = arith.addi %get3A_162, %mul3A_54 : vector<16xi32>
      %swap3A_164 = arith.constant 112 : index
      %swap3A_165 = tpu.vector_load %arg5[%swap3A_164] {strides = array<i32>} : memref<240xi32, #tpu.memory_space<vmem>>, vector<16xi32>,
      %swap3A_166 = vector.shape_cast %swap3A_165 : vector<16xi32> to vector<16xi32>
      %swap3A_167 = vector.shape_cast %add3A_163 : vector<16xi32> to vector<16xi32>
      tpu.vector_store %arg5[%swap3A_164], %swap3A_167 {strides = array<i32>} : memref<240xi32, #tpu.memory_space<vmem>>, vector<16xi32>,
      %get3A_168 = arith.constant 128 : index
      %get3A_169 = tpu.vector_load %arg5[%get3A_168] {strides = array<i32>} : memref<240xi32, #tpu.memory_space<vmem>>, vector<16xi32>,
      %get3A_170 = vector.shape_cast %get3A_169 : vector<16xi32> to vector<16xi32>
      %add3A_171 = arith.addi %get3A_170, %mul3A_85 : vector<16xi32>
      %swap3A_172 = arith.constant 128 : index
      %swap3A_173 = tpu.vector_load %arg5[%swap3A_172] {strides = array<i32>} : memref<240xi32, #tpu.memory_space<vmem>>, vector<16xi32>,
      %swap3A_174 = vector.shape_cast %swap3A_173 : vector<16xi32> to vector<16xi32>
      %swap3A_175 = vector.shape_cast %add3A_171 : vector<16xi32> to vector<16xi32>
      tpu.vector_store %arg5[%swap3A_172], %swap3A_175 {strides = array<i32>} : memref<240xi32, #tpu.memory_space<vmem>>, vector<16xi32>,
      %get3A_176 = arith.constant 144 : index
      %get3A_177 = tpu.vector_load %arg5[%get3A_176] {strides = array<i32>} : memref<240xi32, #tpu.memory_space<vmem>>, vector<16xi32>,
      %get3A_178 = vector.shape_cast %get3A_177 : vector<16xi32> to vector<16xi32>
      %add3A_179 = arith.addi %get3A_178, %mul3A_23 : vector<16xi32>
      %swap3A_180 = arith.constant 144 : index
      %swap3A_181 = tpu.vector_load %arg5[%swap3A_180] {strides = array<i32>} : memref<240xi32, #tpu.memory_space<vmem>>, vector<16xi32>,
      %swap3A_182 = vector.shape_cast %swap3A_181 : vector<16xi32> to vector<16xi32>
      %swap3A_183 = vector.shape_cast %add3A_179 : vector<16xi32> to vector<16xi32>
      tpu.vector_store %arg5[%swap3A_180], %swap3A_183 {strides = array<i32>} : memref<240xi32, #tpu.memory_space<vmem>>, vector<16xi32>,
      %get3A_184 = arith.constant 160 : index
      %get3A_185 = tpu.vector_load %arg5[%get3A_184] {strides = array<i32>} : memref<240xi32, #tpu.memory_space<vmem>>, vector<16xi32>,
      %get3A_186 = vector.shape_cast %get3A_185 : vector<16xi32> to vector<16xi32>
      %add3A_187 = arith.addi %get3A_186, %mul3A_54 : vector<16xi32>
      %swap3A_188 = arith.constant 160 : index
      %swap3A_189 = tpu.vector_load %arg5[%swap3A_188] {strides = array<i32>} : memref<240xi32, #tpu.memory_space<vmem>>, vector<16xi32>,
      %swap3A_190 = vector.shape_cast %swap3A_189 : vector<16xi32> to vector<16xi32>
      %swap3A_191 = vector.shape_cast %add3A_187 : vector<16xi32> to vector<16xi32>
      tpu.vector_store %arg5[%swap3A_188], %swap3A_191 {strides = array<i32>} : memref<240xi32, #tpu.memory_space<vmem>>, vector<16xi32>,
      %get3A_192 = arith.constant 176 : index
      %get3A_193 = tpu.vector_load %arg5[%get3A_192] {strides = array<i32>} : memref<240xi32, #tpu.memory_space<vmem>>, vector<16xi32>,
      %get3A_194 = vector.shape_cast %get3A_193 : vector<16xi32> to vector<16xi32>
      %add3A_195 = arith.addi %get3A_194, %mul3A_85 : vector<16xi32>
      %swap3A_196 = arith.constant 176 : index
      %swap3A_197 = tpu.vector_load %arg5[%swap3A_196] {strides = array<i32>} : memref<240xi32, #tpu.memory_space<vmem>>, vector<16xi32>,
      %swap3A_198 = vector.shape_cast %swap3A_197 : vector<16xi32> to vector<16xi32>
      %swap3A_199 = vector.shape_cast %add3A_195 : vector<16xi32> to vector<16xi32>
      tpu.vector_store %arg5[%swap3A_196], %swap3A_199 {strides = array<i32>} : memref<240xi32, #tpu.memory_space<vmem>>, vector<16xi32>,
      %get3A_200 = arith.constant 192 : index
      %get3A_201 = tpu.vector_load %arg5[%get3A_200] {strides = array<i32>} : memref<240xi32, #tpu.memory_space<vmem>>, vector<16xi32>,
      %get3A_202 = vector.shape_cast %get3A_201 : vector<16xi32> to vector<16xi32>
      %add3A_203 = arith.addi %get3A_202, %mul3A_23 : vector<16xi32>
      %swap3A_204 = arith.constant 192 : index
      %swap3A_205 = tpu.vector_load %arg5[%swap3A_204] {strides = array<i32>} : memref<240xi32, #tpu.memory_space<vmem>>, vector<16xi32>,
      %swap3A_206 = vector.shape_cast %swap3A_205 : vector<16xi32> to vector<16xi32>
      %swap3A_207 = vector.shape_cast %add3A_203 : vector<16xi32> to vector<16xi32>
      tpu.vector_store %arg5[%swap3A_204], %swap3A_207 {strides = array<i32>} : memref<240xi32, #tpu.memory_space<vmem>>, vector<16xi32>,
      %get3A_208 = arith.constant 208 : index
      %get3A_209 = tpu.vector_load %arg5[%get3A_208] {strides = array<i32>} : memref<240xi32, #tpu.memory_space<vmem>>, vector<16xi32>,
      %get3A_210 = vector.shape_cast %get3A_209 : vector<16xi32> to vector<16xi32>
      %add3A_211 = arith.addi %get3A_210, %mul3A_54 : vector<16xi32>
      %swap3A_212 = arith.constant 208 : index
      %swap3A_213 = tpu.vector_load %arg5[%swap3A_212] {strides = array<i32>} : memref<240xi32, #tpu.memory_space<vmem>>, vector<16xi32>,
      %swap3A_214 = vector.shape_cast %swap3A_213 : vector<16xi32> to vector<16xi32>
      %swap3A_215 = vector.shape_cast %add3A_211 : vector<16xi32> to vector<16xi32>
      tpu.vector_store %arg5[%swap3A_212], %swap3A_215 {strides = array<i32>} : memref<240xi32, #tpu.memory_space<vmem>>, vector<16xi32>,
      %get3A_216 = arith.constant 224 : index
      %get3A_217 = tpu.vector_load %arg5[%get3A_216] {strides = array<i32>} : memref<240xi32, #tpu.memory_space<vmem>>, vector<16xi32>,
      %get3A_218 = vector.shape_cast %get3A_217 : vector<16xi32> to vector<16xi32>
      %add3A_219 = arith.addi %get3A_218, %mul3A_85 : vector<16xi32>
      %swap3A_220 = arith.constant 224 : index
      %swap3A_221 = tpu.vector_load %arg5[%swap3A_220] {strides = array<i32>} : memref<240xi32, #tpu.memory_space<vmem>>, vector<16xi32>,
      %swap3A_222 = vector.shape_cast %swap3A_221 : vector<16xi32> to vector<16xi32>
      %swap3A_223 = vector.shape_cast %add3A_219 : vector<16xi32> to vector<16xi32>
      tpu.vector_store %arg5[%swap3A_220], %swap3A_223 {strides = array<i32>} : memref<240xi32, #tpu.memory_space<vmem>>, vector<16xi32>,
      %dma_start3A = arith.constant 0 : i32
      %dma_start3A_224 = arith.constant 0 : i32
      %dma_start3A_225 = tpu.memref_slice %arg7[%dma_start3A, %dma_start3A_224] : memref<240x128xf32, #tpu.memory_space<vmem>> -> memref<80x128xf32, #tpu.memory_space<vmem>>
      %dma_start3A_226 = arith.constant 0 : i32
      %dma_start3A_227 = tpu.memref_slice %arg5[%dma_start3A_226] : memref<240xi32, #tpu.memory_space<vmem>> -> memref<80xi32, #tpu.memory_space<vmem>>
      %dma_start3A_228 = arith.constant 0 : i32
      %dma_start3A_229 = arith.constant 0 : i32
      %dma_start3A_230 = tpu.memref_slice %arg2[%dma_start3A_228, %dma_start3A_229] : memref<200000x128xf32, #tpu.memory_space<hbm>> -> memref<200000x128xf32, #tpu.memory_space<hbm>>
      tpu.enqueue_indirect_dma source(%dma_start3A_230 : memref<200000x128xf32, #tpu.memory_space<hbm>>) target(%dma_start3A_225 : memref<80x128xf32, #tpu.memory_space<vmem>>) offsets(%dma_start3A_227 : memref<80xi32, #tpu.memory_space<vmem>>) semaphore(%arg11 : memref<!tpu.dma_semaphore, #tpu.memory_space<semaphore_mem>>)
      %dma_start3A_231 = arith.constant 80 : i32
      %dma_start3A_232 = arith.constant 0 : i32
      %dma_start3A_233 = tpu.memref_slice %arg7[%dma_start3A_231, %dma_start3A_232] : memref<240x128xf32, #tpu.memory_space<vmem>> -> memref<80x128xf32, #tpu.memory_space<vmem>>
      %dma_start3A_234 = arith.constant 80 : i32
      %dma_start3A_235 = tpu.memref_slice %arg5[%dma_start3A_234] : memref<240xi32, #tpu.memory_space<vmem>> -> memref<80xi32, #tpu.memory_space<vmem>>
      %dma_start3A_236 = arith.constant 0 : i32
      %dma_start3A_237 = arith.constant 0 : i32
      %dma_start3A_238 = tpu.memref_slice %arg2[%dma_start3A_236, %dma_start3A_237] : memref<200000x128xf32, #tpu.memory_space<hbm>> -> memref<200000x128xf32, #tpu.memory_space<hbm>>
      tpu.enqueue_indirect_dma source(%dma_start3A_238 : memref<200000x128xf32, #tpu.memory_space<hbm>>) target(%dma_start3A_233 : memref<80x128xf32, #tpu.memory_space<vmem>>) offsets(%dma_start3A_235 : memref<80xi32, #tpu.memory_space<vmem>>) semaphore(%arg11 : memref<!tpu.dma_semaphore, #tpu.memory_space<semaphore_mem>>)
      %dma_start3A_239 = arith.constant 160 : i32
      %dma_start3A_240 = arith.constant 0 : i32
      %dma_start3A_241 = tpu.memref_slice %arg7[%dma_start3A_239, %dma_start3A_240] : memref<240x128xf32, #tpu.memory_space<vmem>> -> memref<80x128xf32, #tpu.memory_space<vmem>>
      %dma_start3A_242 = arith.constant 160 : i32
      %dma_start3A_243 = tpu.memref_slice %arg5[%dma_start3A_242] : memref<240xi32, #tpu.memory_space<vmem>> -> memref<80xi32, #tpu.memory_space<vmem>>
      %dma_start3A_244 = arith.constant 0 : i32
      %dma_start3A_245 = arith.constant 0 : i32
      %dma_start3A_246 = tpu.memref_slice %arg2[%dma_start3A_244, %dma_start3A_245] : memref<200000x128xf32, #tpu.memory_space<hbm>> -> memref<200000x128xf32, #tpu.memory_space<hbm>>
      tpu.enqueue_indirect_dma source(%dma_start3A_246 : memref<200000x128xf32, #tpu.memory_space<hbm>>) target(%dma_start3A_241 : memref<80x128xf32, #tpu.memory_space<vmem>>) offsets(%dma_start3A_243 : memref<80xi32, #tpu.memory_space<vmem>>) semaphore(%arg11 : memref<!tpu.dma_semaphore, #tpu.memory_space<semaphore_mem>>)
    } else {
    }
    %scan3A_96 = arith.constant 0 : i32
    %scan3A_97 = arith.constant 0 : i32
    %scan3A_98 = arith.constant 11 : i32
    %scan3A_99 = arith.addi %scan3A_97, %scan3A_98 : i32
    %scan3A_100 = arith.constant 1 : i32
    scf.for %scan3A_102 = %scan3A_97 to %scan3A_99 step %scan3A_100  : i32 {
      %mul3A_103 = arith.constant 2 : i32
      %mul3A_104 = arith.muli %mul3A_103, %scan3A_102 : i32
      %add3A_105 = arith.constant 625 : i32
      %add3A_106 = arith.addi %add3A_105, %add3A : i32
      %mul3A_107 = arith.constant 32 : i32
      %mul3A_108 = arith.muli %mul3A_104, %mul3A_107 : i32
      %add3A_109 = arith.addi %add3A_106, %mul3A_108 : i32
      %add3A_110 = arith.constant 32 : i32
      %add3A_111 = arith.addi %add3A_109, %add3A_110 : i32
      %sub3A = arith.constant 64 : i32
      %sub3A_112 = arith.subi %add3A_109, %sub3A : i32
      %lt3A_113 = arith.constant 1250 : i32
      %lt3A_114 = arith.cmpi slt, %add3A_111, %lt3A_113 : i32
      %convert_element_type3A_115 = arith.extui %lt3A_114 : i1 to i32
      %cond3A_116 = arith.constant 0 : i32
      %cond3A_117 = arith.cmpi ne, %convert_element_type3A_115, %cond3A_116 : i32
      scf.if %cond3A_117 {
        %mul3A_161 = arith.constant 240 : i32
        %mul3A_162 = arith.muli %add3A_111, %mul3A_161 : i32
        "tpu.region"() ({
          %run_scoped3A = tpu.sem_alloc : memref<!tpu.dma_semaphore, #tpu.memory_space<semaphore_mem>>
          %dma_start3A_304 = arith.constant 0 : i32
          %dma_start3A_305 = tpu.memref_slice %arg6[%dma_start3A_304] : memref<240xi32, #tpu.memory_space<vmem>> -> memref<240xi32, #tpu.memory_space<vmem>>
          %dma_start3A_306 = tpu.memref_slice %arg3[%mul3A_162] : memref<300000xi32, #tpu.memory_space<hbm>> -> memref<240xi32, #tpu.memory_space<hbm>>
          %dma_start3A_307 = arith.constant 0 : i32
          %dma_start3A_308 = tpu.memref_slice %arg6[%dma_start3A_307] : memref<240xi32, #tpu.memory_space<vmem>> -> memref<240xi32, #tpu.memory_space<vmem>>
          %dma_start3A_309 = tpu.memref_slice %arg3[%mul3A_162] : memref<300000xi32, #tpu.memory_space<hbm>> -> memref<240xi32, #tpu.memory_space<hbm>>
          tpu.enqueue_dma source(%dma_start3A_309 : memref<240xi32, #tpu.memory_space<hbm>>) target(%dma_start3A_308 : memref<240xi32, #tpu.memory_space<vmem>>) target_semaphore(%run_scoped3A : memref<!tpu.dma_semaphore, #tpu.memory_space<semaphore_mem>>)
          %dma_wait3A = arith.constant 0 : i32
          %dma_wait3A_310 = tpu.memref_slice %arg6[%dma_wait3A] : memref<240xi32, #tpu.memory_space<vmem>> -> memref<240xi32, #tpu.memory_space<vmem>>
          %dma_wait3A_311 = tpu.memref_slice %arg3[%mul3A_162] : memref<300000xi32, #tpu.memory_space<hbm>> -> memref<240xi32, #tpu.memory_space<hbm>>
          %dma_wait3A_312 = arith.constant 0 : i32
          %dma_wait3A_313 = tpu.memref_slice %arg6[%dma_wait3A_312] : memref<240xi32, #tpu.memory_space<vmem>> -> memref<240xi32, #tpu.memory_space<vmem>>
          %dma_wait3A_314 = tpu.memref_slice %arg3[%mul3A_162] : memref<300000xi32, #tpu.memory_space<hbm>> -> memref<240xi32, #tpu.memory_space<hbm>>
          tpu.wait_dma2 semaphore(%run_scoped3A : memref<!tpu.dma_semaphore, #tpu.memory_space<semaphore_mem>>) src(%dma_wait3A_314 : memref<240xi32, #tpu.memory_space<hbm>>) dst(%dma_wait3A_313 : memref<240xi32, #tpu.memory_space<vmem>>)
          tpu.yield
        }) : () -> ()
        %get3A = arith.constant 0 : index
        %get3A_163 = tpu.vector_load %arg6[%get3A] {strides = array<i32>} : memref<240xi32, #tpu.memory_space<vmem>>, vector<16xi32>,
        %get3A_164 = vector.shape_cast %get3A_163 : vector<16xi32> to vector<16xi32>
        %add3A_165 = arith.addi %get3A_164, %mul3A_23 : vector<16xi32>
        %swap3A = arith.constant 0 : index
        %swap3A_166 = tpu.vector_load %arg6[%swap3A] {strides = array<i32>} : memref<240xi32, #tpu.memory_space<vmem>>, vector<16xi32>,
        %swap3A_167 = vector.shape_cast %swap3A_166 : vector<16xi32> to vector<16xi32>
        %swap3A_168 = vector.shape_cast %add3A_165 : vector<16xi32> to vector<16xi32>
        tpu.vector_store %arg6[%swap3A], %swap3A_168 {strides = array<i32>} : memref<240xi32, #tpu.memory_space<vmem>>, vector<16xi32>,
        %get3A_169 = arith.constant 16 : index
        %get3A_170 = tpu.vector_load %arg6[%get3A_169] {strides = array<i32>} : memref<240xi32, #tpu.memory_space<vmem>>, vector<16xi32>,
        %get3A_171 = vector.shape_cast %get3A_170 : vector<16xi32> to vector<16xi32>
        %add3A_172 = arith.addi %get3A_171, %mul3A_54 : vector<16xi32>
        %swap3A_173 = arith.constant 16 : index
        %swap3A_174 = tpu.vector_load %arg6[%swap3A_173] {strides = array<i32>} : memref<240xi32, #tpu.memory_space<vmem>>, vector<16xi32>,
        %swap3A_175 = vector.shape_cast %swap3A_174 : vector<16xi32> to vector<16xi32>
        %swap3A_176 = vector.shape_cast %add3A_172 : vector<16xi32> to vector<16xi32>
        tpu.vector_store %arg6[%swap3A_173], %swap3A_176 {strides = array<i32>} : memref<240xi32, #tpu.memory_space<vmem>>, vector<16xi32>,
        %get3A_177 = arith.constant 32 : index
        %get3A_178 = tpu.vector_load %arg6[%get3A_177] {strides = array<i32>} : memref<240xi32, #tpu.memory_space<vmem>>, vector<16xi32>,
        %get3A_179 = vector.shape_cast %get3A_178 : vector<16xi32> to vector<16xi32>
        %add3A_180 = arith.addi %get3A_179, %mul3A_85 : vector<16xi32>
        %swap3A_181 = arith.constant 32 : index
        %swap3A_182 = tpu.vector_load %arg6[%swap3A_181] {strides = array<i32>} : memref<240xi32, #tpu.memory_space<vmem>>, vector<16xi32>,
        %swap3A_183 = vector.shape_cast %swap3A_182 : vector<16xi32> to vector<16xi32>
        %swap3A_184 = vector.shape_cast %add3A_180 : vector<16xi32> to vector<16xi32>
        tpu.vector_store %arg6[%swap3A_181], %swap3A_184 {strides = array<i32>} : memref<240xi32, #tpu.memory_space<vmem>>, vector<16xi32>,
        %get3A_185 = arith.constant 48 : index
        %get3A_186 = tpu.vector_load %arg6[%get3A_185] {strides = array<i32>} : memref<240xi32, #tpu.memory_space<vmem>>, vector<16xi32>,
        %get3A_187 = vector.shape_cast %get3A_186 : vector<16xi32> to vector<16xi32>
        %add3A_188 = arith.addi %get3A_187, %mul3A_23 : vector<16xi32>
        %swap3A_189 = arith.constant 48 : index
        %swap3A_190 = tpu.vector_load %arg6[%swap3A_189] {strides = array<i32>} : memref<240xi32, #tpu.memory_space<vmem>>, vector<16xi32>,
        %swap3A_191 = vector.shape_cast %swap3A_190 : vector<16xi32> to vector<16xi32>
        %swap3A_192 = vector.shape_cast %add3A_188 : vector<16xi32> to vector<16xi32>
        tpu.vector_store %arg6[%swap3A_189], %swap3A_192 {strides = array<i32>} : memref<240xi32, #tpu.memory_space<vmem>>, vector<16xi32>,
        %get3A_193 = arith.constant 64 : index
        %get3A_194 = tpu.vector_load %arg6[%get3A_193] {strides = array<i32>} : memref<240xi32, #tpu.memory_space<vmem>>, vector<16xi32>,
        %get3A_195 = vector.shape_cast %get3A_194 : vector<16xi32> to vector<16xi32>
        %add3A_196 = arith.addi %get3A_195, %mul3A_54 : vector<16xi32>
        %swap3A_197 = arith.constant 64 : index
        %swap3A_198 = tpu.vector_load %arg6[%swap3A_197] {strides = array<i32>} : memref<240xi32, #tpu.memory_space<vmem>>, vector<16xi32>,
        %swap3A_199 = vector.shape_cast %swap3A_198 : vector<16xi32> to vector<16xi32>
        %swap3A_200 = vector.shape_cast %add3A_196 : vector<16xi32> to vector<16xi32>
        tpu.vector_store %arg6[%swap3A_197], %swap3A_200 {strides = array<i32>} : memref<240xi32, #tpu.memory_space<vmem>>, vector<16xi32>,
        %get3A_201 = arith.constant 80 : index
        %get3A_202 = tpu.vector_load %arg6[%get3A_201] {strides = array<i32>} : memref<240xi32, #tpu.memory_space<vmem>>, vector<16xi32>,
        %get3A_203 = vector.shape_cast %get3A_202 : vector<16xi32> to vector<16xi32>
        %add3A_204 = arith.addi %get3A_203, %mul3A_85 : vector<16xi32>
        %swap3A_205 = arith.constant 80 : index
        %swap3A_206 = tpu.vector_load %arg6[%swap3A_205] {strides = array<i32>} : memref<240xi32, #tpu.memory_space<vmem>>, vector<16xi32>,
        %swap3A_207 = vector.shape_cast %swap3A_206 : vector<16xi32> to vector<16xi32>
        %swap3A_208 = vector.shape_cast %add3A_204 : vector<16xi32> to vector<16xi32>
        tpu.vector_store %arg6[%swap3A_205], %swap3A_208 {strides = array<i32>} : memref<240xi32, #tpu.memory_space<vmem>>, vector<16xi32>,
        %get3A_209 = arith.constant 96 : index
        %get3A_210 = tpu.vector_load %arg6[%get3A_209] {strides = array<i32>} : memref<240xi32, #tpu.memory_space<vmem>>, vector<16xi32>,
        %get3A_211 = vector.shape_cast %get3A_210 : vector<16xi32> to vector<16xi32>
        %add3A_212 = arith.addi %get3A_211, %mul3A_23 : vector<16xi32>
        %swap3A_213 = arith.constant 96 : index
        %swap3A_214 = tpu.vector_load %arg6[%swap3A_213] {strides = array<i32>} : memref<240xi32, #tpu.memory_space<vmem>>, vector<16xi32>,
        %swap3A_215 = vector.shape_cast %swap3A_214 : vector<16xi32> to vector<16xi32>
        %swap3A_216 = vector.shape_cast %add3A_212 : vector<16xi32> to vector<16xi32>
        tpu.vector_store %arg6[%swap3A_213], %swap3A_216 {strides = array<i32>} : memref<240xi32, #tpu.memory_space<vmem>>, vector<16xi32>,
        %get3A_217 = arith.constant 112 : index
        %get3A_218 = tpu.vector_load %arg6[%get3A_217] {strides = array<i32>} : memref<240xi32, #tpu.memory_space<vmem>>, vector<16xi32>,
        %get3A_219 = vector.shape_cast %get3A_218 : vector<16xi32> to vector<16xi32>
        %add3A_220 = arith.addi %get3A_219, %mul3A_54 : vector<16xi32>
        %swap3A_221 = arith.constant 112 : index
        %swap3A_222 = tpu.vector_load %arg6[%swap3A_221] {strides = array<i32>} : memref<240xi32, #tpu.memory_space<vmem>>, vector<16xi32>,
        %swap3A_223 = vector.shape_cast %swap3A_222 : vector<16xi32> to vector<16xi32>
        %swap3A_224 = vector.shape_cast %add3A_220 : vector<16xi32> to vector<16xi32>
        tpu.vector_store %arg6[%swap3A_221], %swap3A_224 {strides = array<i32>} : memref<240xi32, #tpu.memory_space<vmem>>, vector<16xi32>,
        %get3A_225 = arith.constant 128 : index
        %get3A_226 = tpu.vector_load %arg6[%get3A_225] {strides = array<i32>} : memref<240xi32, #tpu.memory_space<vmem>>, vector<16xi32>,
        %get3A_227 = vector.shape_cast %get3A_226 : vector<16xi32> to vector<16xi32>
        %add3A_228 = arith.addi %get3A_227, %mul3A_85 : vector<16xi32>
        %swap3A_229 = arith.constant 128 : index
        %swap3A_230 = tpu.vector_load %arg6[%swap3A_229] {strides = array<i32>} : memref<240xi32, #tpu.memory_space<vmem>>, vector<16xi32>,
        %swap3A_231 = vector.shape_cast %swap3A_230 : vector<16xi32> to vector<16xi32>
        %swap3A_232 = vector.shape_cast %add3A_228 : vector<16xi32> to vector<16xi32>
        tpu.vector_store %arg6[%swap3A_229], %swap3A_232 {strides = array<i32>} : memref<240xi32, #tpu.memory_space<vmem>>, vector<16xi32>,
        %get3A_233 = arith.constant 144 : index
        %get3A_234 = tpu.vector_load %arg6[%get3A_233] {strides = array<i32>} : memref<240xi32, #tpu.memory_space<vmem>>, vector<16xi32>,
        %get3A_235 = vector.shape_cast %get3A_234 : vector<16xi32> to vector<16xi32>
        %add3A_236 = arith.addi %get3A_235, %mul3A_23 : vector<16xi32>
        %swap3A_237 = arith.constant 144 : index
        %swap3A_238 = tpu.vector_load %arg6[%swap3A_237] {strides = array<i32>} : memref<240xi32, #tpu.memory_space<vmem>>, vector<16xi32>,
        %swap3A_239 = vector.shape_cast %swap3A_238 : vector<16xi32> to vector<16xi32>
        %swap3A_240 = vector.shape_cast %add3A_236 : vector<16xi32> to vector<16xi32>
        tpu.vector_store %arg6[%swap3A_237], %swap3A_240 {strides = array<i32>} : memref<240xi32, #tpu.memory_space<vmem>>, vector<16xi32>,
        %get3A_241 = arith.constant 160 : index
        %get3A_242 = tpu.vector_load %arg6[%get3A_241] {strides = array<i32>} : memref<240xi32, #tpu.memory_space<vmem>>, vector<16xi32>,
        %get3A_243 = vector.shape_cast %get3A_242 : vector<16xi32> to vector<16xi32>
        %add3A_244 = arith.addi %get3A_243, %mul3A_54 : vector<16xi32>
        %swap3A_245 = arith.constant 160 : index
        %swap3A_246 = tpu.vector_load %arg6[%swap3A_245] {strides = array<i32>} : memref<240xi32, #tpu.memory_space<vmem>>, vector<16xi32>,
        %swap3A_247 = vector.shape_cast %swap3A_246 : vector<16xi32> to vector<16xi32>
        %swap3A_248 = vector.shape_cast %add3A_244 : vector<16xi32> to vector<16xi32>
        tpu.vector_store %arg6[%swap3A_245], %swap3A_248 {strides = array<i32>} : memref<240xi32, #tpu.memory_space<vmem>>, vector<16xi32>,
        %get3A_249 = arith.constant 176 : index
        %get3A_250 = tpu.vector_load %arg6[%get3A_249] {strides = array<i32>} : memref<240xi32, #tpu.memory_space<vmem>>, vector<16xi32>,
        %get3A_251 = vector.shape_cast %get3A_250 : vector<16xi32> to vector<16xi32>
        %add3A_252 = arith.addi %get3A_251, %mul3A_85 : vector<16xi32>
        %swap3A_253 = arith.constant 176 : index
        %swap3A_254 = tpu.vector_load %arg6[%swap3A_253] {strides = array<i32>} : memref<240xi32, #tpu.memory_space<vmem>>, vector<16xi32>,
        %swap3A_255 = vector.shape_cast %swap3A_254 : vector<16xi32> to vector<16xi32>
        %swap3A_256 = vector.shape_cast %add3A_252 : vector<16xi32> to vector<16xi32>
        tpu.vector_store %arg6[%swap3A_253], %swap3A_256 {strides = array<i32>} : memref<240xi32, #tpu.memory_space<vmem>>, vector<16xi32>,
        %get3A_257 = arith.constant 192 : index
        %get3A_258 = tpu.vector_load %arg6[%get3A_257] {strides = array<i32>} : memref<240xi32, #tpu.memory_space<vmem>>, vector<16xi32>,
        %get3A_259 = vector.shape_cast %get3A_258 : vector<16xi32> to vector<16xi32>
        %add3A_260 = arith.addi %get3A_259, %mul3A_23 : vector<16xi32>
        %swap3A_261 = arith.constant 192 : index
        %swap3A_262 = tpu.vector_load %arg6[%swap3A_261] {strides = array<i32>} : memref<240xi32, #tpu.memory_space<vmem>>, vector<16xi32>,
        %swap3A_263 = vector.shape_cast %swap3A_262 : vector<16xi32> to vector<16xi32>
        %swap3A_264 = vector.shape_cast %add3A_260 : vector<16xi32> to vector<16xi32>
        tpu.vector_store %arg6[%swap3A_261], %swap3A_264 {strides = array<i32>} : memref<240xi32, #tpu.memory_space<vmem>>, vector<16xi32>,
        %get3A_265 = arith.constant 208 : index
        %get3A_266 = tpu.vector_load %arg6[%get3A_265] {strides = array<i32>} : memref<240xi32, #tpu.memory_space<vmem>>, vector<16xi32>,
        %get3A_267 = vector.shape_cast %get3A_266 : vector<16xi32> to vector<16xi32>
        %add3A_268 = arith.addi %get3A_267, %mul3A_54 : vector<16xi32>
        %swap3A_269 = arith.constant 208 : index
        %swap3A_270 = tpu.vector_load %arg6[%swap3A_269] {strides = array<i32>} : memref<240xi32, #tpu.memory_space<vmem>>, vector<16xi32>,
        %swap3A_271 = vector.shape_cast %swap3A_270 : vector<16xi32> to vector<16xi32>
        %swap3A_272 = vector.shape_cast %add3A_268 : vector<16xi32> to vector<16xi32>
        tpu.vector_store %arg6[%swap3A_269], %swap3A_272 {strides = array<i32>} : memref<240xi32, #tpu.memory_space<vmem>>, vector<16xi32>,
        %get3A_273 = arith.constant 224 : index
        %get3A_274 = tpu.vector_load %arg6[%get3A_273] {strides = array<i32>} : memref<240xi32, #tpu.memory_space<vmem>>, vector<16xi32>,
        %get3A_275 = vector.shape_cast %get3A_274 : vector<16xi32> to vector<16xi32>
        %add3A_276 = arith.addi %get3A_275, %mul3A_85 : vector<16xi32>
        %swap3A_277 = arith.constant 224 : index
        %swap3A_278 = tpu.vector_load %arg6[%swap3A_277] {strides = array<i32>} : memref<240xi32, #tpu.memory_space<vmem>>, vector<16xi32>,
        %swap3A_279 = vector.shape_cast %swap3A_278 : vector<16xi32> to vector<16xi32>
        %swap3A_280 = vector.shape_cast %add3A_276 : vector<16xi32> to vector<16xi32>
        tpu.vector_store %arg6[%swap3A_277], %swap3A_280 {strides = array<i32>} : memref<240xi32, #tpu.memory_space<vmem>>, vector<16xi32>,
        %dma_start3A = arith.constant 0 : i32
        %dma_start3A_281 = arith.constant 0 : i32
        %dma_start3A_282 = tpu.memref_slice %arg8[%dma_start3A, %dma_start3A_281] : memref<240x128xf32, #tpu.memory_space<vmem>> -> memref<80x128xf32, #tpu.memory_space<vmem>>
        %dma_start3A_283 = arith.constant 0 : i32
        %dma_start3A_284 = tpu.memref_slice %arg6[%dma_start3A_283] : memref<240xi32, #tpu.memory_space<vmem>> -> memref<80xi32, #tpu.memory_space<vmem>>
        %dma_start3A_285 = arith.constant 0 : i32
        %dma_start3A_286 = arith.constant 0 : i32
        %dma_start3A_287 = tpu.memref_slice %arg2[%dma_start3A_285, %dma_start3A_286] : memref<200000x128xf32, #tpu.memory_space<hbm>> -> memref<200000x128xf32, #tpu.memory_space<hbm>>
        tpu.enqueue_indirect_dma source(%dma_start3A_287 : memref<200000x128xf32, #tpu.memory_space<hbm>>) target(%dma_start3A_282 : memref<80x128xf32, #tpu.memory_space<vmem>>) offsets(%dma_start3A_284 : memref<80xi32, #tpu.memory_space<vmem>>) semaphore(%arg12 : memref<!tpu.dma_semaphore, #tpu.memory_space<semaphore_mem>>)
        %dma_start3A_288 = arith.constant 80 : i32
        %dma_start3A_289 = arith.constant 0 : i32
        %dma_start3A_290 = tpu.memref_slice %arg8[%dma_start3A_288, %dma_start3A_289] : memref<240x128xf32, #tpu.memory_space<vmem>> -> memref<80x128xf32, #tpu.memory_space<vmem>>
        %dma_start3A_291 = arith.constant 80 : i32
        %dma_start3A_292 = tpu.memref_slice %arg6[%dma_start3A_291] : memref<240xi32, #tpu.memory_space<vmem>> -> memref<80xi32, #tpu.memory_space<vmem>>
        %dma_start3A_293 = arith.constant 0 : i32
        %dma_start3A_294 = arith.constant 0 : i32
        %dma_start3A_295 = tpu.memref_slice %arg2[%dma_start3A_293, %dma_start3A_294] : memref<200000x128xf32, #tpu.memory_space<hbm>> -> memref<200000x128xf32, #tpu.memory_space<hbm>>
        tpu.enqueue_indirect_dma source(%dma_start3A_295 : memref<200000x128xf32, #tpu.memory_space<hbm>>) target(%dma_start3A_290 : memref<80x128xf32, #tpu.memory_space<vmem>>) offsets(%dma_start3A_292 : memref<80xi32, #tpu.memory_space<vmem>>) semaphore(%arg12 : memref<!tpu.dma_semaphore, #tpu.memory_space<semaphore_mem>>)
        %dma_start3A_296 = arith.constant 160 : i32
        %dma_start3A_297 = arith.constant 0 : i32
        %dma_start3A_298 = tpu.memref_slice %arg8[%dma_start3A_296, %dma_start3A_297] : memref<240x128xf32, #tpu.memory_space<vmem>> -> memref<80x128xf32, #tpu.memory_space<vmem>>
        %dma_start3A_299 = arith.constant 160 : i32
        %dma_start3A_300 = tpu.memref_slice %arg6[%dma_start3A_299] : memref<240xi32, #tpu.memory_space<vmem>> -> memref<80xi32, #tpu.memory_space<vmem>>
        %dma_start3A_301 = arith.constant 0 : i32
        %dma_start3A_302 = arith.constant 0 : i32
        %dma_start3A_303 = tpu.memref_slice %arg2[%dma_start3A_301, %dma_start3A_302] : memref<200000x128xf32, #tpu.memory_space<hbm>> -> memref<200000x128xf32, #tpu.memory_space<hbm>>
        tpu.enqueue_indirect_dma source(%dma_start3A_303 : memref<200000x128xf32, #tpu.memory_space<hbm>>) target(%dma_start3A_298 : memref<80x128xf32, #tpu.memory_space<vmem>>) offsets(%dma_start3A_300 : memref<80xi32, #tpu.memory_space<vmem>>) semaphore(%arg12 : memref<!tpu.dma_semaphore, #tpu.memory_space<semaphore_mem>>)
      } else {
      }
      %ge3A = arith.constant 625 : i32
      %ge3A_118 = arith.cmpi sge, %sub3A_112, %ge3A : i32
      %lt3A_119 = arith.constant 1250 : i32
      %lt3A_120 = arith.cmpi slt, %sub3A_112, %lt3A_119 : i32
      %and3A_121 = arith.andi %ge3A_118, %lt3A_120 : i1
      %convert_element_type3A_122 = arith.extui %and3A_121 : i1 to i32
      %cond3A_123 = arith.constant 0 : i32
      %cond3A_124 = arith.cmpi ne, %convert_element_type3A_122, %cond3A_123 : i32
      scf.if %cond3A_124 {
        %sub3A_161 = arith.constant 625 : i32
        %sub3A_162 = arith.subi %sub3A_112, %sub3A_161 : i32
        %mul3A_163 = arith.constant 80 : i32
        %mul3A_164 = arith.muli %sub3A_162, %mul3A_163 : i32
        %dma_wait3A = arith.constant 0 : i32
        %dma_wait3A_165 = tpu.memref_slice %arg4[%mul3A_164, %dma_wait3A] : memref<50000x128xf32, #tpu.memory_space<hbm>> -> memref<80x128xf32, #tpu.memory_space<hbm>>
        %dma_wait3A_166 = arith.constant 0 : i32
        %dma_wait3A_167 = tpu.memref_slice %arg4[%mul3A_164, %dma_wait3A_166] : memref<50000x128xf32, #tpu.memory_space<hbm>> -> memref<80x128xf32, #tpu.memory_space<hbm>>
        tpu.wait_dma2 semaphore(%arg13 : memref<!tpu.dma_semaphore, #tpu.memory_space<semaphore_mem>>) src(%arg9 : memref<80x128xf32, #tpu.memory_space<vmem>>) dst(%dma_wait3A_167 : memref<80x128xf32, #tpu.memory_space<hbm>>)
      } else {
      }
      %lt3A_125 = arith.constant 1250 : i32
      %lt3A_126 = arith.cmpi slt, %add3A_109, %lt3A_125 : i32
      %convert_element_type3A_127 = arith.extui %lt3A_126 : i1 to i32
      %cond3A_128 = arith.constant 0 : i32
      %cond3A_129 = arith.cmpi ne, %convert_element_type3A_127, %cond3A_128 : i32
      scf.if %cond3A_129 {
        %dma_wait3A = arith.constant 0 : i32
        %dma_wait3A_161 = arith.constant 0 : i32
        %dma_wait3A_162 = tpu.memref_slice %arg7[%dma_wait3A, %dma_wait3A_161] : memref<240x128xf32, #tpu.memory_space<vmem>> -> memref<80x128xf32, #tpu.memory_space<vmem>>
        %dma_wait3A_163 = arith.constant 0 : i32
        %dma_wait3A_164 = tpu.memref_slice %arg5[%dma_wait3A_163] : memref<240xi32, #tpu.memory_space<vmem>> -> memref<80xi32, #tpu.memory_space<vmem>>
        %dma_wait3A_165 = arith.constant 0 : i32
        %dma_wait3A_166 = arith.constant 0 : i32
        %dma_wait3A_167 = tpu.memref_slice %arg2[%dma_wait3A_165, %dma_wait3A_166] : memref<200000x128xf32, #tpu.memory_space<hbm>> -> memref<200000x128xf32, #tpu.memory_space<hbm>>
        tpu.wait_indirect_dma semaphore(%arg11 : memref<!tpu.dma_semaphore, #tpu.memory_space<semaphore_mem>>) src(%dma_wait3A_167 : memref<200000x128xf32, #tpu.memory_space<hbm>>) dst(%dma_wait3A_162 : memref<80x128xf32, #tpu.memory_space<vmem>>)
        %dma_wait3A_168 = arith.constant 80 : i32
        %dma_wait3A_169 = arith.constant 0 : i32
        %dma_wait3A_170 = tpu.memref_slice %arg7[%dma_wait3A_168, %dma_wait3A_169] : memref<240x128xf32, #tpu.memory_space<vmem>> -> memref<80x128xf32, #tpu.memory_space<vmem>>
        %dma_wait3A_171 = arith.constant 80 : i32
        %dma_wait3A_172 = tpu.memref_slice %arg5[%dma_wait3A_171] : memref<240xi32, #tpu.memory_space<vmem>> -> memref<80xi32, #tpu.memory_space<vmem>>
        %dma_wait3A_173 = arith.constant 0 : i32
        %dma_wait3A_174 = arith.constant 0 : i32
        %dma_wait3A_175 = tpu.memref_slice %arg2[%dma_wait3A_173, %dma_wait3A_174] : memref<200000x128xf32, #tpu.memory_space<hbm>> -> memref<200000x128xf32, #tpu.memory_space<hbm>>
        tpu.wait_indirect_dma semaphore(%arg11 : memref<!tpu.dma_semaphore, #tpu.memory_space<semaphore_mem>>) src(%dma_wait3A_175 : memref<200000x128xf32, #tpu.memory_space<hbm>>) dst(%dma_wait3A_170 : memref<80x128xf32, #tpu.memory_space<vmem>>)
        %dma_wait3A_176 = arith.constant 160 : i32
        %dma_wait3A_177 = arith.constant 0 : i32
        %dma_wait3A_178 = tpu.memref_slice %arg7[%dma_wait3A_176, %dma_wait3A_177] : memref<240x128xf32, #tpu.memory_space<vmem>> -> memref<80x128xf32, #tpu.memory_space<vmem>>
        %dma_wait3A_179 = arith.constant 160 : i32
        %dma_wait3A_180 = tpu.memref_slice %arg5[%dma_wait3A_179] : memref<240xi32, #tpu.memory_space<vmem>> -> memref<80xi32, #tpu.memory_space<vmem>>
        %dma_wait3A_181 = arith.constant 0 : i32
        %dma_wait3A_182 = arith.constant 0 : i32
        %dma_wait3A_183 = tpu.memref_slice %arg2[%dma_wait3A_181, %dma_wait3A_182] : memref<200000x128xf32, #tpu.memory_space<hbm>> -> memref<200000x128xf32, #tpu.memory_space<hbm>>
        tpu.wait_indirect_dma semaphore(%arg11 : memref<!tpu.dma_semaphore, #tpu.memory_space<semaphore_mem>>) src(%dma_wait3A_183 : memref<200000x128xf32, #tpu.memory_space<hbm>>) dst(%dma_wait3A_178 : memref<80x128xf32, #tpu.memory_space<vmem>>)
        %scan3A_184 = arith.constant 0 : i32
        %scan3A_185 = arith.constant 0 : i32
        %scan3A_186 = arith.constant 80 : i32
        %scan3A_187 = arith.addi %scan3A_185, %scan3A_186 : i32
        %scan3A_188 = arith.constant 1 : i32
        scf.for %scan3A_197 = %scan3A_185 to %scan3A_187 step %scan3A_188  : i32 {
          %mul3A_198 = arith.constant 3 : i32
          %mul3A_199 = arith.muli %mul3A_198, %scan3A_197 : i32
          %get3A = arith.index_cast %mul3A_199 : i32 to index
          %get3A_200 = arith.constant 0 : index
          %get3A_201 = tpu.vector_load %arg7[%get3A, %get3A_200] {strides = array<i32>} : memref<240x128xf32, #tpu.memory_space<vmem>>, vector<1x16xf32>,
          %get3A_202 = vector.shape_cast %get3A_201 : vector<1x16xf32> to vector<16xf32>
          %mul3A_203 = arith.constant 3 : i32
          %mul3A_204 = arith.muli %mul3A_203, %scan3A_197 : i32
          %add3A_205 = arith.constant 1 : i32
          %add3A_206 = arith.addi %mul3A_204, %add3A_205 : i32
          %get3A_207 = arith.index_cast %add3A_206 : i32 to index
          %get3A_208 = arith.constant 64 : index
          %get3A_209 = tpu.vector_load %arg7[%get3A_207, %get3A_208] {strides = array<i32>} : memref<240x128xf32, #tpu.memory_space<vmem>>, vector<1x16xf32>,
          %get3A_210 = vector.shape_cast %get3A_209 : vector<1x16xf32> to vector<16xf32>
          %add3A_211 = arith.addf %get3A_202, %get3A_210 : vector<16xf32>
          %mul3A_212 = arith.constant 3 : i32
          %mul3A_213 = arith.muli %mul3A_212, %scan3A_197 : i32
          %add3A_214 = arith.constant 2 : i32
          %add3A_215 = arith.addi %mul3A_213, %add3A_214 : i32
          %get3A_216 = arith.index_cast %add3A_215 : i32 to index
          %get3A_217 = arith.constant 0 : index
          %get3A_218 = tpu.vector_load %arg7[%get3A_216, %get3A_217] {strides = array<i32>} : memref<240x128xf32, #tpu.memory_space<vmem>>, vector<1x16xf32>,
          %get3A_219 = vector.shape_cast %get3A_218 : vector<1x16xf32> to vector<16xf32>
          %add3A_220 = arith.addf %add3A_211, %get3A_219 : vector<16xf32>
          %swap3A = arith.index_cast %scan3A_197 : i32 to index
          %swap3A_221 = arith.constant 0 : index
          %swap3A_222 = tpu.vector_load %arg9[%swap3A, %swap3A_221] {strides = array<i32>} : memref<80x128xf32, #tpu.memory_space<vmem>>, vector<1x16xf32>,
          %swap3A_223 = vector.shape_cast %swap3A_222 : vector<1x16xf32> to vector<16xf32>
          %swap3A_224 = vector.shape_cast %add3A_220 : vector<16xf32> to vector<1x16xf32>
          tpu.vector_store %arg9[%swap3A, %swap3A_221], %swap3A_224 {strides = array<i32>} : memref<80x128xf32, #tpu.memory_space<vmem>>, vector<1x16xf32>,
          %mul3A_225 = arith.constant 3 : i32
          %mul3A_226 = arith.muli %mul3A_225, %scan3A_197 : i32
          %get3A_227 = arith.index_cast %mul3A_226 : i32 to index
          %get3A_228 = arith.constant 16 : index
          %get3A_229 = tpu.vector_load %arg7[%get3A_227, %get3A_228] {strides = array<i32>} : memref<240x128xf32, #tpu.memory_space<vmem>>, vector<1x16xf32>,
          %get3A_230 = vector.shape_cast %get3A_229 : vector<1x16xf32> to vector<16xf32>
          %mul3A_231 = arith.constant 3 : i32
          %mul3A_232 = arith.muli %mul3A_231, %scan3A_197 : i32
          %add3A_233 = arith.constant 1 : i32
          %add3A_234 = arith.addi %mul3A_232, %add3A_233 : i32
          %get3A_235 = arith.index_cast %add3A_234 : i32 to index
          %get3A_236 = arith.constant 80 : index
          %get3A_237 = tpu.vector_load %arg7[%get3A_235, %get3A_236] {strides = array<i32>} : memref<240x128xf32, #tpu.memory_space<vmem>>, vector<1x16xf32>,
          %get3A_238 = vector.shape_cast %get3A_237 : vector<1x16xf32> to vector<16xf32>
          %add3A_239 = arith.addf %get3A_230, %get3A_238 : vector<16xf32>
          %mul3A_240 = arith.constant 3 : i32
          %mul3A_241 = arith.muli %mul3A_240, %scan3A_197 : i32
          %add3A_242 = arith.constant 2 : i32
          %add3A_243 = arith.addi %mul3A_241, %add3A_242 : i32
          %get3A_244 = arith.index_cast %add3A_243 : i32 to index
          %get3A_245 = arith.constant 16 : index
          %get3A_246 = tpu.vector_load %arg7[%get3A_244, %get3A_245] {strides = array<i32>} : memref<240x128xf32, #tpu.memory_space<vmem>>, vector<1x16xf32>,
          %get3A_247 = vector.shape_cast %get3A_246 : vector<1x16xf32> to vector<16xf32>
          %add3A_248 = arith.addf %add3A_239, %get3A_247 : vector<16xf32>
          %swap3A_249 = arith.index_cast %scan3A_197 : i32 to index
          %swap3A_250 = arith.constant 16 : index
          %swap3A_251 = tpu.vector_load %arg9[%swap3A_249, %swap3A_250] {strides = array<i32>} : memref<80x128xf32, #tpu.memory_space<vmem>>, vector<1x16xf32>,
          %swap3A_252 = vector.shape_cast %swap3A_251 : vector<1x16xf32> to vector<16xf32>
          %swap3A_253 = vector.shape_cast %add3A_248 : vector<16xf32> to vector<1x16xf32>
          tpu.vector_store %arg9[%swap3A_249, %swap3A_250], %swap3A_253 {strides = array<i32>} : memref<80x128xf32, #tpu.memory_space<vmem>>, vector<1x16xf32>,
          %mul3A_254 = arith.constant 3 : i32
          %mul3A_255 = arith.muli %mul3A_254, %scan3A_197 : i32
          %get3A_256 = arith.index_cast %mul3A_255 : i32 to index
          %get3A_257 = arith.constant 32 : index
          %get3A_258 = tpu.vector_load %arg7[%get3A_256, %get3A_257] {strides = array<i32>} : memref<240x128xf32, #tpu.memory_space<vmem>>, vector<1x16xf32>,
          %get3A_259 = vector.shape_cast %get3A_258 : vector<1x16xf32> to vector<16xf32>
          %mul3A_260 = arith.constant 3 : i32
          %mul3A_261 = arith.muli %mul3A_260, %scan3A_197 : i32
          %add3A_262 = arith.constant 1 : i32
          %add3A_263 = arith.addi %mul3A_261, %add3A_262 : i32
          %get3A_264 = arith.index_cast %add3A_263 : i32 to index
          %get3A_265 = arith.constant 96 : index
          %get3A_266 = tpu.vector_load %arg7[%get3A_264, %get3A_265] {strides = array<i32>} : memref<240x128xf32, #tpu.memory_space<vmem>>, vector<1x16xf32>,
          %get3A_267 = vector.shape_cast %get3A_266 : vector<1x16xf32> to vector<16xf32>
          %add3A_268 = arith.addf %get3A_259, %get3A_267 : vector<16xf32>
          %mul3A_269 = arith.constant 3 : i32
          %mul3A_270 = arith.muli %mul3A_269, %scan3A_197 : i32
          %add3A_271 = arith.constant 2 : i32
          %add3A_272 = arith.addi %mul3A_270, %add3A_271 : i32
          %get3A_273 = arith.index_cast %add3A_272 : i32 to index
          %get3A_274 = arith.constant 32 : index
          %get3A_275 = tpu.vector_load %arg7[%get3A_273, %get3A_274] {strides = array<i32>} : memref<240x128xf32, #tpu.memory_space<vmem>>, vector<1x16xf32>,
          %get3A_276 = vector.shape_cast %get3A_275 : vector<1x16xf32> to vector<16xf32>
          %add3A_277 = arith.addf %add3A_268, %get3A_276 : vector<16xf32>
          %swap3A_278 = arith.index_cast %scan3A_197 : i32 to index
          %swap3A_279 = arith.constant 32 : index
          %swap3A_280 = tpu.vector_load %arg9[%swap3A_278, %swap3A_279] {strides = array<i32>} : memref<80x128xf32, #tpu.memory_space<vmem>>, vector<1x16xf32>,
          %swap3A_281 = vector.shape_cast %swap3A_280 : vector<1x16xf32> to vector<16xf32>
          %swap3A_282 = vector.shape_cast %add3A_277 : vector<16xf32> to vector<1x16xf32>
          tpu.vector_store %arg9[%swap3A_278, %swap3A_279], %swap3A_282 {strides = array<i32>} : memref<80x128xf32, #tpu.memory_space<vmem>>, vector<1x16xf32>,
          %mul3A_283 = arith.constant 3 : i32
          %mul3A_284 = arith.muli %mul3A_283, %scan3A_197 : i32
          %get3A_285 = arith.index_cast %mul3A_284 : i32 to index
          %get3A_286 = arith.constant 48 : index
          %get3A_287 = tpu.vector_load %arg7[%get3A_285, %get3A_286] {strides = array<i32>} : memref<240x128xf32, #tpu.memory_space<vmem>>, vector<1x16xf32>,
          %get3A_288 = vector.shape_cast %get3A_287 : vector<1x16xf32> to vector<16xf32>
          %mul3A_289 = arith.constant 3 : i32
          %mul3A_290 = arith.muli %mul3A_289, %scan3A_197 : i32
          %add3A_291 = arith.constant 1 : i32
          %add3A_292 = arith.addi %mul3A_290, %add3A_291 : i32
          %get3A_293 = arith.index_cast %add3A_292 : i32 to index
          %get3A_294 = arith.constant 112 : index
          %get3A_295 = tpu.vector_load %arg7[%get3A_293, %get3A_294] {strides = array<i32>} : memref<240x128xf32, #tpu.memory_space<vmem>>, vector<1x16xf32>,
          %get3A_296 = vector.shape_cast %get3A_295 : vector<1x16xf32> to vector<16xf32>
          %add3A_297 = arith.addf %get3A_288, %get3A_296 : vector<16xf32>
          %mul3A_298 = arith.constant 3 : i32
          %mul3A_299 = arith.muli %mul3A_298, %scan3A_197 : i32
          %add3A_300 = arith.constant 2 : i32
          %add3A_301 = arith.addi %mul3A_299, %add3A_300 : i32
          %get3A_302 = arith.index_cast %add3A_301 : i32 to index
          %get3A_303 = arith.constant 48 : index
          %get3A_304 = tpu.vector_load %arg7[%get3A_302, %get3A_303] {strides = array<i32>} : memref<240x128xf32, #tpu.memory_space<vmem>>, vector<1x16xf32>,
          %get3A_305 = vector.shape_cast %get3A_304 : vector<1x16xf32> to vector<16xf32>
          %add3A_306 = arith.addf %add3A_297, %get3A_305 : vector<16xf32>
          %swap3A_307 = arith.index_cast %scan3A_197 : i32 to index
          %swap3A_308 = arith.constant 48 : index
          %swap3A_309 = tpu.vector_load %arg9[%swap3A_307, %swap3A_308] {strides = array<i32>} : memref<80x128xf32, #tpu.memory_space<vmem>>, vector<1x16xf32>,
          %swap3A_310 = vector.shape_cast %swap3A_309 : vector<1x16xf32> to vector<16xf32>
          %swap3A_311 = vector.shape_cast %add3A_306 : vector<16xf32> to vector<1x16xf32>
          tpu.vector_store %arg9[%swap3A_307, %swap3A_308], %swap3A_311 {strides = array<i32>} : memref<80x128xf32, #tpu.memory_space<vmem>>, vector<1x16xf32>,
        }
        %scan3A_189 = arith.constant 80 : i32
        %sub3A_190 = arith.constant 625 : i32
        %sub3A_191 = arith.subi %add3A_109, %sub3A_190 : i32
        %mul3A_192 = arith.constant 80 : i32
        %mul3A_193 = arith.muli %sub3A_191, %mul3A_192 : i32
        %dma_start3A = arith.constant 0 : i32
        %dma_start3A_194 = tpu.memref_slice %arg4[%mul3A_193, %dma_start3A] : memref<50000x128xf32, #tpu.memory_space<hbm>> -> memref<80x128xf32, #tpu.memory_space<hbm>>
        %dma_start3A_195 = arith.constant 0 : i32
        %dma_start3A_196 = tpu.memref_slice %arg4[%mul3A_193, %dma_start3A_195] : memref<50000x128xf32, #tpu.memory_space<hbm>> -> memref<80x128xf32, #tpu.memory_space<hbm>>
        tpu.enqueue_dma source(%arg9 : memref<80x128xf32, #tpu.memory_space<vmem>>) target(%dma_start3A_196 : memref<80x128xf32, #tpu.memory_space<hbm>>) target_semaphore(%arg13 : memref<!tpu.dma_semaphore, #tpu.memory_space<semaphore_mem>>)
      } else {
      }
      %mul3A_130 = arith.constant 2 : i32
      %mul3A_131 = arith.muli %mul3A_130, %scan3A_102 : i32
      %add3A_132 = arith.constant 1 : i32
      %add3A_133 = arith.addi %mul3A_131, %add3A_132 : i32
      %add3A_134 = arith.constant 625 : i32
      %add3A_135 = arith.addi %add3A_134, %add3A : i32
      %mul3A_136 = arith.constant 32 : i32
      %mul3A_137 = arith.muli %add3A_133, %mul3A_136 : i32
      %add3A_138 = arith.addi %add3A_135, %mul3A_137 : i32
      %add3A_139 = arith.constant 32 : i32
      %add3A_140 = arith.addi %add3A_138, %add3A_139 : i32
      %sub3A_141 = arith.constant 64 : i32
      %sub3A_142 = arith.subi %add3A_138, %sub3A_141 : i32
      %lt3A_143 = arith.constant 1250 : i32
      %lt3A_144 = arith.cmpi slt, %add3A_140, %lt3A_143 : i32
      %convert_element_type3A_145 = arith.extui %lt3A_144 : i1 to i32
      %cond3A_146 = arith.constant 0 : i32
      %cond3A_147 = arith.cmpi ne, %convert_element_type3A_145, %cond3A_146 : i32
      scf.if %cond3A_147 {
        %mul3A_161 = arith.constant 240 : i32
        %mul3A_162 = arith.muli %add3A_140, %mul3A_161 : i32
        "tpu.region"() ({
          %run_scoped3A = tpu.sem_alloc : memref<!tpu.dma_semaphore, #tpu.memory_space<semaphore_mem>>
          %dma_start3A_304 = arith.constant 0 : i32
          %dma_start3A_305 = tpu.memref_slice %arg5[%dma_start3A_304] : memref<240xi32, #tpu.memory_space<vmem>> -> memref<240xi32, #tpu.memory_space<vmem>>
          %dma_start3A_306 = tpu.memref_slice %arg3[%mul3A_162] : memref<300000xi32, #tpu.memory_space<hbm>> -> memref<240xi32, #tpu.memory_space<hbm>>
          %dma_start3A_307 = arith.constant 0 : i32
          %dma_start3A_308 = tpu.memref_slice %arg5[%dma_start3A_307] : memref<240xi32, #tpu.memory_space<vmem>> -> memref<240xi32, #tpu.memory_space<vmem>>
          %dma_start3A_309 = tpu.memref_slice %arg3[%mul3A_162] : memref<300000xi32, #tpu.memory_space<hbm>> -> memref<240xi32, #tpu.memory_space<hbm>>
          tpu.enqueue_dma source(%dma_start3A_309 : memref<240xi32, #tpu.memory_space<hbm>>) target(%dma_start3A_308 : memref<240xi32, #tpu.memory_space<vmem>>) target_semaphore(%run_scoped3A : memref<!tpu.dma_semaphore, #tpu.memory_space<semaphore_mem>>)
          %dma_wait3A = arith.constant 0 : i32
          %dma_wait3A_310 = tpu.memref_slice %arg5[%dma_wait3A] : memref<240xi32, #tpu.memory_space<vmem>> -> memref<240xi32, #tpu.memory_space<vmem>>
          %dma_wait3A_311 = tpu.memref_slice %arg3[%mul3A_162] : memref<300000xi32, #tpu.memory_space<hbm>> -> memref<240xi32, #tpu.memory_space<hbm>>
          %dma_wait3A_312 = arith.constant 0 : i32
          %dma_wait3A_313 = tpu.memref_slice %arg5[%dma_wait3A_312] : memref<240xi32, #tpu.memory_space<vmem>> -> memref<240xi32, #tpu.memory_space<vmem>>
          %dma_wait3A_314 = tpu.memref_slice %arg3[%mul3A_162] : memref<300000xi32, #tpu.memory_space<hbm>> -> memref<240xi32, #tpu.memory_space<hbm>>
          tpu.wait_dma2 semaphore(%run_scoped3A : memref<!tpu.dma_semaphore, #tpu.memory_space<semaphore_mem>>) src(%dma_wait3A_314 : memref<240xi32, #tpu.memory_space<hbm>>) dst(%dma_wait3A_313 : memref<240xi32, #tpu.memory_space<vmem>>)
          tpu.yield
        }) : () -> ()
        %get3A = arith.constant 0 : index
        %get3A_163 = tpu.vector_load %arg5[%get3A] {strides = array<i32>} : memref<240xi32, #tpu.memory_space<vmem>>, vector<16xi32>,
        %get3A_164 = vector.shape_cast %get3A_163 : vector<16xi32> to vector<16xi32>
        %add3A_165 = arith.addi %get3A_164, %mul3A_23 : vector<16xi32>
        %swap3A = arith.constant 0 : index
        %swap3A_166 = tpu.vector_load %arg5[%swap3A] {strides = array<i32>} : memref<240xi32, #tpu.memory_space<vmem>>, vector<16xi32>,
        %swap3A_167 = vector.shape_cast %swap3A_166 : vector<16xi32> to vector<16xi32>
        %swap3A_168 = vector.shape_cast %add3A_165 : vector<16xi32> to vector<16xi32>
        tpu.vector_store %arg5[%swap3A], %swap3A_168 {strides = array<i32>} : memref<240xi32, #tpu.memory_space<vmem>>, vector<16xi32>,
        %get3A_169 = arith.constant 16 : index
        %get3A_170 = tpu.vector_load %arg5[%get3A_169] {strides = array<i32>} : memref<240xi32, #tpu.memory_space<vmem>>, vector<16xi32>,
        %get3A_171 = vector.shape_cast %get3A_170 : vector<16xi32> to vector<16xi32>
        %add3A_172 = arith.addi %get3A_171, %mul3A_54 : vector<16xi32>
        %swap3A_173 = arith.constant 16 : index
        %swap3A_174 = tpu.vector_load %arg5[%swap3A_173] {strides = array<i32>} : memref<240xi32, #tpu.memory_space<vmem>>, vector<16xi32>,
        %swap3A_175 = vector.shape_cast %swap3A_174 : vector<16xi32> to vector<16xi32>
        %swap3A_176 = vector.shape_cast %add3A_172 : vector<16xi32> to vector<16xi32>
        tpu.vector_store %arg5[%swap3A_173], %swap3A_176 {strides = array<i32>} : memref<240xi32, #tpu.memory_space<vmem>>, vector<16xi32>,
        %get3A_177 = arith.constant 32 : index
        %get3A_178 = tpu.vector_load %arg5[%get3A_177] {strides = array<i32>} : memref<240xi32, #tpu.memory_space<vmem>>, vector<16xi32>,
        %get3A_179 = vector.shape_cast %get3A_178 : vector<16xi32> to vector<16xi32>
        %add3A_180 = arith.addi %get3A_179, %mul3A_85 : vector<16xi32>
        %swap3A_181 = arith.constant 32 : index
        %swap3A_182 = tpu.vector_load %arg5[%swap3A_181] {strides = array<i32>} : memref<240xi32, #tpu.memory_space<vmem>>, vector<16xi32>,
        %swap3A_183 = vector.shape_cast %swap3A_182 : vector<16xi32> to vector<16xi32>
        %swap3A_184 = vector.shape_cast %add3A_180 : vector<16xi32> to vector<16xi32>
        tpu.vector_store %arg5[%swap3A_181], %swap3A_184 {strides = array<i32>} : memref<240xi32, #tpu.memory_space<vmem>>, vector<16xi32>,
        %get3A_185 = arith.constant 48 : index
        %get3A_186 = tpu.vector_load %arg5[%get3A_185] {strides = array<i32>} : memref<240xi32, #tpu.memory_space<vmem>>, vector<16xi32>,
        %get3A_187 = vector.shape_cast %get3A_186 : vector<16xi32> to vector<16xi32>
        %add3A_188 = arith.addi %get3A_187, %mul3A_23 : vector<16xi32>
        %swap3A_189 = arith.constant 48 : index
        %swap3A_190 = tpu.vector_load %arg5[%swap3A_189] {strides = array<i32>} : memref<240xi32, #tpu.memory_space<vmem>>, vector<16xi32>,
        %swap3A_191 = vector.shape_cast %swap3A_190 : vector<16xi32> to vector<16xi32>
        %swap3A_192 = vector.shape_cast %add3A_188 : vector<16xi32> to vector<16xi32>
        tpu.vector_store %arg5[%swap3A_189], %swap3A_192 {strides = array<i32>} : memref<240xi32, #tpu.memory_space<vmem>>, vector<16xi32>,
        %get3A_193 = arith.constant 64 : index
        %get3A_194 = tpu.vector_load %arg5[%get3A_193] {strides = array<i32>} : memref<240xi32, #tpu.memory_space<vmem>>, vector<16xi32>,
        %get3A_195 = vector.shape_cast %get3A_194 : vector<16xi32> to vector<16xi32>
        %add3A_196 = arith.addi %get3A_195, %mul3A_54 : vector<16xi32>
        %swap3A_197 = arith.constant 64 : index
        %swap3A_198 = tpu.vector_load %arg5[%swap3A_197] {strides = array<i32>} : memref<240xi32, #tpu.memory_space<vmem>>, vector<16xi32>,
        %swap3A_199 = vector.shape_cast %swap3A_198 : vector<16xi32> to vector<16xi32>
        %swap3A_200 = vector.shape_cast %add3A_196 : vector<16xi32> to vector<16xi32>
        tpu.vector_store %arg5[%swap3A_197], %swap3A_200 {strides = array<i32>} : memref<240xi32, #tpu.memory_space<vmem>>, vector<16xi32>,
        %get3A_201 = arith.constant 80 : index
        %get3A_202 = tpu.vector_load %arg5[%get3A_201] {strides = array<i32>} : memref<240xi32, #tpu.memory_space<vmem>>, vector<16xi32>,
        %get3A_203 = vector.shape_cast %get3A_202 : vector<16xi32> to vector<16xi32>
        %add3A_204 = arith.addi %get3A_203, %mul3A_85 : vector<16xi32>
        %swap3A_205 = arith.constant 80 : index
        %swap3A_206 = tpu.vector_load %arg5[%swap3A_205] {strides = array<i32>} : memref<240xi32, #tpu.memory_space<vmem>>, vector<16xi32>,
        %swap3A_207 = vector.shape_cast %swap3A_206 : vector<16xi32> to vector<16xi32>
        %swap3A_208 = vector.shape_cast %add3A_204 : vector<16xi32> to vector<16xi32>
        tpu.vector_store %arg5[%swap3A_205], %swap3A_208 {strides = array<i32>} : memref<240xi32, #tpu.memory_space<vmem>>, vector<16xi32>,
        %get3A_209 = arith.constant 96 : index
        %get3A_210 = tpu.vector_load %arg5[%get3A_209] {strides = array<i32>} : memref<240xi32, #tpu.memory_space<vmem>>, vector<16xi32>,
        %get3A_211 = vector.shape_cast %get3A_210 : vector<16xi32> to vector<16xi32>
        %add3A_212 = arith.addi %get3A_211, %mul3A_23 : vector<16xi32>
        %swap3A_213 = arith.constant 96 : index
        %swap3A_214 = tpu.vector_load %arg5[%swap3A_213] {strides = array<i32>} : memref<240xi32, #tpu.memory_space<vmem>>, vector<16xi32>,
        %swap3A_215 = vector.shape_cast %swap3A_214 : vector<16xi32> to vector<16xi32>
        %swap3A_216 = vector.shape_cast %add3A_212 : vector<16xi32> to vector<16xi32>
        tpu.vector_store %arg5[%swap3A_213], %swap3A_216 {strides = array<i32>} : memref<240xi32, #tpu.memory_space<vmem>>, vector<16xi32>,
        %get3A_217 = arith.constant 112 : index
        %get3A_218 = tpu.vector_load %arg5[%get3A_217] {strides = array<i32>} : memref<240xi32, #tpu.memory_space<vmem>>, vector<16xi32>,
        %get3A_219 = vector.shape_cast %get3A_218 : vector<16xi32> to vector<16xi32>
        %add3A_220 = arith.addi %get3A_219, %mul3A_54 : vector<16xi32>
        %swap3A_221 = arith.constant 112 : index
        %swap3A_222 = tpu.vector_load %arg5[%swap3A_221] {strides = array<i32>} : memref<240xi32, #tpu.memory_space<vmem>>, vector<16xi32>,
        %swap3A_223 = vector.shape_cast %swap3A_222 : vector<16xi32> to vector<16xi32>
        %swap3A_224 = vector.shape_cast %add3A_220 : vector<16xi32> to vector<16xi32>
        tpu.vector_store %arg5[%swap3A_221], %swap3A_224 {strides = array<i32>} : memref<240xi32, #tpu.memory_space<vmem>>, vector<16xi32>,
        %get3A_225 = arith.constant 128 : index
        %get3A_226 = tpu.vector_load %arg5[%get3A_225] {strides = array<i32>} : memref<240xi32, #tpu.memory_space<vmem>>, vector<16xi32>,
        %get3A_227 = vector.shape_cast %get3A_226 : vector<16xi32> to vector<16xi32>
        %add3A_228 = arith.addi %get3A_227, %mul3A_85 : vector<16xi32>
        %swap3A_229 = arith.constant 128 : index
        %swap3A_230 = tpu.vector_load %arg5[%swap3A_229] {strides = array<i32>} : memref<240xi32, #tpu.memory_space<vmem>>, vector<16xi32>,
        %swap3A_231 = vector.shape_cast %swap3A_230 : vector<16xi32> to vector<16xi32>
        %swap3A_232 = vector.shape_cast %add3A_228 : vector<16xi32> to vector<16xi32>
        tpu.vector_store %arg5[%swap3A_229], %swap3A_232 {strides = array<i32>} : memref<240xi32, #tpu.memory_space<vmem>>, vector<16xi32>,
        %get3A_233 = arith.constant 144 : index
        %get3A_234 = tpu.vector_load %arg5[%get3A_233] {strides = array<i32>} : memref<240xi32, #tpu.memory_space<vmem>>, vector<16xi32>,
        %get3A_235 = vector.shape_cast %get3A_234 : vector<16xi32> to vector<16xi32>
        %add3A_236 = arith.addi %get3A_235, %mul3A_23 : vector<16xi32>
        %swap3A_237 = arith.constant 144 : index
        %swap3A_238 = tpu.vector_load %arg5[%swap3A_237] {strides = array<i32>} : memref<240xi32, #tpu.memory_space<vmem>>, vector<16xi32>,
        %swap3A_239 = vector.shape_cast %swap3A_238 : vector<16xi32> to vector<16xi32>
        %swap3A_240 = vector.shape_cast %add3A_236 : vector<16xi32> to vector<16xi32>
        tpu.vector_store %arg5[%swap3A_237], %swap3A_240 {strides = array<i32>} : memref<240xi32, #tpu.memory_space<vmem>>, vector<16xi32>,
        %get3A_241 = arith.constant 160 : index
        %get3A_242 = tpu.vector_load %arg5[%get3A_241] {strides = array<i32>} : memref<240xi32, #tpu.memory_space<vmem>>, vector<16xi32>,
        %get3A_243 = vector.shape_cast %get3A_242 : vector<16xi32> to vector<16xi32>
        %add3A_244 = arith.addi %get3A_243, %mul3A_54 : vector<16xi32>
        %swap3A_245 = arith.constant 160 : index
        %swap3A_246 = tpu.vector_load %arg5[%swap3A_245] {strides = array<i32>} : memref<240xi32, #tpu.memory_space<vmem>>, vector<16xi32>,
        %swap3A_247 = vector.shape_cast %swap3A_246 : vector<16xi32> to vector<16xi32>
        %swap3A_248 = vector.shape_cast %add3A_244 : vector<16xi32> to vector<16xi32>
        tpu.vector_store %arg5[%swap3A_245], %swap3A_248 {strides = array<i32>} : memref<240xi32, #tpu.memory_space<vmem>>, vector<16xi32>,
        %get3A_249 = arith.constant 176 : index
        %get3A_250 = tpu.vector_load %arg5[%get3A_249] {strides = array<i32>} : memref<240xi32, #tpu.memory_space<vmem>>, vector<16xi32>,
        %get3A_251 = vector.shape_cast %get3A_250 : vector<16xi32> to vector<16xi32>
        %add3A_252 = arith.addi %get3A_251, %mul3A_85 : vector<16xi32>
        %swap3A_253 = arith.constant 176 : index
        %swap3A_254 = tpu.vector_load %arg5[%swap3A_253] {strides = array<i32>} : memref<240xi32, #tpu.memory_space<vmem>>, vector<16xi32>,
        %swap3A_255 = vector.shape_cast %swap3A_254 : vector<16xi32> to vector<16xi32>
        %swap3A_256 = vector.shape_cast %add3A_252 : vector<16xi32> to vector<16xi32>
        tpu.vector_store %arg5[%swap3A_253], %swap3A_256 {strides = array<i32>} : memref<240xi32, #tpu.memory_space<vmem>>, vector<16xi32>,
        %get3A_257 = arith.constant 192 : index
        %get3A_258 = tpu.vector_load %arg5[%get3A_257] {strides = array<i32>} : memref<240xi32, #tpu.memory_space<vmem>>, vector<16xi32>,
        %get3A_259 = vector.shape_cast %get3A_258 : vector<16xi32> to vector<16xi32>
        %add3A_260 = arith.addi %get3A_259, %mul3A_23 : vector<16xi32>
        %swap3A_261 = arith.constant 192 : index
        %swap3A_262 = tpu.vector_load %arg5[%swap3A_261] {strides = array<i32>} : memref<240xi32, #tpu.memory_space<vmem>>, vector<16xi32>,
        %swap3A_263 = vector.shape_cast %swap3A_262 : vector<16xi32> to vector<16xi32>
        %swap3A_264 = vector.shape_cast %add3A_260 : vector<16xi32> to vector<16xi32>
        tpu.vector_store %arg5[%swap3A_261], %swap3A_264 {strides = array<i32>} : memref<240xi32, #tpu.memory_space<vmem>>, vector<16xi32>,
        %get3A_265 = arith.constant 208 : index
        %get3A_266 = tpu.vector_load %arg5[%get3A_265] {strides = array<i32>} : memref<240xi32, #tpu.memory_space<vmem>>, vector<16xi32>,
        %get3A_267 = vector.shape_cast %get3A_266 : vector<16xi32> to vector<16xi32>
        %add3A_268 = arith.addi %get3A_267, %mul3A_54 : vector<16xi32>
        %swap3A_269 = arith.constant 208 : index
        %swap3A_270 = tpu.vector_load %arg5[%swap3A_269] {strides = array<i32>} : memref<240xi32, #tpu.memory_space<vmem>>, vector<16xi32>,
        %swap3A_271 = vector.shape_cast %swap3A_270 : vector<16xi32> to vector<16xi32>
        %swap3A_272 = vector.shape_cast %add3A_268 : vector<16xi32> to vector<16xi32>
        tpu.vector_store %arg5[%swap3A_269], %swap3A_272 {strides = array<i32>} : memref<240xi32, #tpu.memory_space<vmem>>, vector<16xi32>,
        %get3A_273 = arith.constant 224 : index
        %get3A_274 = tpu.vector_load %arg5[%get3A_273] {strides = array<i32>} : memref<240xi32, #tpu.memory_space<vmem>>, vector<16xi32>,
        %get3A_275 = vector.shape_cast %get3A_274 : vector<16xi32> to vector<16xi32>
        %add3A_276 = arith.addi %get3A_275, %mul3A_85 : vector<16xi32>
        %swap3A_277 = arith.constant 224 : index
        %swap3A_278 = tpu.vector_load %arg5[%swap3A_277] {strides = array<i32>} : memref<240xi32, #tpu.memory_space<vmem>>, vector<16xi32>,
        %swap3A_279 = vector.shape_cast %swap3A_278 : vector<16xi32> to vector<16xi32>
        %swap3A_280 = vector.shape_cast %add3A_276 : vector<16xi32> to vector<16xi32>
        tpu.vector_store %arg5[%swap3A_277], %swap3A_280 {strides = array<i32>} : memref<240xi32, #tpu.memory_space<vmem>>, vector<16xi32>,
        %dma_start3A = arith.constant 0 : i32
        %dma_start3A_281 = arith.constant 0 : i32
        %dma_start3A_282 = tpu.memref_slice %arg7[%dma_start3A, %dma_start3A_281] : memref<240x128xf32, #tpu.memory_space<vmem>> -> memref<80x128xf32, #tpu.memory_space<vmem>>
        %dma_start3A_283 = arith.constant 0 : i32
        %dma_start3A_284 = tpu.memref_slice %arg5[%dma_start3A_283] : memref<240xi32, #tpu.memory_space<vmem>> -> memref<80xi32, #tpu.memory_space<vmem>>
        %dma_start3A_285 = arith.constant 0 : i32
        %dma_start3A_286 = arith.constant 0 : i32
        %dma_start3A_287 = tpu.memref_slice %arg2[%dma_start3A_285, %dma_start3A_286] : memref<200000x128xf32, #tpu.memory_space<hbm>> -> memref<200000x128xf32, #tpu.memory_space<hbm>>
        tpu.enqueue_indirect_dma source(%dma_start3A_287 : memref<200000x128xf32, #tpu.memory_space<hbm>>) target(%dma_start3A_282 : memref<80x128xf32, #tpu.memory_space<vmem>>) offsets(%dma_start3A_284 : memref<80xi32, #tpu.memory_space<vmem>>) semaphore(%arg11 : memref<!tpu.dma_semaphore, #tpu.memory_space<semaphore_mem>>)
        %dma_start3A_288 = arith.constant 80 : i32
        %dma_start3A_289 = arith.constant 0 : i32
        %dma_start3A_290 = tpu.memref_slice %arg7[%dma_start3A_288, %dma_start3A_289] : memref<240x128xf32, #tpu.memory_space<vmem>> -> memref<80x128xf32, #tpu.memory_space<vmem>>
        %dma_start3A_291 = arith.constant 80 : i32
        %dma_start3A_292 = tpu.memref_slice %arg5[%dma_start3A_291] : memref<240xi32, #tpu.memory_space<vmem>> -> memref<80xi32, #tpu.memory_space<vmem>>
        %dma_start3A_293 = arith.constant 0 : i32
        %dma_start3A_294 = arith.constant 0 : i32
        %dma_start3A_295 = tpu.memref_slice %arg2[%dma_start3A_293, %dma_start3A_294] : memref<200000x128xf32, #tpu.memory_space<hbm>> -> memref<200000x128xf32, #tpu.memory_space<hbm>>
        tpu.enqueue_indirect_dma source(%dma_start3A_295 : memref<200000x128xf32, #tpu.memory_space<hbm>>) target(%dma_start3A_290 : memref<80x128xf32, #tpu.memory_space<vmem>>) offsets(%dma_start3A_292 : memref<80xi32, #tpu.memory_space<vmem>>) semaphore(%arg11 : memref<!tpu.dma_semaphore, #tpu.memory_space<semaphore_mem>>)
        %dma_start3A_296 = arith.constant 160 : i32
        %dma_start3A_297 = arith.constant 0 : i32
        %dma_start3A_298 = tpu.memref_slice %arg7[%dma_start3A_296, %dma_start3A_297] : memref<240x128xf32, #tpu.memory_space<vmem>> -> memref<80x128xf32, #tpu.memory_space<vmem>>
        %dma_start3A_299 = arith.constant 160 : i32
        %dma_start3A_300 = tpu.memref_slice %arg5[%dma_start3A_299] : memref<240xi32, #tpu.memory_space<vmem>> -> memref<80xi32, #tpu.memory_space<vmem>>
        %dma_start3A_301 = arith.constant 0 : i32
        %dma_start3A_302 = arith.constant 0 : i32
        %dma_start3A_303 = tpu.memref_slice %arg2[%dma_start3A_301, %dma_start3A_302] : memref<200000x128xf32, #tpu.memory_space<hbm>> -> memref<200000x128xf32, #tpu.memory_space<hbm>>
        tpu.enqueue_indirect_dma source(%dma_start3A_303 : memref<200000x128xf32, #tpu.memory_space<hbm>>) target(%dma_start3A_298 : memref<80x128xf32, #tpu.memory_space<vmem>>) offsets(%dma_start3A_300 : memref<80xi32, #tpu.memory_space<vmem>>) semaphore(%arg11 : memref<!tpu.dma_semaphore, #tpu.memory_space<semaphore_mem>>)
      } else {
      }
      %ge3A_148 = arith.constant 625 : i32
      %ge3A_149 = arith.cmpi sge, %sub3A_142, %ge3A_148 : i32
      %lt3A_150 = arith.constant 1250 : i32
      %lt3A_151 = arith.cmpi slt, %sub3A_142, %lt3A_150 : i32
      %and3A_152 = arith.andi %ge3A_149, %lt3A_151 : i1
      %convert_element_type3A_153 = arith.extui %and3A_152 : i1 to i32
      %cond3A_154 = arith.constant 0 : i32
      %cond3A_155 = arith.cmpi ne, %convert_element_type3A_153, %cond3A_154 : i32
      scf.if %cond3A_155 {
        %sub3A_161 = arith.constant 625 : i32
        %sub3A_162 = arith.subi %sub3A_142, %sub3A_161 : i32
        %mul3A_163 = arith.constant 80 : i32
        %mul3A_164 = arith.muli %sub3A_162, %mul3A_163 : i32
        %dma_wait3A = arith.constant 0 : i32
        %dma_wait3A_165 = tpu.memref_slice %arg4[%mul3A_164, %dma_wait3A] : memref<50000x128xf32, #tpu.memory_space<hbm>> -> memref<80x128xf32, #tpu.memory_space<hbm>>
        %dma_wait3A_166 = arith.constant 0 : i32
        %dma_wait3A_167 = tpu.memref_slice %arg4[%mul3A_164, %dma_wait3A_166] : memref<50000x128xf32, #tpu.memory_space<hbm>> -> memref<80x128xf32, #tpu.memory_space<hbm>>
        tpu.wait_dma2 semaphore(%arg14 : memref<!tpu.dma_semaphore, #tpu.memory_space<semaphore_mem>>) src(%arg10 : memref<80x128xf32, #tpu.memory_space<vmem>>) dst(%dma_wait3A_167 : memref<80x128xf32, #tpu.memory_space<hbm>>)
      } else {
      }
      %lt3A_156 = arith.constant 1250 : i32
      %lt3A_157 = arith.cmpi slt, %add3A_138, %lt3A_156 : i32
      %convert_element_type3A_158 = arith.extui %lt3A_157 : i1 to i32
      %cond3A_159 = arith.constant 0 : i32
      %cond3A_160 = arith.cmpi ne, %convert_element_type3A_158, %cond3A_159 : i32
      scf.if %cond3A_160 {
        %dma_wait3A = arith.constant 0 : i32
        %dma_wait3A_161 = arith.constant 0 : i32
        %dma_wait3A_162 = tpu.memref_slice %arg8[%dma_wait3A, %dma_wait3A_161] : memref<240x128xf32, #tpu.memory_space<vmem>> -> memref<80x128xf32, #tpu.memory_space<vmem>>
        %dma_wait3A_163 = arith.constant 0 : i32
        %dma_wait3A_164 = tpu.memref_slice %arg6[%dma_wait3A_163] : memref<240xi32, #tpu.memory_space<vmem>> -> memref<80xi32, #tpu.memory_space<vmem>>
        %dma_wait3A_165 = arith.constant 0 : i32
        %dma_wait3A_166 = arith.constant 0 : i32
        %dma_wait3A_167 = tpu.memref_slice %arg2[%dma_wait3A_165, %dma_wait3A_166] : memref<200000x128xf32, #tpu.memory_space<hbm>> -> memref<200000x128xf32, #tpu.memory_space<hbm>>
        tpu.wait_indirect_dma semaphore(%arg12 : memref<!tpu.dma_semaphore, #tpu.memory_space<semaphore_mem>>) src(%dma_wait3A_167 : memref<200000x128xf32, #tpu.memory_space<hbm>>) dst(%dma_wait3A_162 : memref<80x128xf32, #tpu.memory_space<vmem>>)
        %dma_wait3A_168 = arith.constant 80 : i32
        %dma_wait3A_169 = arith.constant 0 : i32
        %dma_wait3A_170 = tpu.memref_slice %arg8[%dma_wait3A_168, %dma_wait3A_169] : memref<240x128xf32, #tpu.memory_space<vmem>> -> memref<80x128xf32, #tpu.memory_space<vmem>>
        %dma_wait3A_171 = arith.constant 80 : i32
        %dma_wait3A_172 = tpu.memref_slice %arg6[%dma_wait3A_171] : memref<240xi32, #tpu.memory_space<vmem>> -> memref<80xi32, #tpu.memory_space<vmem>>
        %dma_wait3A_173 = arith.constant 0 : i32
        %dma_wait3A_174 = arith.constant 0 : i32
        %dma_wait3A_175 = tpu.memref_slice %arg2[%dma_wait3A_173, %dma_wait3A_174] : memref<200000x128xf32, #tpu.memory_space<hbm>> -> memref<200000x128xf32, #tpu.memory_space<hbm>>
        tpu.wait_indirect_dma semaphore(%arg12 : memref<!tpu.dma_semaphore, #tpu.memory_space<semaphore_mem>>) src(%dma_wait3A_175 : memref<200000x128xf32, #tpu.memory_space<hbm>>) dst(%dma_wait3A_170 : memref<80x128xf32, #tpu.memory_space<vmem>>)
        %dma_wait3A_176 = arith.constant 160 : i32
        %dma_wait3A_177 = arith.constant 0 : i32
        %dma_wait3A_178 = tpu.memref_slice %arg8[%dma_wait3A_176, %dma_wait3A_177] : memref<240x128xf32, #tpu.memory_space<vmem>> -> memref<80x128xf32, #tpu.memory_space<vmem>>
        %dma_wait3A_179 = arith.constant 160 : i32
        %dma_wait3A_180 = tpu.memref_slice %arg6[%dma_wait3A_179] : memref<240xi32, #tpu.memory_space<vmem>> -> memref<80xi32, #tpu.memory_space<vmem>>
        %dma_wait3A_181 = arith.constant 0 : i32
        %dma_wait3A_182 = arith.constant 0 : i32
        %dma_wait3A_183 = tpu.memref_slice %arg2[%dma_wait3A_181, %dma_wait3A_182] : memref<200000x128xf32, #tpu.memory_space<hbm>> -> memref<200000x128xf32, #tpu.memory_space<hbm>>
        tpu.wait_indirect_dma semaphore(%arg12 : memref<!tpu.dma_semaphore, #tpu.memory_space<semaphore_mem>>) src(%dma_wait3A_183 : memref<200000x128xf32, #tpu.memory_space<hbm>>) dst(%dma_wait3A_178 : memref<80x128xf32, #tpu.memory_space<vmem>>)
        %scan3A_184 = arith.constant 0 : i32
        %scan3A_185 = arith.constant 0 : i32
        %scan3A_186 = arith.constant 80 : i32
        %scan3A_187 = arith.addi %scan3A_185, %scan3A_186 : i32
        %scan3A_188 = arith.constant 1 : i32
        scf.for %scan3A_197 = %scan3A_185 to %scan3A_187 step %scan3A_188  : i32 {
          %mul3A_198 = arith.constant 3 : i32
          %mul3A_199 = arith.muli %mul3A_198, %scan3A_197 : i32
          %get3A = arith.index_cast %mul3A_199 : i32 to index
          %get3A_200 = arith.constant 0 : index
          %get3A_201 = tpu.vector_load %arg8[%get3A, %get3A_200] {strides = array<i32>} : memref<240x128xf32, #tpu.memory_space<vmem>>, vector<1x16xf32>,
          %get3A_202 = vector.shape_cast %get3A_201 : vector<1x16xf32> to vector<16xf32>
          %mul3A_203 = arith.constant 3 : i32
          %mul3A_204 = arith.muli %mul3A_203, %scan3A_197 : i32
          %add3A_205 = arith.constant 1 : i32
          %add3A_206 = arith.addi %mul3A_204, %add3A_205 : i32
          %get3A_207 = arith.index_cast %add3A_206 : i32 to index
          %get3A_208 = arith.constant 64 : index
          %get3A_209 = tpu.vector_load %arg8[%get3A_207, %get3A_208] {strides = array<i32>} : memref<240x128xf32, #tpu.memory_space<vmem>>, vector<1x16xf32>,
          %get3A_210 = vector.shape_cast %get3A_209 : vector<1x16xf32> to vector<16xf32>
          %add3A_211 = arith.addf %get3A_202, %get3A_210 : vector<16xf32>
          %mul3A_212 = arith.constant 3 : i32
          %mul3A_213 = arith.muli %mul3A_212, %scan3A_197 : i32
          %add3A_214 = arith.constant 2 : i32
          %add3A_215 = arith.addi %mul3A_213, %add3A_214 : i32
          %get3A_216 = arith.index_cast %add3A_215 : i32 to index
          %get3A_217 = arith.constant 0 : index
          %get3A_218 = tpu.vector_load %arg8[%get3A_216, %get3A_217] {strides = array<i32>} : memref<240x128xf32, #tpu.memory_space<vmem>>, vector<1x16xf32>,
          %get3A_219 = vector.shape_cast %get3A_218 : vector<1x16xf32> to vector<16xf32>
          %add3A_220 = arith.addf %add3A_211, %get3A_219 : vector<16xf32>
          %swap3A = arith.index_cast %scan3A_197 : i32 to index
          %swap3A_221 = arith.constant 0 : index
          %swap3A_222 = tpu.vector_load %arg10[%swap3A, %swap3A_221] {strides = array<i32>} : memref<80x128xf32, #tpu.memory_space<vmem>>, vector<1x16xf32>,
          %swap3A_223 = vector.shape_cast %swap3A_222 : vector<1x16xf32> to vector<16xf32>
          %swap3A_224 = vector.shape_cast %add3A_220 : vector<16xf32> to vector<1x16xf32>
          tpu.vector_store %arg10[%swap3A, %swap3A_221], %swap3A_224 {strides = array<i32>} : memref<80x128xf32, #tpu.memory_space<vmem>>, vector<1x16xf32>,
          %mul3A_225 = arith.constant 3 : i32
          %mul3A_226 = arith.muli %mul3A_225, %scan3A_197 : i32
          %get3A_227 = arith.index_cast %mul3A_226 : i32 to index
          %get3A_228 = arith.constant 16 : index
          %get3A_229 = tpu.vector_load %arg8[%get3A_227, %get3A_228] {strides = array<i32>} : memref<240x128xf32, #tpu.memory_space<vmem>>, vector<1x16xf32>,
          %get3A_230 = vector.shape_cast %get3A_229 : vector<1x16xf32> to vector<16xf32>
          %mul3A_231 = arith.constant 3 : i32
          %mul3A_232 = arith.muli %mul3A_231, %scan3A_197 : i32
          %add3A_233 = arith.constant 1 : i32
          %add3A_234 = arith.addi %mul3A_232, %add3A_233 : i32
          %get3A_235 = arith.index_cast %add3A_234 : i32 to index
          %get3A_236 = arith.constant 80 : index
          %get3A_237 = tpu.vector_load %arg8[%get3A_235, %get3A_236] {strides = array<i32>} : memref<240x128xf32, #tpu.memory_space<vmem>>, vector<1x16xf32>,
          %get3A_238 = vector.shape_cast %get3A_237 : vector<1x16xf32> to vector<16xf32>
          %add3A_239 = arith.addf %get3A_230, %get3A_238 : vector<16xf32>
          %mul3A_240 = arith.constant 3 : i32
          %mul3A_241 = arith.muli %mul3A_240, %scan3A_197 : i32
          %add3A_242 = arith.constant 2 : i32
          %add3A_243 = arith.addi %mul3A_241, %add3A_242 : i32
          %get3A_244 = arith.index_cast %add3A_243 : i32 to index
          %get3A_245 = arith.constant 16 : index
          %get3A_246 = tpu.vector_load %arg8[%get3A_244, %get3A_245] {strides = array<i32>} : memref<240x128xf32, #tpu.memory_space<vmem>>, vector<1x16xf32>,
          %get3A_247 = vector.shape_cast %get3A_246 : vector<1x16xf32> to vector<16xf32>
          %add3A_248 = arith.addf %add3A_239, %get3A_247 : vector<16xf32>
          %swap3A_249 = arith.index_cast %scan3A_197 : i32 to index
          %swap3A_250 = arith.constant 16 : index
          %swap3A_251 = tpu.vector_load %arg10[%swap3A_249, %swap3A_250] {strides = array<i32>} : memref<80x128xf32, #tpu.memory_space<vmem>>, vector<1x16xf32>,
          %swap3A_252 = vector.shape_cast %swap3A_251 : vector<1x16xf32> to vector<16xf32>
          %swap3A_253 = vector.shape_cast %add3A_248 : vector<16xf32> to vector<1x16xf32>
          tpu.vector_store %arg10[%swap3A_249, %swap3A_250], %swap3A_253 {strides = array<i32>} : memref<80x128xf32, #tpu.memory_space<vmem>>, vector<1x16xf32>,
          %mul3A_254 = arith.constant 3 : i32
          %mul3A_255 = arith.muli %mul3A_254, %scan3A_197 : i32
          %get3A_256 = arith.index_cast %mul3A_255 : i32 to index
          %get3A_257 = arith.constant 32 : index
          %get3A_258 = tpu.vector_load %arg8[%get3A_256, %get3A_257] {strides = array<i32>} : memref<240x128xf32, #tpu.memory_space<vmem>>, vector<1x16xf32>,
          %get3A_259 = vector.shape_cast %get3A_258 : vector<1x16xf32> to vector<16xf32>
          %mul3A_260 = arith.constant 3 : i32
          %mul3A_261 = arith.muli %mul3A_260, %scan3A_197 : i32
          %add3A_262 = arith.constant 1 : i32
          %add3A_263 = arith.addi %mul3A_261, %add3A_262 : i32
          %get3A_264 = arith.index_cast %add3A_263 : i32 to index
          %get3A_265 = arith.constant 96 : index
          %get3A_266 = tpu.vector_load %arg8[%get3A_264, %get3A_265] {strides = array<i32>} : memref<240x128xf32, #tpu.memory_space<vmem>>, vector<1x16xf32>,
          %get3A_267 = vector.shape_cast %get3A_266 : vector<1x16xf32> to vector<16xf32>
          %add3A_268 = arith.addf %get3A_259, %get3A_267 : vector<16xf32>
          %mul3A_269 = arith.constant 3 : i32
          %mul3A_270 = arith.muli %mul3A_269, %scan3A_197 : i32
          %add3A_271 = arith.constant 2 : i32
          %add3A_272 = arith.addi %mul3A_270, %add3A_271 : i32
          %get3A_273 = arith.index_cast %add3A_272 : i32 to index
          %get3A_274 = arith.constant 32 : index
          %get3A_275 = tpu.vector_load %arg8[%get3A_273, %get3A_274] {strides = array<i32>} : memref<240x128xf32, #tpu.memory_space<vmem>>, vector<1x16xf32>,
          %get3A_276 = vector.shape_cast %get3A_275 : vector<1x16xf32> to vector<16xf32>
          %add3A_277 = arith.addf %add3A_268, %get3A_276 : vector<16xf32>
          %swap3A_278 = arith.index_cast %scan3A_197 : i32 to index
          %swap3A_279 = arith.constant 32 : index
          %swap3A_280 = tpu.vector_load %arg10[%swap3A_278, %swap3A_279] {strides = array<i32>} : memref<80x128xf32, #tpu.memory_space<vmem>>, vector<1x16xf32>,
          %swap3A_281 = vector.shape_cast %swap3A_280 : vector<1x16xf32> to vector<16xf32>
          %swap3A_282 = vector.shape_cast %add3A_277 : vector<16xf32> to vector<1x16xf32>
          tpu.vector_store %arg10[%swap3A_278, %swap3A_279], %swap3A_282 {strides = array<i32>} : memref<80x128xf32, #tpu.memory_space<vmem>>, vector<1x16xf32>,
          %mul3A_283 = arith.constant 3 : i32
          %mul3A_284 = arith.muli %mul3A_283, %scan3A_197 : i32
          %get3A_285 = arith.index_cast %mul3A_284 : i32 to index
          %get3A_286 = arith.constant 48 : index
          %get3A_287 = tpu.vector_load %arg8[%get3A_285, %get3A_286] {strides = array<i32>} : memref<240x128xf32, #tpu.memory_space<vmem>>, vector<1x16xf32>,
          %get3A_288 = vector.shape_cast %get3A_287 : vector<1x16xf32> to vector<16xf32>
          %mul3A_289 = arith.constant 3 : i32
          %mul3A_290 = arith.muli %mul3A_289, %scan3A_197 : i32
          %add3A_291 = arith.constant 1 : i32
          %add3A_292 = arith.addi %mul3A_290, %add3A_291 : i32
          %get3A_293 = arith.index_cast %add3A_292 : i32 to index
          %get3A_294 = arith.constant 112 : index
          %get3A_295 = tpu.vector_load %arg8[%get3A_293, %get3A_294] {strides = array<i32>} : memref<240x128xf32, #tpu.memory_space<vmem>>, vector<1x16xf32>,
          %get3A_296 = vector.shape_cast %get3A_295 : vector<1x16xf32> to vector<16xf32>
          %add3A_297 = arith.addf %get3A_288, %get3A_296 : vector<16xf32>
          %mul3A_298 = arith.constant 3 : i32
          %mul3A_299 = arith.muli %mul3A_298, %scan3A_197 : i32
          %add3A_300 = arith.constant 2 : i32
          %add3A_301 = arith.addi %mul3A_299, %add3A_300 : i32
          %get3A_302 = arith.index_cast %add3A_301 : i32 to index
          %get3A_303 = arith.constant 48 : index
          %get3A_304 = tpu.vector_load %arg8[%get3A_302, %get3A_303] {strides = array<i32>} : memref<240x128xf32, #tpu.memory_space<vmem>>, vector<1x16xf32>,
          %get3A_305 = vector.shape_cast %get3A_304 : vector<1x16xf32> to vector<16xf32>
          %add3A_306 = arith.addf %add3A_297, %get3A_305 : vector<16xf32>
          %swap3A_307 = arith.index_cast %scan3A_197 : i32 to index
          %swap3A_308 = arith.constant 48 : index
          %swap3A_309 = tpu.vector_load %arg10[%swap3A_307, %swap3A_308] {strides = array<i32>} : memref<80x128xf32, #tpu.memory_space<vmem>>, vector<1x16xf32>,
          %swap3A_310 = vector.shape_cast %swap3A_309 : vector<1x16xf32> to vector<16xf32>
          %swap3A_311 = vector.shape_cast %add3A_306 : vector<16xf32> to vector<1x16xf32>
          tpu.vector_store %arg10[%swap3A_307, %swap3A_308], %swap3A_311 {strides = array<i32>} : memref<80x128xf32, #tpu.memory_space<vmem>>, vector<1x16xf32>,
        }
        %scan3A_189 = arith.constant 80 : i32
        %sub3A_190 = arith.constant 625 : i32
        %sub3A_191 = arith.subi %add3A_138, %sub3A_190 : i32
        %mul3A_192 = arith.constant 80 : i32
        %mul3A_193 = arith.muli %sub3A_191, %mul3A_192 : i32
        %dma_start3A = arith.constant 0 : i32
        %dma_start3A_194 = tpu.memref_slice %arg4[%mul3A_193, %dma_start3A] : memref<50000x128xf32, #tpu.memory_space<hbm>> -> memref<80x128xf32, #tpu.memory_space<hbm>>
        %dma_start3A_195 = arith.constant 0 : i32
        %dma_start3A_196 = tpu.memref_slice %arg4[%mul3A_193, %dma_start3A_195] : memref<50000x128xf32, #tpu.memory_space<hbm>> -> memref<80x128xf32, #tpu.memory_space<hbm>>
        tpu.enqueue_dma source(%arg10 : memref<80x128xf32, #tpu.memory_space<vmem>>) target(%dma_start3A_196 : memref<80x128xf32, #tpu.memory_space<hbm>>) target_semaphore(%arg14 : memref<!tpu.dma_semaphore, #tpu.memory_space<semaphore_mem>>)
      } else {
      }
    }
    %scan3A_101 = arith.constant 11 : i32
    return
  }
}

#map = affine_map<(d0, d1) -> (0, 0)>
#map1 = affine_map<(d0, d1) -> (0)>
module attributes {stable_mosaic.version = 14 : i64} {
  func.func @_sc_body(%arg0: i32, %arg1: i32, %arg2: memref<200000x128xf32, #tpu.memory_space<hbm>>, %arg3: memref<300000xi32, #tpu.memory_space<hbm>>, %arg4: memref<50000x128xf32, #tpu.memory_space<hbm>>, %arg5: memref<240xi32, #tpu.memory_space<vmem>>, %arg6: memref<240xi32, #tpu.memory_space<vmem>>, %arg7: memref<240x128xf32, #tpu.memory_space<vmem>>, %arg8: memref<240x128xf32, #tpu.memory_space<vmem>>, %arg9: memref<80x128xf32, #tpu.memory_space<vmem>>, %arg10: memref<80x128xf32, #tpu.memory_space<vmem>>, %arg11: memref<!tpu.dma_semaphore, #tpu.memory_space<semaphore_mem>>, %arg12: memref<!tpu.dma_semaphore, #tpu.memory_space<semaphore_mem>>, %arg13: memref<!tpu.dma_semaphore, #tpu.memory_space<semaphore_mem>>, %arg14: memref<!tpu.dma_semaphore, #tpu.memory_space<semaphore_mem>>) attributes {dimension_semantics = [#tpu.dimension_semantics<core_parallel>, #tpu.dimension_semantics<subcore_parallel>], iteration_bounds = array<i64: 2, 16>, scalar_prefetch = 0 : i64, scratch_operands = 10 : i64, tpu.core_type = #tpu.core_type<sc_vector_subcore>, window_params = [{transform_indices = #map}, {transform_indices = #map1}, {transform_indices = #map}]} {
    %mul3A = arith.constant 2 : i32
    %mul3A_0 = arith.muli %arg1, %mul3A : i32
    %add3A = arith.addi %mul3A_0, %arg0 : i32
    %iota3A = tpu.iota {dimensions = array<i32: 0>} : vector<16xi32>
    %add3A_1 = arith.constant 0 : i32
    %add3A_2 = vector.broadcast %add3A_1 : i32 to vector<16xi32>
    %add3A_3 = arith.addi %iota3A, %add3A_2 : vector<16xi32>
    %jit3A = arith.constant 3 : i32
    %eq3A = arith.constant 0 : i32
    %eq3A_4 = arith.cmpi eq, %jit3A, %eq3A : i32
    %jit3A_5 = arith.constant 1 : i32
    %select_n3A = arith.select %eq3A_4, %jit3A_5, %jit3A : i32
    %rem3A = vector.broadcast %select_n3A : i32 to vector<16xi32>
    %rem3A_6 = arith.remsi %add3A_3, %rem3A : vector<16xi32>
    %ne3A = arith.constant 0 : i32
    %ne3A_7 = vector.broadcast %ne3A : i32 to vector<16xi32>
    %ne3A_8 = arith.cmpi ne, %rem3A_6, %ne3A_7 : vector<16xi32>
    %lt3A = arith.constant 0 : i32
    %lt3A_9 = vector.broadcast %lt3A : i32 to vector<16xi32>
    %lt3A_10 = arith.cmpi slt, %rem3A_6, %lt3A_9 : vector<16xi32>
    %lt3A_11 = arith.constant 0 : i32
    %lt3A_12 = arith.cmpi slt, %select_n3A, %lt3A_11 : i32
    %ne3A_13 = vector.broadcast %lt3A_12 : i1 to vector<16xi1>
    %ne3A_14 = vector.broadcast %ne3A_13 : vector<16xi1> to vector<16xi1>
    %ne3A_15 = arith.xori %lt3A_10, %ne3A_14 : vector<16xi1>
    %and3A = arith.andi %ne3A_15, %ne3A_8 : vector<16xi1>
    %add3A_16 = vector.broadcast %select_n3A : i32 to vector<16xi32>
    %add3A_17 = arith.addi %rem3A_6, %add3A_16 : vector<16xi32>
    %select_n3A_18 = arith.select %and3A, %add3A_17, %rem3A_6 : vector<16xi1>, vector<16xi32>
    %shift_right_arithmetic3A = arith.constant 1 : i32
    %shift_right_arithmetic3A_19 = vector.broadcast %shift_right_arithmetic3A : i32 to vector<16xi32>
    %shift_right_arithmetic3A_20 = arith.shrsi %select_n3A_18, %shift_right_arithmetic3A_19 : vector<16xi32>
    %mul3A_21 = arith.constant 100000 : i32
    %mul3A_22 = vector.broadcast %mul3A_21 : i32 to vector<16xi32>
    %mul3A_23 = arith.muli %shift_right_arithmetic3A_20, %mul3A_22 : vector<16xi32>
    %add3A_24 = arith.constant 1 : i32
    %add3A_25 = vector.broadcast %add3A_24 : i32 to vector<16xi32>
    %add3A_26 = arith.addi %iota3A, %add3A_25 : vector<16xi32>
    %jit3A_27 = arith.constant 3 : i32
    %eq3A_28 = arith.constant 0 : i32
    %eq3A_29 = arith.cmpi eq, %jit3A_27, %eq3A_28 : i32
    %jit3A_30 = arith.constant 1 : i32
    %select_n3A_31 = arith.select %eq3A_29, %jit3A_30, %jit3A_27 : i32
    %rem3A_32 = vector.broadcast %select_n3A_31 : i32 to vector<16xi32>
    %rem3A_33 = arith.remsi %add3A_26, %rem3A_32 : vector<16xi32>
    %ne3A_34 = arith.constant 0 : i32
    %ne3A_35 = vector.broadcast %ne3A_34 : i32 to vector<16xi32>
    %ne3A_36 = arith.cmpi ne, %rem3A_33, %ne3A_35 : vector<16xi32>
    %lt3A_37 = arith.constant 0 : i32
    %lt3A_38 = vector.broadcast %lt3A_37 : i32 to vector<16xi32>
    %lt3A_39 = arith.cmpi slt, %rem3A_33, %lt3A_38 : vector<16xi32>
    %lt3A_40 = arith.constant 0 : i32
    %lt3A_41 = arith.cmpi slt, %select_n3A_31, %lt3A_40 : i32
    %ne3A_42 = vector.broadcast %lt3A_41 : i1 to vector<16xi1>
    %ne3A_43 = vector.broadcast %ne3A_42 : vector<16xi1> to vector<16xi1>
    %ne3A_44 = arith.xori %lt3A_39, %ne3A_43 : vector<16xi1>
    %and3A_45 = arith.andi %ne3A_44, %ne3A_36 : vector<16xi1>
    %add3A_46 = vector.broadcast %select_n3A_31 : i32 to vector<16xi32>
    %add3A_47 = arith.addi %rem3A_33, %add3A_46 : vector<16xi32>
    %select_n3A_48 = arith.select %and3A_45, %add3A_47, %rem3A_33 : vector<16xi1>, vector<16xi32>
    %shift_right_arithmetic3A_49 = arith.constant 1 : i32
    %shift_right_arithmetic3A_50 = vector.broadcast %shift_right_arithmetic3A_49 : i32 to vector<16xi32>
    %shift_right_arithmetic3A_51 = arith.shrsi %select_n3A_48, %shift_right_arithmetic3A_50 : vector<16xi32>
    %mul3A_52 = arith.constant 100000 : i32
    %mul3A_53 = vector.broadcast %mul3A_52 : i32 to vector<16xi32>
    %mul3A_54 = arith.muli %shift_right_arithmetic3A_51, %mul3A_53 : vector<16xi32>
    %add3A_55 = arith.constant 2 : i32
    %add3A_56 = vector.broadcast %add3A_55 : i32 to vector<16xi32>
    %add3A_57 = arith.addi %iota3A, %add3A_56 : vector<16xi32>
    %jit3A_58 = arith.constant 3 : i32
    %eq3A_59 = arith.constant 0 : i32
    %eq3A_60 = arith.cmpi eq, %jit3A_58, %eq3A_59 : i32
    %jit3A_61 = arith.constant 1 : i32
    %select_n3A_62 = arith.select %eq3A_60, %jit3A_61, %jit3A_58 : i32
    %rem3A_63 = vector.broadcast %select_n3A_62 : i32 to vector<16xi32>
    %rem3A_64 = arith.remsi %add3A_57, %rem3A_63 : vector<16xi32>
    %ne3A_65 = arith.constant 0 : i32
    %ne3A_66 = vector.broadcast %ne3A_65 : i32 to vector<16xi32>
    %ne3A_67 = arith.cmpi ne, %rem3A_64, %ne3A_66 : vector<16xi32>
    %lt3A_68 = arith.constant 0 : i32
    %lt3A_69 = vector.broadcast %lt3A_68 : i32 to vector<16xi32>
    %lt3A_70 = arith.cmpi slt, %rem3A_64, %lt3A_69 : vector<16xi32>
    %lt3A_71 = arith.constant 0 : i32
    %lt3A_72 = arith.cmpi slt, %select_n3A_62, %lt3A_71 : i32
    %ne3A_73 = vector.broadcast %lt3A_72 : i1 to vector<16xi1>
    %ne3A_74 = vector.broadcast %ne3A_73 : vector<16xi1> to vector<16xi1>
    %ne3A_75 = arith.xori %lt3A_70, %ne3A_74 : vector<16xi1>
    %and3A_76 = arith.andi %ne3A_75, %ne3A_67 : vector<16xi1>
    %add3A_77 = vector.broadcast %select_n3A_62 : i32 to vector<16xi32>
    %add3A_78 = arith.addi %rem3A_64, %add3A_77 : vector<16xi32>
    %select_n3A_79 = arith.select %and3A_76, %add3A_78, %rem3A_64 : vector<16xi1>, vector<16xi32>
    %shift_right_arithmetic3A_80 = arith.constant 1 : i32
    %shift_right_arithmetic3A_81 = vector.broadcast %shift_right_arithmetic3A_80 : i32 to vector<16xi32>
    %shift_right_arithmetic3A_82 = arith.shrsi %select_n3A_79, %shift_right_arithmetic3A_81 : vector<16xi32>
    %mul3A_83 = arith.constant 100000 : i32
    %mul3A_84 = vector.broadcast %mul3A_83 : i32 to vector<16xi32>
    %mul3A_85 = arith.muli %shift_right_arithmetic3A_82, %mul3A_84 : vector<16xi32>
    %scan3A = arith.constant 0 : i32
    %scan3A_86 = arith.constant 0 : i32
    %scan3A_87 = arith.constant 80 : i32
    %scan3A_88 = arith.addi %scan3A_86, %scan3A_87 : i32
    %scan3A_89 = arith.constant 1 : i32
    scf.for %scan3A_102 = %scan3A_86 to %scan3A_88 step %scan3A_89  : i32 {
      %broadcast_in_dim3A = arith.constant 0.000000e+00 : f32
      %broadcast_in_dim3A_103 = vector.broadcast %broadcast_in_dim3A : f32 to vector<16xf32>
      %swap3A = arith.index_cast %scan3A_102 : i32 to index
      %swap3A_104 = arith.constant 64 : index
      %swap3A_105 = tpu.vector_load %arg9[%swap3A, %swap3A_104] {strides = array<i32>} : memref<80x128xf32, #tpu.memory_space<vmem>>, vector<1x16xf32>,
      %swap3A_106 = vector.shape_cast %swap3A_105 : vector<1x16xf32> to vector<16xf32>
      %swap3A_107 = vector.shape_cast %broadcast_in_dim3A_103 : vector<16xf32> to vector<1x16xf32>
      tpu.vector_store %arg9[%swap3A, %swap3A_104], %swap3A_107 {strides = array<i32>} : memref<80x128xf32, #tpu.memory_space<vmem>>, vector<1x16xf32>,
      %broadcast_in_dim3A_108 = arith.constant 0.000000e+00 : f32
      %broadcast_in_dim3A_109 = vector.broadcast %broadcast_in_dim3A_108 : f32 to vector<16xf32>
      %swap3A_110 = arith.index_cast %scan3A_102 : i32 to index
      %swap3A_111 = arith.constant 64 : index
      %swap3A_112 = tpu.vector_load %arg10[%swap3A_110, %swap3A_111] {strides = array<i32>} : memref<80x128xf32, #tpu.memory_space<vmem>>, vector<1x16xf32>,
      %swap3A_113 = vector.shape_cast %swap3A_112 : vector<1x16xf32> to vector<16xf32>
      %swap3A_114 = vector.shape_cast %broadcast_in_dim3A_109 : vector<16xf32> to vector<1x16xf32>
      tpu.vector_store %arg10[%swap3A_110, %swap3A_111], %swap3A_114 {strides = array<i32>} : memref<80x128xf32, #tpu.memory_space<vmem>>, vector<1x16xf32>,
      %broadcast_in_dim3A_115 = arith.constant 0.000000e+00 : f32
      %broadcast_in_dim3A_116 = vector.broadcast %broadcast_in_dim3A_115 : f32 to vector<16xf32>
      %swap3A_117 = arith.index_cast %scan3A_102 : i32 to index
      %swap3A_118 = arith.constant 80 : index
      %swap3A_119 = tpu.vector_load %arg9[%swap3A_117, %swap3A_118] {strides = array<i32>} : memref<80x128xf32, #tpu.memory_space<vmem>>, vector<1x16xf32>,
      %swap3A_120 = vector.shape_cast %swap3A_119 : vector<1x16xf32> to vector<16xf32>
      %swap3A_121 = vector.shape_cast %broadcast_in_dim3A_116 : vector<16xf32> to vector<1x16xf32>
      tpu.vector_store %arg9[%swap3A_117, %swap3A_118], %swap3A_121 {strides = array<i32>} : memref<80x128xf32, #tpu.memory_space<vmem>>, vector<1x16xf32>,
      %broadcast_in_dim3A_122 = arith.constant 0.000000e+00 : f32
      %broadcast_in_dim3A_123 = vector.broadcast %broadcast_in_dim3A_122 : f32 to vector<16xf32>
      %swap3A_124 = arith.index_cast %scan3A_102 : i32 to index
      %swap3A_125 = arith.constant 80 : index
      %swap3A_126 = tpu.vector_load %arg10[%swap3A_124, %swap3A_125] {strides = array<i32>} : memref<80x128xf32, #tpu.memory_space<vmem>>, vector<1x16xf32>,
      %swap3A_127 = vector.shape_cast %swap3A_126 : vector<1x16xf32> to vector<16xf32>
      %swap3A_128 = vector.shape_cast %broadcast_in_dim3A_123 : vector<16xf32> to vector<1x16xf32>
      tpu.vector_store %arg10[%swap3A_124, %swap3A_125], %swap3A_128 {strides = array<i32>} : memref<80x128xf32, #tpu.memory_space<vmem>>, vector<1x16xf32>,
      %broadcast_in_dim3A_129 = arith.constant 0.000000e+00 : f32
      %broadcast_in_dim3A_130 = vector.broadcast %broadcast_in_dim3A_129 : f32 to vector<16xf32>
      %swap3A_131 = arith.index_cast %scan3A_102 : i32 to index
      %swap3A_132 = arith.constant 96 : index
      %swap3A_133 = tpu.vector_load %arg9[%swap3A_131, %swap3A_132] {strides = array<i32>} : memref<80x128xf32, #tpu.memory_space<vmem>>, vector<1x16xf32>,
      %swap3A_134 = vector.shape_cast %swap3A_133 : vector<1x16xf32> to vector<16xf32>
      %swap3A_135 = vector.shape_cast %broadcast_in_dim3A_130 : vector<16xf32> to vector<1x16xf32>
      tpu.vector_store %arg9[%swap3A_131, %swap3A_132], %swap3A_135 {strides = array<i32>} : memref<80x128xf32, #tpu.memory_space<vmem>>, vector<1x16xf32>,
      %broadcast_in_dim3A_136 = arith.constant 0.000000e+00 : f32
      %broadcast_in_dim3A_137 = vector.broadcast %broadcast_in_dim3A_136 : f32 to vector<16xf32>
      %swap3A_138 = arith.index_cast %scan3A_102 : i32 to index
      %swap3A_139 = arith.constant 96 : index
      %swap3A_140 = tpu.vector_load %arg10[%swap3A_138, %swap3A_139] {strides = array<i32>} : memref<80x128xf32, #tpu.memory_space<vmem>>, vector<1x16xf32>,
      %swap3A_141 = vector.shape_cast %swap3A_140 : vector<1x16xf32> to vector<16xf32>
      %swap3A_142 = vector.shape_cast %broadcast_in_dim3A_137 : vector<16xf32> to vector<1x16xf32>
      tpu.vector_store %arg10[%swap3A_138, %swap3A_139], %swap3A_142 {strides = array<i32>} : memref<80x128xf32, #tpu.memory_space<vmem>>, vector<1x16xf32>,
      %broadcast_in_dim3A_143 = arith.constant 0.000000e+00 : f32
      %broadcast_in_dim3A_144 = vector.broadcast %broadcast_in_dim3A_143 : f32 to vector<16xf32>
      %swap3A_145 = arith.index_cast %scan3A_102 : i32 to index
      %swap3A_146 = arith.constant 112 : index
      %swap3A_147 = tpu.vector_load %arg9[%swap3A_145, %swap3A_146] {strides = array<i32>} : memref<80x128xf32, #tpu.memory_space<vmem>>, vector<1x16xf32>,
      %swap3A_148 = vector.shape_cast %swap3A_147 : vector<1x16xf32> to vector<16xf32>
      %swap3A_149 = vector.shape_cast %broadcast_in_dim3A_144 : vector<16xf32> to vector<1x16xf32>
      tpu.vector_store %arg9[%swap3A_145, %swap3A_146], %swap3A_149 {strides = array<i32>} : memref<80x128xf32, #tpu.memory_space<vmem>>, vector<1x16xf32>,
      %broadcast_in_dim3A_150 = arith.constant 0.000000e+00 : f32
      %broadcast_in_dim3A_151 = vector.broadcast %broadcast_in_dim3A_150 : f32 to vector<16xf32>
      %swap3A_152 = arith.index_cast %scan3A_102 : i32 to index
      %swap3A_153 = arith.constant 112 : index
      %swap3A_154 = tpu.vector_load %arg10[%swap3A_152, %swap3A_153] {strides = array<i32>} : memref<80x128xf32, #tpu.memory_space<vmem>>, vector<1x16xf32>,
      %swap3A_155 = vector.shape_cast %swap3A_154 : vector<1x16xf32> to vector<16xf32>
      %swap3A_156 = vector.shape_cast %broadcast_in_dim3A_151 : vector<16xf32> to vector<1x16xf32>
      tpu.vector_store %arg10[%swap3A_152, %swap3A_153], %swap3A_156 {strides = array<i32>} : memref<80x128xf32, #tpu.memory_space<vmem>>, vector<1x16xf32>,
    }
    %scan3A_90 = arith.constant 80 : i32
    %add3A_91 = arith.constant 0 : i32
    %add3A_92 = arith.addi %add3A_91, %add3A : i32
    %lt3A_93 = arith.constant 625 : i32
    %lt3A_94 = arith.cmpi slt, %add3A_92, %lt3A_93 : i32
    %convert_element_type3A = arith.extui %lt3A_94 : i1 to i32
    %cond3A = arith.constant 0 : i32
    %cond3A_95 = arith.cmpi ne, %convert_element_type3A, %cond3A : i32
    scf.if %cond3A_95 {
      %add3A_102 = arith.constant 0 : i32
      %add3A_103 = arith.addi %add3A_102, %add3A : i32
      %mul3A_104 = arith.constant 240 : i32
      %mul3A_105 = arith.muli %add3A_103, %mul3A_104 : i32
      "tpu.region"() ({
        %run_scoped3A = tpu.sem_alloc : memref<!tpu.dma_semaphore, #tpu.memory_space<semaphore_mem>>
        %dma_start3A_247 = arith.constant 0 : i32
        %dma_start3A_248 = tpu.memref_slice %arg5[%dma_start3A_247] : memref<240xi32, #tpu.memory_space<vmem>> -> memref<240xi32, #tpu.memory_space<vmem>>
        %dma_start3A_249 = tpu.memref_slice %arg3[%mul3A_105] : memref<300000xi32, #tpu.memory_space<hbm>> -> memref<240xi32, #tpu.memory_space<hbm>>
        %dma_start3A_250 = arith.constant 0 : i32
        %dma_start3A_251 = tpu.memref_slice %arg5[%dma_start3A_250] : memref<240xi32, #tpu.memory_space<vmem>> -> memref<240xi32, #tpu.memory_space<vmem>>
        %dma_start3A_252 = tpu.memref_slice %arg3[%mul3A_105] : memref<300000xi32, #tpu.memory_space<hbm>> -> memref<240xi32, #tpu.memory_space<hbm>>
        tpu.enqueue_dma source(%dma_start3A_252 : memref<240xi32, #tpu.memory_space<hbm>>) target(%dma_start3A_251 : memref<240xi32, #tpu.memory_space<vmem>>) target_semaphore(%run_scoped3A : memref<!tpu.dma_semaphore, #tpu.memory_space<semaphore_mem>>)
        %dma_wait3A = arith.constant 0 : i32
        %dma_wait3A_253 = tpu.memref_slice %arg5[%dma_wait3A] : memref<240xi32, #tpu.memory_space<vmem>> -> memref<240xi32, #tpu.memory_space<vmem>>
        %dma_wait3A_254 = tpu.memref_slice %arg3[%mul3A_105] : memref<300000xi32, #tpu.memory_space<hbm>> -> memref<240xi32, #tpu.memory_space<hbm>>
        %dma_wait3A_255 = arith.constant 0 : i32
        %dma_wait3A_256 = tpu.memref_slice %arg5[%dma_wait3A_255] : memref<240xi32, #tpu.memory_space<vmem>> -> memref<240xi32, #tpu.memory_space<vmem>>
        %dma_wait3A_257 = tpu.memref_slice %arg3[%mul3A_105] : memref<300000xi32, #tpu.memory_space<hbm>> -> memref<240xi32, #tpu.memory_space<hbm>>
        tpu.wait_dma2 semaphore(%run_scoped3A : memref<!tpu.dma_semaphore, #tpu.memory_space<semaphore_mem>>) src(%dma_wait3A_257 : memref<240xi32, #tpu.memory_space<hbm>>) dst(%dma_wait3A_256 : memref<240xi32, #tpu.memory_space<vmem>>)
        tpu.yield
      }) : () -> ()
      %get3A = arith.constant 0 : index
      %get3A_106 = tpu.vector_load %arg5[%get3A] {strides = array<i32>} : memref<240xi32, #tpu.memory_space<vmem>>, vector<16xi32>,
      %get3A_107 = vector.shape_cast %get3A_106 : vector<16xi32> to vector<16xi32>
      %add3A_108 = arith.addi %get3A_107, %mul3A_23 : vector<16xi32>
      %swap3A = arith.constant 0 : index
      %swap3A_109 = tpu.vector_load %arg5[%swap3A] {strides = array<i32>} : memref<240xi32, #tpu.memory_space<vmem>>, vector<16xi32>,
      %swap3A_110 = vector.shape_cast %swap3A_109 : vector<16xi32> to vector<16xi32>
      %swap3A_111 = vector.shape_cast %add3A_108 : vector<16xi32> to vector<16xi32>
      tpu.vector_store %arg5[%swap3A], %swap3A_111 {strides = array<i32>} : memref<240xi32, #tpu.memory_space<vmem>>, vector<16xi32>,
      %get3A_112 = arith.constant 16 : index
      %get3A_113 = tpu.vector_load %arg5[%get3A_112] {strides = array<i32>} : memref<240xi32, #tpu.memory_space<vmem>>, vector<16xi32>,
      %get3A_114 = vector.shape_cast %get3A_113 : vector<16xi32> to vector<16xi32>
      %add3A_115 = arith.addi %get3A_114, %mul3A_54 : vector<16xi32>
      %swap3A_116 = arith.constant 16 : index
      %swap3A_117 = tpu.vector_load %arg5[%swap3A_116] {strides = array<i32>} : memref<240xi32, #tpu.memory_space<vmem>>, vector<16xi32>,
      %swap3A_118 = vector.shape_cast %swap3A_117 : vector<16xi32> to vector<16xi32>
      %swap3A_119 = vector.shape_cast %add3A_115 : vector<16xi32> to vector<16xi32>
      tpu.vector_store %arg5[%swap3A_116], %swap3A_119 {strides = array<i32>} : memref<240xi32, #tpu.memory_space<vmem>>, vector<16xi32>,
      %get3A_120 = arith.constant 32 : index
      %get3A_121 = tpu.vector_load %arg5[%get3A_120] {strides = array<i32>} : memref<240xi32, #tpu.memory_space<vmem>>, vector<16xi32>,
      %get3A_122 = vector.shape_cast %get3A_121 : vector<16xi32> to vector<16xi32>
      %add3A_123 = arith.addi %get3A_122, %mul3A_85 : vector<16xi32>
      %swap3A_124 = arith.constant 32 : index
      %swap3A_125 = tpu.vector_load %arg5[%swap3A_124] {strides = array<i32>} : memref<240xi32, #tpu.memory_space<vmem>>, vector<16xi32>,
      %swap3A_126 = vector.shape_cast %swap3A_125 : vector<16xi32> to vector<16xi32>
      %swap3A_127 = vector.shape_cast %add3A_123 : vector<16xi32> to vector<16xi32>
      tpu.vector_store %arg5[%swap3A_124], %swap3A_127 {strides = array<i32>} : memref<240xi32, #tpu.memory_space<vmem>>, vector<16xi32>,
      %get3A_128 = arith.constant 48 : index
      %get3A_129 = tpu.vector_load %arg5[%get3A_128] {strides = array<i32>} : memref<240xi32, #tpu.memory_space<vmem>>, vector<16xi32>,
      %get3A_130 = vector.shape_cast %get3A_129 : vector<16xi32> to vector<16xi32>
      %add3A_131 = arith.addi %get3A_130, %mul3A_23 : vector<16xi32>
      %swap3A_132 = arith.constant 48 : index
      %swap3A_133 = tpu.vector_load %arg5[%swap3A_132] {strides = array<i32>} : memref<240xi32, #tpu.memory_space<vmem>>, vector<16xi32>,
      %swap3A_134 = vector.shape_cast %swap3A_133 : vector<16xi32> to vector<16xi32>
      %swap3A_135 = vector.shape_cast %add3A_131 : vector<16xi32> to vector<16xi32>
      tpu.vector_store %arg5[%swap3A_132], %swap3A_135 {strides = array<i32>} : memref<240xi32, #tpu.memory_space<vmem>>, vector<16xi32>,
      %get3A_136 = arith.constant 64 : index
      %get3A_137 = tpu.vector_load %arg5[%get3A_136] {strides = array<i32>} : memref<240xi32, #tpu.memory_space<vmem>>, vector<16xi32>,
      %get3A_138 = vector.shape_cast %get3A_137 : vector<16xi32> to vector<16xi32>
      %add3A_139 = arith.addi %get3A_138, %mul3A_54 : vector<16xi32>
      %swap3A_140 = arith.constant 64 : index
      %swap3A_141 = tpu.vector_load %arg5[%swap3A_140] {strides = array<i32>} : memref<240xi32, #tpu.memory_space<vmem>>, vector<16xi32>,
      %swap3A_142 = vector.shape_cast %swap3A_141 : vector<16xi32> to vector<16xi32>
      %swap3A_143 = vector.shape_cast %add3A_139 : vector<16xi32> to vector<16xi32>
      tpu.vector_store %arg5[%swap3A_140], %swap3A_143 {strides = array<i32>} : memref<240xi32, #tpu.memory_space<vmem>>, vector<16xi32>,
      %get3A_144 = arith.constant 80 : index
      %get3A_145 = tpu.vector_load %arg5[%get3A_144] {strides = array<i32>} : memref<240xi32, #tpu.memory_space<vmem>>, vector<16xi32>,
      %get3A_146 = vector.shape_cast %get3A_145 : vector<16xi32> to vector<16xi32>
      %add3A_147 = arith.addi %get3A_146, %mul3A_85 : vector<16xi32>
      %swap3A_148 = arith.constant 80 : index
      %swap3A_149 = tpu.vector_load %arg5[%swap3A_148] {strides = array<i32>} : memref<240xi32, #tpu.memory_space<vmem>>, vector<16xi32>,
      %swap3A_150 = vector.shape_cast %swap3A_149 : vector<16xi32> to vector<16xi32>
      %swap3A_151 = vector.shape_cast %add3A_147 : vector<16xi32> to vector<16xi32>
      tpu.vector_store %arg5[%swap3A_148], %swap3A_151 {strides = array<i32>} : memref<240xi32, #tpu.memory_space<vmem>>, vector<16xi32>,
      %get3A_152 = arith.constant 96 : index
      %get3A_153 = tpu.vector_load %arg5[%get3A_152] {strides = array<i32>} : memref<240xi32, #tpu.memory_space<vmem>>, vector<16xi32>,
      %get3A_154 = vector.shape_cast %get3A_153 : vector<16xi32> to vector<16xi32>
      %add3A_155 = arith.addi %get3A_154, %mul3A_23 : vector<16xi32>
      %swap3A_156 = arith.constant 96 : index
      %swap3A_157 = tpu.vector_load %arg5[%swap3A_156] {strides = array<i32>} : memref<240xi32, #tpu.memory_space<vmem>>, vector<16xi32>,
      %swap3A_158 = vector.shape_cast %swap3A_157 : vector<16xi32> to vector<16xi32>
      %swap3A_159 = vector.shape_cast %add3A_155 : vector<16xi32> to vector<16xi32>
      tpu.vector_store %arg5[%swap3A_156], %swap3A_159 {strides = array<i32>} : memref<240xi32, #tpu.memory_space<vmem>>, vector<16xi32>,
      %get3A_160 = arith.constant 112 : index
      %get3A_161 = tpu.vector_load %arg5[%get3A_160] {strides = array<i32>} : memref<240xi32, #tpu.memory_space<vmem>>, vector<16xi32>,
      %get3A_162 = vector.shape_cast %get3A_161 : vector<16xi32> to vector<16xi32>
      %add3A_163 = arith.addi %get3A_162, %mul3A_54 : vector<16xi32>
      %swap3A_164 = arith.constant 112 : index
      %swap3A_165 = tpu.vector_load %arg5[%swap3A_164] {strides = array<i32>} : memref<240xi32, #tpu.memory_space<vmem>>, vector<16xi32>,
      %swap3A_166 = vector.shape_cast %swap3A_165 : vector<16xi32> to vector<16xi32>
      %swap3A_167 = vector.shape_cast %add3A_163 : vector<16xi32> to vector<16xi32>
      tpu.vector_store %arg5[%swap3A_164], %swap3A_167 {strides = array<i32>} : memref<240xi32, #tpu.memory_space<vmem>>, vector<16xi32>,
      %get3A_168 = arith.constant 128 : index
      %get3A_169 = tpu.vector_load %arg5[%get3A_168] {strides = array<i32>} : memref<240xi32, #tpu.memory_space<vmem>>, vector<16xi32>,
      %get3A_170 = vector.shape_cast %get3A_169 : vector<16xi32> to vector<16xi32>
      %add3A_171 = arith.addi %get3A_170, %mul3A_85 : vector<16xi32>
      %swap3A_172 = arith.constant 128 : index
      %swap3A_173 = tpu.vector_load %arg5[%swap3A_172] {strides = array<i32>} : memref<240xi32, #tpu.memory_space<vmem>>, vector<16xi32>,
      %swap3A_174 = vector.shape_cast %swap3A_173 : vector<16xi32> to vector<16xi32>
      %swap3A_175 = vector.shape_cast %add3A_171 : vector<16xi32> to vector<16xi32>
      tpu.vector_store %arg5[%swap3A_172], %swap3A_175 {strides = array<i32>} : memref<240xi32, #tpu.memory_space<vmem>>, vector<16xi32>,
      %get3A_176 = arith.constant 144 : index
      %get3A_177 = tpu.vector_load %arg5[%get3A_176] {strides = array<i32>} : memref<240xi32, #tpu.memory_space<vmem>>, vector<16xi32>,
      %get3A_178 = vector.shape_cast %get3A_177 : vector<16xi32> to vector<16xi32>
      %add3A_179 = arith.addi %get3A_178, %mul3A_23 : vector<16xi32>
      %swap3A_180 = arith.constant 144 : index
      %swap3A_181 = tpu.vector_load %arg5[%swap3A_180] {strides = array<i32>} : memref<240xi32, #tpu.memory_space<vmem>>, vector<16xi32>,
      %swap3A_182 = vector.shape_cast %swap3A_181 : vector<16xi32> to vector<16xi32>
      %swap3A_183 = vector.shape_cast %add3A_179 : vector<16xi32> to vector<16xi32>
      tpu.vector_store %arg5[%swap3A_180], %swap3A_183 {strides = array<i32>} : memref<240xi32, #tpu.memory_space<vmem>>, vector<16xi32>,
      %get3A_184 = arith.constant 160 : index
      %get3A_185 = tpu.vector_load %arg5[%get3A_184] {strides = array<i32>} : memref<240xi32, #tpu.memory_space<vmem>>, vector<16xi32>,
      %get3A_186 = vector.shape_cast %get3A_185 : vector<16xi32> to vector<16xi32>
      %add3A_187 = arith.addi %get3A_186, %mul3A_54 : vector<16xi32>
      %swap3A_188 = arith.constant 160 : index
      %swap3A_189 = tpu.vector_load %arg5[%swap3A_188] {strides = array<i32>} : memref<240xi32, #tpu.memory_space<vmem>>, vector<16xi32>,
      %swap3A_190 = vector.shape_cast %swap3A_189 : vector<16xi32> to vector<16xi32>
      %swap3A_191 = vector.shape_cast %add3A_187 : vector<16xi32> to vector<16xi32>
      tpu.vector_store %arg5[%swap3A_188], %swap3A_191 {strides = array<i32>} : memref<240xi32, #tpu.memory_space<vmem>>, vector<16xi32>,
      %get3A_192 = arith.constant 176 : index
      %get3A_193 = tpu.vector_load %arg5[%get3A_192] {strides = array<i32>} : memref<240xi32, #tpu.memory_space<vmem>>, vector<16xi32>,
      %get3A_194 = vector.shape_cast %get3A_193 : vector<16xi32> to vector<16xi32>
      %add3A_195 = arith.addi %get3A_194, %mul3A_85 : vector<16xi32>
      %swap3A_196 = arith.constant 176 : index
      %swap3A_197 = tpu.vector_load %arg5[%swap3A_196] {strides = array<i32>} : memref<240xi32, #tpu.memory_space<vmem>>, vector<16xi32>,
      %swap3A_198 = vector.shape_cast %swap3A_197 : vector<16xi32> to vector<16xi32>
      %swap3A_199 = vector.shape_cast %add3A_195 : vector<16xi32> to vector<16xi32>
      tpu.vector_store %arg5[%swap3A_196], %swap3A_199 {strides = array<i32>} : memref<240xi32, #tpu.memory_space<vmem>>, vector<16xi32>,
      %get3A_200 = arith.constant 192 : index
      %get3A_201 = tpu.vector_load %arg5[%get3A_200] {strides = array<i32>} : memref<240xi32, #tpu.memory_space<vmem>>, vector<16xi32>,
      %get3A_202 = vector.shape_cast %get3A_201 : vector<16xi32> to vector<16xi32>
      %add3A_203 = arith.addi %get3A_202, %mul3A_23 : vector<16xi32>
      %swap3A_204 = arith.constant 192 : index
      %swap3A_205 = tpu.vector_load %arg5[%swap3A_204] {strides = array<i32>} : memref<240xi32, #tpu.memory_space<vmem>>, vector<16xi32>,
      %swap3A_206 = vector.shape_cast %swap3A_205 : vector<16xi32> to vector<16xi32>
      %swap3A_207 = vector.shape_cast %add3A_203 : vector<16xi32> to vector<16xi32>
      tpu.vector_store %arg5[%swap3A_204], %swap3A_207 {strides = array<i32>} : memref<240xi32, #tpu.memory_space<vmem>>, vector<16xi32>,
      %get3A_208 = arith.constant 208 : index
      %get3A_209 = tpu.vector_load %arg5[%get3A_208] {strides = array<i32>} : memref<240xi32, #tpu.memory_space<vmem>>, vector<16xi32>,
      %get3A_210 = vector.shape_cast %get3A_209 : vector<16xi32> to vector<16xi32>
      %add3A_211 = arith.addi %get3A_210, %mul3A_54 : vector<16xi32>
      %swap3A_212 = arith.constant 208 : index
      %swap3A_213 = tpu.vector_load %arg5[%swap3A_212] {strides = array<i32>} : memref<240xi32, #tpu.memory_space<vmem>>, vector<16xi32>,
      %swap3A_214 = vector.shape_cast %swap3A_213 : vector<16xi32> to vector<16xi32>
      %swap3A_215 = vector.shape_cast %add3A_211 : vector<16xi32> to vector<16xi32>
      tpu.vector_store %arg5[%swap3A_212], %swap3A_215 {strides = array<i32>} : memref<240xi32, #tpu.memory_space<vmem>>, vector<16xi32>,
      %get3A_216 = arith.constant 224 : index
      %get3A_217 = tpu.vector_load %arg5[%get3A_216] {strides = array<i32>} : memref<240xi32, #tpu.memory_space<vmem>>, vector<16xi32>,
      %get3A_218 = vector.shape_cast %get3A_217 : vector<16xi32> to vector<16xi32>
      %add3A_219 = arith.addi %get3A_218, %mul3A_85 : vector<16xi32>
      %swap3A_220 = arith.constant 224 : index
      %swap3A_221 = tpu.vector_load %arg5[%swap3A_220] {strides = array<i32>} : memref<240xi32, #tpu.memory_space<vmem>>, vector<16xi32>,
      %swap3A_222 = vector.shape_cast %swap3A_221 : vector<16xi32> to vector<16xi32>
      %swap3A_223 = vector.shape_cast %add3A_219 : vector<16xi32> to vector<16xi32>
      tpu.vector_store %arg5[%swap3A_220], %swap3A_223 {strides = array<i32>} : memref<240xi32, #tpu.memory_space<vmem>>, vector<16xi32>,
      %dma_start3A = arith.constant 0 : i32
      %dma_start3A_224 = arith.constant 0 : i32
      %dma_start3A_225 = tpu.memref_slice %arg7[%dma_start3A, %dma_start3A_224] : memref<240x128xf32, #tpu.memory_space<vmem>> -> memref<80x128xf32, #tpu.memory_space<vmem>>
      %dma_start3A_226 = arith.constant 0 : i32
      %dma_start3A_227 = tpu.memref_slice %arg5[%dma_start3A_226] : memref<240xi32, #tpu.memory_space<vmem>> -> memref<80xi32, #tpu.memory_space<vmem>>
      %dma_start3A_228 = arith.constant 0 : i32
      %dma_start3A_229 = arith.constant 0 : i32
      %dma_start3A_230 = tpu.memref_slice %arg2[%dma_start3A_228, %dma_start3A_229] : memref<200000x128xf32, #tpu.memory_space<hbm>> -> memref<200000x128xf32, #tpu.memory_space<hbm>>
      tpu.enqueue_indirect_dma source(%dma_start3A_230 : memref<200000x128xf32, #tpu.memory_space<hbm>>) target(%dma_start3A_225 : memref<80x128xf32, #tpu.memory_space<vmem>>) offsets(%dma_start3A_227 : memref<80xi32, #tpu.memory_space<vmem>>) semaphore(%arg11 : memref<!tpu.dma_semaphore, #tpu.memory_space<semaphore_mem>>)
      %dma_start3A_231 = arith.constant 80 : i32
      %dma_start3A_232 = arith.constant 0 : i32
      %dma_start3A_233 = tpu.memref_slice %arg7[%dma_start3A_231, %dma_start3A_232] : memref<240x128xf32, #tpu.memory_space<vmem>> -> memref<80x128xf32, #tpu.memory_space<vmem>>
      %dma_start3A_234 = arith.constant 80 : i32
      %dma_start3A_235 = tpu.memref_slice %arg5[%dma_start3A_234] : memref<240xi32, #tpu.memory_space<vmem>> -> memref<80xi32, #tpu.memory_space<vmem>>
      %dma_start3A_236 = arith.constant 0 : i32
      %dma_start3A_237 = arith.constant 0 : i32
      %dma_start3A_238 = tpu.memref_slice %arg2[%dma_start3A_236, %dma_start3A_237] : memref<200000x128xf32, #tpu.memory_space<hbm>> -> memref<200000x128xf32, #tpu.memory_space<hbm>>
      tpu.enqueue_indirect_dma source(%dma_start3A_238 : memref<200000x128xf32, #tpu.memory_space<hbm>>) target(%dma_start3A_233 : memref<80x128xf32, #tpu.memory_space<vmem>>) offsets(%dma_start3A_235 : memref<80xi32, #tpu.memory_space<vmem>>) semaphore(%arg11 : memref<!tpu.dma_semaphore, #tpu.memory_space<semaphore_mem>>)
      %dma_start3A_239 = arith.constant 160 : i32
      %dma_start3A_240 = arith.constant 0 : i32
      %dma_start3A_241 = tpu.memref_slice %arg7[%dma_start3A_239, %dma_start3A_240] : memref<240x128xf32, #tpu.memory_space<vmem>> -> memref<80x128xf32, #tpu.memory_space<vmem>>
      %dma_start3A_242 = arith.constant 160 : i32
      %dma_start3A_243 = tpu.memref_slice %arg5[%dma_start3A_242] : memref<240xi32, #tpu.memory_space<vmem>> -> memref<80xi32, #tpu.memory_space<vmem>>
      %dma_start3A_244 = arith.constant 0 : i32
      %dma_start3A_245 = arith.constant 0 : i32
      %dma_start3A_246 = tpu.memref_slice %arg2[%dma_start3A_244, %dma_start3A_245] : memref<200000x128xf32, #tpu.memory_space<hbm>> -> memref<200000x128xf32, #tpu.memory_space<hbm>>
      tpu.enqueue_indirect_dma source(%dma_start3A_246 : memref<200000x128xf32, #tpu.memory_space<hbm>>) target(%dma_start3A_241 : memref<80x128xf32, #tpu.memory_space<vmem>>) offsets(%dma_start3A_243 : memref<80xi32, #tpu.memory_space<vmem>>) semaphore(%arg11 : memref<!tpu.dma_semaphore, #tpu.memory_space<semaphore_mem>>)
    } else {
    }
    %scan3A_96 = arith.constant 0 : i32
    %scan3A_97 = arith.constant 0 : i32
    %scan3A_98 = arith.constant 11 : i32
    %scan3A_99 = arith.addi %scan3A_97, %scan3A_98 : i32
    %scan3A_100 = arith.constant 1 : i32
    scf.for %scan3A_102 = %scan3A_97 to %scan3A_99 step %scan3A_100  : i32 {
      %mul3A_103 = arith.constant 2 : i32
      %mul3A_104 = arith.muli %mul3A_103, %scan3A_102 : i32
      %add3A_105 = arith.constant 0 : i32
      %add3A_106 = arith.addi %add3A_105, %add3A : i32
      %mul3A_107 = arith.constant 32 : i32
      %mul3A_108 = arith.muli %mul3A_104, %mul3A_107 : i32
      %add3A_109 = arith.addi %add3A_106, %mul3A_108 : i32
      %add3A_110 = arith.constant 32 : i32
      %add3A_111 = arith.addi %add3A_109, %add3A_110 : i32
      %sub3A = arith.constant 64 : i32
      %sub3A_112 = arith.subi %add3A_109, %sub3A : i32
      %lt3A_113 = arith.constant 625 : i32
      %lt3A_114 = arith.cmpi slt, %add3A_111, %lt3A_113 : i32
      %convert_element_type3A_115 = arith.extui %lt3A_114 : i1 to i32
      %cond3A_116 = arith.constant 0 : i32
      %cond3A_117 = arith.cmpi ne, %convert_element_type3A_115, %cond3A_116 : i32
      scf.if %cond3A_117 {
        %mul3A_161 = arith.constant 240 : i32
        %mul3A_162 = arith.muli %add3A_111, %mul3A_161 : i32
        "tpu.region"() ({
          %run_scoped3A = tpu.sem_alloc : memref<!tpu.dma_semaphore, #tpu.memory_space<semaphore_mem>>
          %dma_start3A_304 = arith.constant 0 : i32
          %dma_start3A_305 = tpu.memref_slice %arg6[%dma_start3A_304] : memref<240xi32, #tpu.memory_space<vmem>> -> memref<240xi32, #tpu.memory_space<vmem>>
          %dma_start3A_306 = tpu.memref_slice %arg3[%mul3A_162] : memref<300000xi32, #tpu.memory_space<hbm>> -> memref<240xi32, #tpu.memory_space<hbm>>
          %dma_start3A_307 = arith.constant 0 : i32
          %dma_start3A_308 = tpu.memref_slice %arg6[%dma_start3A_307] : memref<240xi32, #tpu.memory_space<vmem>> -> memref<240xi32, #tpu.memory_space<vmem>>
          %dma_start3A_309 = tpu.memref_slice %arg3[%mul3A_162] : memref<300000xi32, #tpu.memory_space<hbm>> -> memref<240xi32, #tpu.memory_space<hbm>>
          tpu.enqueue_dma source(%dma_start3A_309 : memref<240xi32, #tpu.memory_space<hbm>>) target(%dma_start3A_308 : memref<240xi32, #tpu.memory_space<vmem>>) target_semaphore(%run_scoped3A : memref<!tpu.dma_semaphore, #tpu.memory_space<semaphore_mem>>)
          %dma_wait3A = arith.constant 0 : i32
          %dma_wait3A_310 = tpu.memref_slice %arg6[%dma_wait3A] : memref<240xi32, #tpu.memory_space<vmem>> -> memref<240xi32, #tpu.memory_space<vmem>>
          %dma_wait3A_311 = tpu.memref_slice %arg3[%mul3A_162] : memref<300000xi32, #tpu.memory_space<hbm>> -> memref<240xi32, #tpu.memory_space<hbm>>
          %dma_wait3A_312 = arith.constant 0 : i32
          %dma_wait3A_313 = tpu.memref_slice %arg6[%dma_wait3A_312] : memref<240xi32, #tpu.memory_space<vmem>> -> memref<240xi32, #tpu.memory_space<vmem>>
          %dma_wait3A_314 = tpu.memref_slice %arg3[%mul3A_162] : memref<300000xi32, #tpu.memory_space<hbm>> -> memref<240xi32, #tpu.memory_space<hbm>>
          tpu.wait_dma2 semaphore(%run_scoped3A : memref<!tpu.dma_semaphore, #tpu.memory_space<semaphore_mem>>) src(%dma_wait3A_314 : memref<240xi32, #tpu.memory_space<hbm>>) dst(%dma_wait3A_313 : memref<240xi32, #tpu.memory_space<vmem>>)
          tpu.yield
        }) : () -> ()
        %get3A = arith.constant 0 : index
        %get3A_163 = tpu.vector_load %arg6[%get3A] {strides = array<i32>} : memref<240xi32, #tpu.memory_space<vmem>>, vector<16xi32>,
        %get3A_164 = vector.shape_cast %get3A_163 : vector<16xi32> to vector<16xi32>
        %add3A_165 = arith.addi %get3A_164, %mul3A_23 : vector<16xi32>
        %swap3A = arith.constant 0 : index
        %swap3A_166 = tpu.vector_load %arg6[%swap3A] {strides = array<i32>} : memref<240xi32, #tpu.memory_space<vmem>>, vector<16xi32>,
        %swap3A_167 = vector.shape_cast %swap3A_166 : vector<16xi32> to vector<16xi32>
        %swap3A_168 = vector.shape_cast %add3A_165 : vector<16xi32> to vector<16xi32>
        tpu.vector_store %arg6[%swap3A], %swap3A_168 {strides = array<i32>} : memref<240xi32, #tpu.memory_space<vmem>>, vector<16xi32>,
        %get3A_169 = arith.constant 16 : index
        %get3A_170 = tpu.vector_load %arg6[%get3A_169] {strides = array<i32>} : memref<240xi32, #tpu.memory_space<vmem>>, vector<16xi32>,
        %get3A_171 = vector.shape_cast %get3A_170 : vector<16xi32> to vector<16xi32>
        %add3A_172 = arith.addi %get3A_171, %mul3A_54 : vector<16xi32>
        %swap3A_173 = arith.constant 16 : index
        %swap3A_174 = tpu.vector_load %arg6[%swap3A_173] {strides = array<i32>} : memref<240xi32, #tpu.memory_space<vmem>>, vector<16xi32>,
        %swap3A_175 = vector.shape_cast %swap3A_174 : vector<16xi32> to vector<16xi32>
        %swap3A_176 = vector.shape_cast %add3A_172 : vector<16xi32> to vector<16xi32>
        tpu.vector_store %arg6[%swap3A_173], %swap3A_176 {strides = array<i32>} : memref<240xi32, #tpu.memory_space<vmem>>, vector<16xi32>,
        %get3A_177 = arith.constant 32 : index
        %get3A_178 = tpu.vector_load %arg6[%get3A_177] {strides = array<i32>} : memref<240xi32, #tpu.memory_space<vmem>>, vector<16xi32>,
        %get3A_179 = vector.shape_cast %get3A_178 : vector<16xi32> to vector<16xi32>
        %add3A_180 = arith.addi %get3A_179, %mul3A_85 : vector<16xi32>
        %swap3A_181 = arith.constant 32 : index
        %swap3A_182 = tpu.vector_load %arg6[%swap3A_181] {strides = array<i32>} : memref<240xi32, #tpu.memory_space<vmem>>, vector<16xi32>,
        %swap3A_183 = vector.shape_cast %swap3A_182 : vector<16xi32> to vector<16xi32>
        %swap3A_184 = vector.shape_cast %add3A_180 : vector<16xi32> to vector<16xi32>
        tpu.vector_store %arg6[%swap3A_181], %swap3A_184 {strides = array<i32>} : memref<240xi32, #tpu.memory_space<vmem>>, vector<16xi32>,
        %get3A_185 = arith.constant 48 : index
        %get3A_186 = tpu.vector_load %arg6[%get3A_185] {strides = array<i32>} : memref<240xi32, #tpu.memory_space<vmem>>, vector<16xi32>,
        %get3A_187 = vector.shape_cast %get3A_186 : vector<16xi32> to vector<16xi32>
        %add3A_188 = arith.addi %get3A_187, %mul3A_23 : vector<16xi32>
        %swap3A_189 = arith.constant 48 : index
        %swap3A_190 = tpu.vector_load %arg6[%swap3A_189] {strides = array<i32>} : memref<240xi32, #tpu.memory_space<vmem>>, vector<16xi32>,
        %swap3A_191 = vector.shape_cast %swap3A_190 : vector<16xi32> to vector<16xi32>
        %swap3A_192 = vector.shape_cast %add3A_188 : vector<16xi32> to vector<16xi32>
        tpu.vector_store %arg6[%swap3A_189], %swap3A_192 {strides = array<i32>} : memref<240xi32, #tpu.memory_space<vmem>>, vector<16xi32>,
        %get3A_193 = arith.constant 64 : index
        %get3A_194 = tpu.vector_load %arg6[%get3A_193] {strides = array<i32>} : memref<240xi32, #tpu.memory_space<vmem>>, vector<16xi32>,
        %get3A_195 = vector.shape_cast %get3A_194 : vector<16xi32> to vector<16xi32>
        %add3A_196 = arith.addi %get3A_195, %mul3A_54 : vector<16xi32>
        %swap3A_197 = arith.constant 64 : index
        %swap3A_198 = tpu.vector_load %arg6[%swap3A_197] {strides = array<i32>} : memref<240xi32, #tpu.memory_space<vmem>>, vector<16xi32>,
        %swap3A_199 = vector.shape_cast %swap3A_198 : vector<16xi32> to vector<16xi32>
        %swap3A_200 = vector.shape_cast %add3A_196 : vector<16xi32> to vector<16xi32>
        tpu.vector_store %arg6[%swap3A_197], %swap3A_200 {strides = array<i32>} : memref<240xi32, #tpu.memory_space<vmem>>, vector<16xi32>,
        %get3A_201 = arith.constant 80 : index
        %get3A_202 = tpu.vector_load %arg6[%get3A_201] {strides = array<i32>} : memref<240xi32, #tpu.memory_space<vmem>>, vector<16xi32>,
        %get3A_203 = vector.shape_cast %get3A_202 : vector<16xi32> to vector<16xi32>
        %add3A_204 = arith.addi %get3A_203, %mul3A_85 : vector<16xi32>
        %swap3A_205 = arith.constant 80 : index
        %swap3A_206 = tpu.vector_load %arg6[%swap3A_205] {strides = array<i32>} : memref<240xi32, #tpu.memory_space<vmem>>, vector<16xi32>,
        %swap3A_207 = vector.shape_cast %swap3A_206 : vector<16xi32> to vector<16xi32>
        %swap3A_208 = vector.shape_cast %add3A_204 : vector<16xi32> to vector<16xi32>
        tpu.vector_store %arg6[%swap3A_205], %swap3A_208 {strides = array<i32>} : memref<240xi32, #tpu.memory_space<vmem>>, vector<16xi32>,
        %get3A_209 = arith.constant 96 : index
        %get3A_210 = tpu.vector_load %arg6[%get3A_209] {strides = array<i32>} : memref<240xi32, #tpu.memory_space<vmem>>, vector<16xi32>,
        %get3A_211 = vector.shape_cast %get3A_210 : vector<16xi32> to vector<16xi32>
        %add3A_212 = arith.addi %get3A_211, %mul3A_23 : vector<16xi32>
        %swap3A_213 = arith.constant 96 : index
        %swap3A_214 = tpu.vector_load %arg6[%swap3A_213] {strides = array<i32>} : memref<240xi32, #tpu.memory_space<vmem>>, vector<16xi32>,
        %swap3A_215 = vector.shape_cast %swap3A_214 : vector<16xi32> to vector<16xi32>
        %swap3A_216 = vector.shape_cast %add3A_212 : vector<16xi32> to vector<16xi32>
        tpu.vector_store %arg6[%swap3A_213], %swap3A_216 {strides = array<i32>} : memref<240xi32, #tpu.memory_space<vmem>>, vector<16xi32>,
        %get3A_217 = arith.constant 112 : index
        %get3A_218 = tpu.vector_load %arg6[%get3A_217] {strides = array<i32>} : memref<240xi32, #tpu.memory_space<vmem>>, vector<16xi32>,
        %get3A_219 = vector.shape_cast %get3A_218 : vector<16xi32> to vector<16xi32>
        %add3A_220 = arith.addi %get3A_219, %mul3A_54 : vector<16xi32>
        %swap3A_221 = arith.constant 112 : index
        %swap3A_222 = tpu.vector_load %arg6[%swap3A_221] {strides = array<i32>} : memref<240xi32, #tpu.memory_space<vmem>>, vector<16xi32>,
        %swap3A_223 = vector.shape_cast %swap3A_222 : vector<16xi32> to vector<16xi32>
        %swap3A_224 = vector.shape_cast %add3A_220 : vector<16xi32> to vector<16xi32>
        tpu.vector_store %arg6[%swap3A_221], %swap3A_224 {strides = array<i32>} : memref<240xi32, #tpu.memory_space<vmem>>, vector<16xi32>,
        %get3A_225 = arith.constant 128 : index
        %get3A_226 = tpu.vector_load %arg6[%get3A_225] {strides = array<i32>} : memref<240xi32, #tpu.memory_space<vmem>>, vector<16xi32>,
        %get3A_227 = vector.shape_cast %get3A_226 : vector<16xi32> to vector<16xi32>
        %add3A_228 = arith.addi %get3A_227, %mul3A_85 : vector<16xi32>
        %swap3A_229 = arith.constant 128 : index
        %swap3A_230 = tpu.vector_load %arg6[%swap3A_229] {strides = array<i32>} : memref<240xi32, #tpu.memory_space<vmem>>, vector<16xi32>,
        %swap3A_231 = vector.shape_cast %swap3A_230 : vector<16xi32> to vector<16xi32>
        %swap3A_232 = vector.shape_cast %add3A_228 : vector<16xi32> to vector<16xi32>
        tpu.vector_store %arg6[%swap3A_229], %swap3A_232 {strides = array<i32>} : memref<240xi32, #tpu.memory_space<vmem>>, vector<16xi32>,
        %get3A_233 = arith.constant 144 : index
        %get3A_234 = tpu.vector_load %arg6[%get3A_233] {strides = array<i32>} : memref<240xi32, #tpu.memory_space<vmem>>, vector<16xi32>,
        %get3A_235 = vector.shape_cast %get3A_234 : vector<16xi32> to vector<16xi32>
        %add3A_236 = arith.addi %get3A_235, %mul3A_23 : vector<16xi32>
        %swap3A_237 = arith.constant 144 : index
        %swap3A_238 = tpu.vector_load %arg6[%swap3A_237] {strides = array<i32>} : memref<240xi32, #tpu.memory_space<vmem>>, vector<16xi32>,
        %swap3A_239 = vector.shape_cast %swap3A_238 : vector<16xi32> to vector<16xi32>
        %swap3A_240 = vector.shape_cast %add3A_236 : vector<16xi32> to vector<16xi32>
        tpu.vector_store %arg6[%swap3A_237], %swap3A_240 {strides = array<i32>} : memref<240xi32, #tpu.memory_space<vmem>>, vector<16xi32>,
        %get3A_241 = arith.constant 160 : index
        %get3A_242 = tpu.vector_load %arg6[%get3A_241] {strides = array<i32>} : memref<240xi32, #tpu.memory_space<vmem>>, vector<16xi32>,
        %get3A_243 = vector.shape_cast %get3A_242 : vector<16xi32> to vector<16xi32>
        %add3A_244 = arith.addi %get3A_243, %mul3A_54 : vector<16xi32>
        %swap3A_245 = arith.constant 160 : index
        %swap3A_246 = tpu.vector_load %arg6[%swap3A_245] {strides = array<i32>} : memref<240xi32, #tpu.memory_space<vmem>>, vector<16xi32>,
        %swap3A_247 = vector.shape_cast %swap3A_246 : vector<16xi32> to vector<16xi32>
        %swap3A_248 = vector.shape_cast %add3A_244 : vector<16xi32> to vector<16xi32>
        tpu.vector_store %arg6[%swap3A_245], %swap3A_248 {strides = array<i32>} : memref<240xi32, #tpu.memory_space<vmem>>, vector<16xi32>,
        %get3A_249 = arith.constant 176 : index
        %get3A_250 = tpu.vector_load %arg6[%get3A_249] {strides = array<i32>} : memref<240xi32, #tpu.memory_space<vmem>>, vector<16xi32>,
        %get3A_251 = vector.shape_cast %get3A_250 : vector<16xi32> to vector<16xi32>
        %add3A_252 = arith.addi %get3A_251, %mul3A_85 : vector<16xi32>
        %swap3A_253 = arith.constant 176 : index
        %swap3A_254 = tpu.vector_load %arg6[%swap3A_253] {strides = array<i32>} : memref<240xi32, #tpu.memory_space<vmem>>, vector<16xi32>,
        %swap3A_255 = vector.shape_cast %swap3A_254 : vector<16xi32> to vector<16xi32>
        %swap3A_256 = vector.shape_cast %add3A_252 : vector<16xi32> to vector<16xi32>
        tpu.vector_store %arg6[%swap3A_253], %swap3A_256 {strides = array<i32>} : memref<240xi32, #tpu.memory_space<vmem>>, vector<16xi32>,
        %get3A_257 = arith.constant 192 : index
        %get3A_258 = tpu.vector_load %arg6[%get3A_257] {strides = array<i32>} : memref<240xi32, #tpu.memory_space<vmem>>, vector<16xi32>,
        %get3A_259 = vector.shape_cast %get3A_258 : vector<16xi32> to vector<16xi32>
        %add3A_260 = arith.addi %get3A_259, %mul3A_23 : vector<16xi32>
        %swap3A_261 = arith.constant 192 : index
        %swap3A_262 = tpu.vector_load %arg6[%swap3A_261] {strides = array<i32>} : memref<240xi32, #tpu.memory_space<vmem>>, vector<16xi32>,
        %swap3A_263 = vector.shape_cast %swap3A_262 : vector<16xi32> to vector<16xi32>
        %swap3A_264 = vector.shape_cast %add3A_260 : vector<16xi32> to vector<16xi32>
        tpu.vector_store %arg6[%swap3A_261], %swap3A_264 {strides = array<i32>} : memref<240xi32, #tpu.memory_space<vmem>>, vector<16xi32>,
        %get3A_265 = arith.constant 208 : index
        %get3A_266 = tpu.vector_load %arg6[%get3A_265] {strides = array<i32>} : memref<240xi32, #tpu.memory_space<vmem>>, vector<16xi32>,
        %get3A_267 = vector.shape_cast %get3A_266 : vector<16xi32> to vector<16xi32>
        %add3A_268 = arith.addi %get3A_267, %mul3A_54 : vector<16xi32>
        %swap3A_269 = arith.constant 208 : index
        %swap3A_270 = tpu.vector_load %arg6[%swap3A_269] {strides = array<i32>} : memref<240xi32, #tpu.memory_space<vmem>>, vector<16xi32>,
        %swap3A_271 = vector.shape_cast %swap3A_270 : vector<16xi32> to vector<16xi32>
        %swap3A_272 = vector.shape_cast %add3A_268 : vector<16xi32> to vector<16xi32>
        tpu.vector_store %arg6[%swap3A_269], %swap3A_272 {strides = array<i32>} : memref<240xi32, #tpu.memory_space<vmem>>, vector<16xi32>,
        %get3A_273 = arith.constant 224 : index
        %get3A_274 = tpu.vector_load %arg6[%get3A_273] {strides = array<i32>} : memref<240xi32, #tpu.memory_space<vmem>>, vector<16xi32>,
        %get3A_275 = vector.shape_cast %get3A_274 : vector<16xi32> to vector<16xi32>
        %add3A_276 = arith.addi %get3A_275, %mul3A_85 : vector<16xi32>
        %swap3A_277 = arith.constant 224 : index
        %swap3A_278 = tpu.vector_load %arg6[%swap3A_277] {strides = array<i32>} : memref<240xi32, #tpu.memory_space<vmem>>, vector<16xi32>,
        %swap3A_279 = vector.shape_cast %swap3A_278 : vector<16xi32> to vector<16xi32>
        %swap3A_280 = vector.shape_cast %add3A_276 : vector<16xi32> to vector<16xi32>
        tpu.vector_store %arg6[%swap3A_277], %swap3A_280 {strides = array<i32>} : memref<240xi32, #tpu.memory_space<vmem>>, vector<16xi32>,
        %dma_start3A = arith.constant 0 : i32
        %dma_start3A_281 = arith.constant 0 : i32
        %dma_start3A_282 = tpu.memref_slice %arg8[%dma_start3A, %dma_start3A_281] : memref<240x128xf32, #tpu.memory_space<vmem>> -> memref<80x128xf32, #tpu.memory_space<vmem>>
        %dma_start3A_283 = arith.constant 0 : i32
        %dma_start3A_284 = tpu.memref_slice %arg6[%dma_start3A_283] : memref<240xi32, #tpu.memory_space<vmem>> -> memref<80xi32, #tpu.memory_space<vmem>>
        %dma_start3A_285 = arith.constant 0 : i32
        %dma_start3A_286 = arith.constant 0 : i32
        %dma_start3A_287 = tpu.memref_slice %arg2[%dma_start3A_285, %dma_start3A_286] : memref<200000x128xf32, #tpu.memory_space<hbm>> -> memref<200000x128xf32, #tpu.memory_space<hbm>>
        tpu.enqueue_indirect_dma source(%dma_start3A_287 : memref<200000x128xf32, #tpu.memory_space<hbm>>) target(%dma_start3A_282 : memref<80x128xf32, #tpu.memory_space<vmem>>) offsets(%dma_start3A_284 : memref<80xi32, #tpu.memory_space<vmem>>) semaphore(%arg12 : memref<!tpu.dma_semaphore, #tpu.memory_space<semaphore_mem>>)
        %dma_start3A_288 = arith.constant 80 : i32
        %dma_start3A_289 = arith.constant 0 : i32
        %dma_start3A_290 = tpu.memref_slice %arg8[%dma_start3A_288, %dma_start3A_289] : memref<240x128xf32, #tpu.memory_space<vmem>> -> memref<80x128xf32, #tpu.memory_space<vmem>>
        %dma_start3A_291 = arith.constant 80 : i32
        %dma_start3A_292 = tpu.memref_slice %arg6[%dma_start3A_291] : memref<240xi32, #tpu.memory_space<vmem>> -> memref<80xi32, #tpu.memory_space<vmem>>
        %dma_start3A_293 = arith.constant 0 : i32
        %dma_start3A_294 = arith.constant 0 : i32
        %dma_start3A_295 = tpu.memref_slice %arg2[%dma_start3A_293, %dma_start3A_294] : memref<200000x128xf32, #tpu.memory_space<hbm>> -> memref<200000x128xf32, #tpu.memory_space<hbm>>
        tpu.enqueue_indirect_dma source(%dma_start3A_295 : memref<200000x128xf32, #tpu.memory_space<hbm>>) target(%dma_start3A_290 : memref<80x128xf32, #tpu.memory_space<vmem>>) offsets(%dma_start3A_292 : memref<80xi32, #tpu.memory_space<vmem>>) semaphore(%arg12 : memref<!tpu.dma_semaphore, #tpu.memory_space<semaphore_mem>>)
        %dma_start3A_296 = arith.constant 160 : i32
        %dma_start3A_297 = arith.constant 0 : i32
        %dma_start3A_298 = tpu.memref_slice %arg8[%dma_start3A_296, %dma_start3A_297] : memref<240x128xf32, #tpu.memory_space<vmem>> -> memref<80x128xf32, #tpu.memory_space<vmem>>
        %dma_start3A_299 = arith.constant 160 : i32
        %dma_start3A_300 = tpu.memref_slice %arg6[%dma_start3A_299] : memref<240xi32, #tpu.memory_space<vmem>> -> memref<80xi32, #tpu.memory_space<vmem>>
        %dma_start3A_301 = arith.constant 0 : i32
        %dma_start3A_302 = arith.constant 0 : i32
        %dma_start3A_303 = tpu.memref_slice %arg2[%dma_start3A_301, %dma_start3A_302] : memref<200000x128xf32, #tpu.memory_space<hbm>> -> memref<200000x128xf32, #tpu.memory_space<hbm>>
        tpu.enqueue_indirect_dma source(%dma_start3A_303 : memref<200000x128xf32, #tpu.memory_space<hbm>>) target(%dma_start3A_298 : memref<80x128xf32, #tpu.memory_space<vmem>>) offsets(%dma_start3A_300 : memref<80xi32, #tpu.memory_space<vmem>>) semaphore(%arg12 : memref<!tpu.dma_semaphore, #tpu.memory_space<semaphore_mem>>)
      } else {
      }
      %ge3A = arith.constant 0 : i32
      %ge3A_118 = arith.cmpi sge, %sub3A_112, %ge3A : i32
      %lt3A_119 = arith.constant 625 : i32
      %lt3A_120 = arith.cmpi slt, %sub3A_112, %lt3A_119 : i32
      %and3A_121 = arith.andi %ge3A_118, %lt3A_120 : i1
      %convert_element_type3A_122 = arith.extui %and3A_121 : i1 to i32
      %cond3A_123 = arith.constant 0 : i32
      %cond3A_124 = arith.cmpi ne, %convert_element_type3A_122, %cond3A_123 : i32
      scf.if %cond3A_124 {
        %sub3A_161 = arith.constant 0 : i32
        %sub3A_162 = arith.subi %sub3A_112, %sub3A_161 : i32
        %mul3A_163 = arith.constant 80 : i32
        %mul3A_164 = arith.muli %sub3A_162, %mul3A_163 : i32
        %dma_wait3A = arith.constant 0 : i32
        %dma_wait3A_165 = tpu.memref_slice %arg4[%mul3A_164, %dma_wait3A] : memref<50000x128xf32, #tpu.memory_space<hbm>> -> memref<80x128xf32, #tpu.memory_space<hbm>>
        %dma_wait3A_166 = arith.constant 0 : i32
        %dma_wait3A_167 = tpu.memref_slice %arg4[%mul3A_164, %dma_wait3A_166] : memref<50000x128xf32, #tpu.memory_space<hbm>> -> memref<80x128xf32, #tpu.memory_space<hbm>>
        tpu.wait_dma2 semaphore(%arg13 : memref<!tpu.dma_semaphore, #tpu.memory_space<semaphore_mem>>) src(%arg9 : memref<80x128xf32, #tpu.memory_space<vmem>>) dst(%dma_wait3A_167 : memref<80x128xf32, #tpu.memory_space<hbm>>)
      } else {
      }
      %lt3A_125 = arith.constant 625 : i32
      %lt3A_126 = arith.cmpi slt, %add3A_109, %lt3A_125 : i32
      %convert_element_type3A_127 = arith.extui %lt3A_126 : i1 to i32
      %cond3A_128 = arith.constant 0 : i32
      %cond3A_129 = arith.cmpi ne, %convert_element_type3A_127, %cond3A_128 : i32
      scf.if %cond3A_129 {
        %dma_wait3A = arith.constant 0 : i32
        %dma_wait3A_161 = arith.constant 0 : i32
        %dma_wait3A_162 = tpu.memref_slice %arg7[%dma_wait3A, %dma_wait3A_161] : memref<240x128xf32, #tpu.memory_space<vmem>> -> memref<80x128xf32, #tpu.memory_space<vmem>>
        %dma_wait3A_163 = arith.constant 0 : i32
        %dma_wait3A_164 = tpu.memref_slice %arg5[%dma_wait3A_163] : memref<240xi32, #tpu.memory_space<vmem>> -> memref<80xi32, #tpu.memory_space<vmem>>
        %dma_wait3A_165 = arith.constant 0 : i32
        %dma_wait3A_166 = arith.constant 0 : i32
        %dma_wait3A_167 = tpu.memref_slice %arg2[%dma_wait3A_165, %dma_wait3A_166] : memref<200000x128xf32, #tpu.memory_space<hbm>> -> memref<200000x128xf32, #tpu.memory_space<hbm>>
        tpu.wait_indirect_dma semaphore(%arg11 : memref<!tpu.dma_semaphore, #tpu.memory_space<semaphore_mem>>) src(%dma_wait3A_167 : memref<200000x128xf32, #tpu.memory_space<hbm>>) dst(%dma_wait3A_162 : memref<80x128xf32, #tpu.memory_space<vmem>>)
        %dma_wait3A_168 = arith.constant 80 : i32
        %dma_wait3A_169 = arith.constant 0 : i32
        %dma_wait3A_170 = tpu.memref_slice %arg7[%dma_wait3A_168, %dma_wait3A_169] : memref<240x128xf32, #tpu.memory_space<vmem>> -> memref<80x128xf32, #tpu.memory_space<vmem>>
        %dma_wait3A_171 = arith.constant 80 : i32
        %dma_wait3A_172 = tpu.memref_slice %arg5[%dma_wait3A_171] : memref<240xi32, #tpu.memory_space<vmem>> -> memref<80xi32, #tpu.memory_space<vmem>>
        %dma_wait3A_173 = arith.constant 0 : i32
        %dma_wait3A_174 = arith.constant 0 : i32
        %dma_wait3A_175 = tpu.memref_slice %arg2[%dma_wait3A_173, %dma_wait3A_174] : memref<200000x128xf32, #tpu.memory_space<hbm>> -> memref<200000x128xf32, #tpu.memory_space<hbm>>
        tpu.wait_indirect_dma semaphore(%arg11 : memref<!tpu.dma_semaphore, #tpu.memory_space<semaphore_mem>>) src(%dma_wait3A_175 : memref<200000x128xf32, #tpu.memory_space<hbm>>) dst(%dma_wait3A_170 : memref<80x128xf32, #tpu.memory_space<vmem>>)
        %dma_wait3A_176 = arith.constant 160 : i32
        %dma_wait3A_177 = arith.constant 0 : i32
        %dma_wait3A_178 = tpu.memref_slice %arg7[%dma_wait3A_176, %dma_wait3A_177] : memref<240x128xf32, #tpu.memory_space<vmem>> -> memref<80x128xf32, #tpu.memory_space<vmem>>
        %dma_wait3A_179 = arith.constant 160 : i32
        %dma_wait3A_180 = tpu.memref_slice %arg5[%dma_wait3A_179] : memref<240xi32, #tpu.memory_space<vmem>> -> memref<80xi32, #tpu.memory_space<vmem>>
        %dma_wait3A_181 = arith.constant 0 : i32
        %dma_wait3A_182 = arith.constant 0 : i32
        %dma_wait3A_183 = tpu.memref_slice %arg2[%dma_wait3A_181, %dma_wait3A_182] : memref<200000x128xf32, #tpu.memory_space<hbm>> -> memref<200000x128xf32, #tpu.memory_space<hbm>>
        tpu.wait_indirect_dma semaphore(%arg11 : memref<!tpu.dma_semaphore, #tpu.memory_space<semaphore_mem>>) src(%dma_wait3A_183 : memref<200000x128xf32, #tpu.memory_space<hbm>>) dst(%dma_wait3A_178 : memref<80x128xf32, #tpu.memory_space<vmem>>)
        %scan3A_184 = arith.constant 0 : i32
        %scan3A_185 = arith.constant 0 : i32
        %scan3A_186 = arith.constant 80 : i32
        %scan3A_187 = arith.addi %scan3A_185, %scan3A_186 : i32
        %scan3A_188 = arith.constant 1 : i32
        scf.for %scan3A_197 = %scan3A_185 to %scan3A_187 step %scan3A_188  : i32 {
          %mul3A_198 = arith.constant 3 : i32
          %mul3A_199 = arith.muli %mul3A_198, %scan3A_197 : i32
          %get3A = arith.index_cast %mul3A_199 : i32 to index
          %get3A_200 = arith.constant 0 : index
          %get3A_201 = tpu.vector_load %arg7[%get3A, %get3A_200] {strides = array<i32>} : memref<240x128xf32, #tpu.memory_space<vmem>>, vector<1x16xf32>,
          %get3A_202 = vector.shape_cast %get3A_201 : vector<1x16xf32> to vector<16xf32>
          %mul3A_203 = arith.constant 3 : i32
          %mul3A_204 = arith.muli %mul3A_203, %scan3A_197 : i32
          %add3A_205 = arith.constant 1 : i32
          %add3A_206 = arith.addi %mul3A_204, %add3A_205 : i32
          %get3A_207 = arith.index_cast %add3A_206 : i32 to index
          %get3A_208 = arith.constant 64 : index
          %get3A_209 = tpu.vector_load %arg7[%get3A_207, %get3A_208] {strides = array<i32>} : memref<240x128xf32, #tpu.memory_space<vmem>>, vector<1x16xf32>,
          %get3A_210 = vector.shape_cast %get3A_209 : vector<1x16xf32> to vector<16xf32>
          %add3A_211 = arith.addf %get3A_202, %get3A_210 : vector<16xf32>
          %mul3A_212 = arith.constant 3 : i32
          %mul3A_213 = arith.muli %mul3A_212, %scan3A_197 : i32
          %add3A_214 = arith.constant 2 : i32
          %add3A_215 = arith.addi %mul3A_213, %add3A_214 : i32
          %get3A_216 = arith.index_cast %add3A_215 : i32 to index
          %get3A_217 = arith.constant 0 : index
          %get3A_218 = tpu.vector_load %arg7[%get3A_216, %get3A_217] {strides = array<i32>} : memref<240x128xf32, #tpu.memory_space<vmem>>, vector<1x16xf32>,
          %get3A_219 = vector.shape_cast %get3A_218 : vector<1x16xf32> to vector<16xf32>
          %add3A_220 = arith.addf %add3A_211, %get3A_219 : vector<16xf32>
          %swap3A = arith.index_cast %scan3A_197 : i32 to index
          %swap3A_221 = arith.constant 0 : index
          %swap3A_222 = tpu.vector_load %arg9[%swap3A, %swap3A_221] {strides = array<i32>} : memref<80x128xf32, #tpu.memory_space<vmem>>, vector<1x16xf32>,
          %swap3A_223 = vector.shape_cast %swap3A_222 : vector<1x16xf32> to vector<16xf32>
          %swap3A_224 = vector.shape_cast %add3A_220 : vector<16xf32> to vector<1x16xf32>
          tpu.vector_store %arg9[%swap3A, %swap3A_221], %swap3A_224 {strides = array<i32>} : memref<80x128xf32, #tpu.memory_space<vmem>>, vector<1x16xf32>,
          %mul3A_225 = arith.constant 3 : i32
          %mul3A_226 = arith.muli %mul3A_225, %scan3A_197 : i32
          %get3A_227 = arith.index_cast %mul3A_226 : i32 to index
          %get3A_228 = arith.constant 16 : index
          %get3A_229 = tpu.vector_load %arg7[%get3A_227, %get3A_228] {strides = array<i32>} : memref<240x128xf32, #tpu.memory_space<vmem>>, vector<1x16xf32>,
          %get3A_230 = vector.shape_cast %get3A_229 : vector<1x16xf32> to vector<16xf32>
          %mul3A_231 = arith.constant 3 : i32
          %mul3A_232 = arith.muli %mul3A_231, %scan3A_197 : i32
          %add3A_233 = arith.constant 1 : i32
          %add3A_234 = arith.addi %mul3A_232, %add3A_233 : i32
          %get3A_235 = arith.index_cast %add3A_234 : i32 to index
          %get3A_236 = arith.constant 80 : index
          %get3A_237 = tpu.vector_load %arg7[%get3A_235, %get3A_236] {strides = array<i32>} : memref<240x128xf32, #tpu.memory_space<vmem>>, vector<1x16xf32>,
          %get3A_238 = vector.shape_cast %get3A_237 : vector<1x16xf32> to vector<16xf32>
          %add3A_239 = arith.addf %get3A_230, %get3A_238 : vector<16xf32>
          %mul3A_240 = arith.constant 3 : i32
          %mul3A_241 = arith.muli %mul3A_240, %scan3A_197 : i32
          %add3A_242 = arith.constant 2 : i32
          %add3A_243 = arith.addi %mul3A_241, %add3A_242 : i32
          %get3A_244 = arith.index_cast %add3A_243 : i32 to index
          %get3A_245 = arith.constant 16 : index
          %get3A_246 = tpu.vector_load %arg7[%get3A_244, %get3A_245] {strides = array<i32>} : memref<240x128xf32, #tpu.memory_space<vmem>>, vector<1x16xf32>,
          %get3A_247 = vector.shape_cast %get3A_246 : vector<1x16xf32> to vector<16xf32>
          %add3A_248 = arith.addf %add3A_239, %get3A_247 : vector<16xf32>
          %swap3A_249 = arith.index_cast %scan3A_197 : i32 to index
          %swap3A_250 = arith.constant 16 : index
          %swap3A_251 = tpu.vector_load %arg9[%swap3A_249, %swap3A_250] {strides = array<i32>} : memref<80x128xf32, #tpu.memory_space<vmem>>, vector<1x16xf32>,
          %swap3A_252 = vector.shape_cast %swap3A_251 : vector<1x16xf32> to vector<16xf32>
          %swap3A_253 = vector.shape_cast %add3A_248 : vector<16xf32> to vector<1x16xf32>
          tpu.vector_store %arg9[%swap3A_249, %swap3A_250], %swap3A_253 {strides = array<i32>} : memref<80x128xf32, #tpu.memory_space<vmem>>, vector<1x16xf32>,
          %mul3A_254 = arith.constant 3 : i32
          %mul3A_255 = arith.muli %mul3A_254, %scan3A_197 : i32
          %get3A_256 = arith.index_cast %mul3A_255 : i32 to index
          %get3A_257 = arith.constant 32 : index
          %get3A_258 = tpu.vector_load %arg7[%get3A_256, %get3A_257] {strides = array<i32>} : memref<240x128xf32, #tpu.memory_space<vmem>>, vector<1x16xf32>,
          %get3A_259 = vector.shape_cast %get3A_258 : vector<1x16xf32> to vector<16xf32>
          %mul3A_260 = arith.constant 3 : i32
          %mul3A_261 = arith.muli %mul3A_260, %scan3A_197 : i32
          %add3A_262 = arith.constant 1 : i32
          %add3A_263 = arith.addi %mul3A_261, %add3A_262 : i32
          %get3A_264 = arith.index_cast %add3A_263 : i32 to index
          %get3A_265 = arith.constant 96 : index
          %get3A_266 = tpu.vector_load %arg7[%get3A_264, %get3A_265] {strides = array<i32>} : memref<240x128xf32, #tpu.memory_space<vmem>>, vector<1x16xf32>,
          %get3A_267 = vector.shape_cast %get3A_266 : vector<1x16xf32> to vector<16xf32>
          %add3A_268 = arith.addf %get3A_259, %get3A_267 : vector<16xf32>
          %mul3A_269 = arith.constant 3 : i32
          %mul3A_270 = arith.muli %mul3A_269, %scan3A_197 : i32
          %add3A_271 = arith.constant 2 : i32
          %add3A_272 = arith.addi %mul3A_270, %add3A_271 : i32
          %get3A_273 = arith.index_cast %add3A_272 : i32 to index
          %get3A_274 = arith.constant 32 : index
          %get3A_275 = tpu.vector_load %arg7[%get3A_273, %get3A_274] {strides = array<i32>} : memref<240x128xf32, #tpu.memory_space<vmem>>, vector<1x16xf32>,
          %get3A_276 = vector.shape_cast %get3A_275 : vector<1x16xf32> to vector<16xf32>
          %add3A_277 = arith.addf %add3A_268, %get3A_276 : vector<16xf32>
          %swap3A_278 = arith.index_cast %scan3A_197 : i32 to index
          %swap3A_279 = arith.constant 32 : index
          %swap3A_280 = tpu.vector_load %arg9[%swap3A_278, %swap3A_279] {strides = array<i32>} : memref<80x128xf32, #tpu.memory_space<vmem>>, vector<1x16xf32>,
          %swap3A_281 = vector.shape_cast %swap3A_280 : vector<1x16xf32> to vector<16xf32>
          %swap3A_282 = vector.shape_cast %add3A_277 : vector<16xf32> to vector<1x16xf32>
          tpu.vector_store %arg9[%swap3A_278, %swap3A_279], %swap3A_282 {strides = array<i32>} : memref<80x128xf32, #tpu.memory_space<vmem>>, vector<1x16xf32>,
          %mul3A_283 = arith.constant 3 : i32
          %mul3A_284 = arith.muli %mul3A_283, %scan3A_197 : i32
          %get3A_285 = arith.index_cast %mul3A_284 : i32 to index
          %get3A_286 = arith.constant 48 : index
          %get3A_287 = tpu.vector_load %arg7[%get3A_285, %get3A_286] {strides = array<i32>} : memref<240x128xf32, #tpu.memory_space<vmem>>, vector<1x16xf32>,
          %get3A_288 = vector.shape_cast %get3A_287 : vector<1x16xf32> to vector<16xf32>
          %mul3A_289 = arith.constant 3 : i32
          %mul3A_290 = arith.muli %mul3A_289, %scan3A_197 : i32
          %add3A_291 = arith.constant 1 : i32
          %add3A_292 = arith.addi %mul3A_290, %add3A_291 : i32
          %get3A_293 = arith.index_cast %add3A_292 : i32 to index
          %get3A_294 = arith.constant 112 : index
          %get3A_295 = tpu.vector_load %arg7[%get3A_293, %get3A_294] {strides = array<i32>} : memref<240x128xf32, #tpu.memory_space<vmem>>, vector<1x16xf32>,
          %get3A_296 = vector.shape_cast %get3A_295 : vector<1x16xf32> to vector<16xf32>
          %add3A_297 = arith.addf %get3A_288, %get3A_296 : vector<16xf32>
          %mul3A_298 = arith.constant 3 : i32
          %mul3A_299 = arith.muli %mul3A_298, %scan3A_197 : i32
          %add3A_300 = arith.constant 2 : i32
          %add3A_301 = arith.addi %mul3A_299, %add3A_300 : i32
          %get3A_302 = arith.index_cast %add3A_301 : i32 to index
          %get3A_303 = arith.constant 48 : index
          %get3A_304 = tpu.vector_load %arg7[%get3A_302, %get3A_303] {strides = array<i32>} : memref<240x128xf32, #tpu.memory_space<vmem>>, vector<1x16xf32>,
          %get3A_305 = vector.shape_cast %get3A_304 : vector<1x16xf32> to vector<16xf32>
          %add3A_306 = arith.addf %add3A_297, %get3A_305 : vector<16xf32>
          %swap3A_307 = arith.index_cast %scan3A_197 : i32 to index
          %swap3A_308 = arith.constant 48 : index
          %swap3A_309 = tpu.vector_load %arg9[%swap3A_307, %swap3A_308] {strides = array<i32>} : memref<80x128xf32, #tpu.memory_space<vmem>>, vector<1x16xf32>,
          %swap3A_310 = vector.shape_cast %swap3A_309 : vector<1x16xf32> to vector<16xf32>
          %swap3A_311 = vector.shape_cast %add3A_306 : vector<16xf32> to vector<1x16xf32>
          tpu.vector_store %arg9[%swap3A_307, %swap3A_308], %swap3A_311 {strides = array<i32>} : memref<80x128xf32, #tpu.memory_space<vmem>>, vector<1x16xf32>,
        }
        %scan3A_189 = arith.constant 80 : i32
        %sub3A_190 = arith.constant 0 : i32
        %sub3A_191 = arith.subi %add3A_109, %sub3A_190 : i32
        %mul3A_192 = arith.constant 80 : i32
        %mul3A_193 = arith.muli %sub3A_191, %mul3A_192 : i32
        %dma_start3A = arith.constant 0 : i32
        %dma_start3A_194 = tpu.memref_slice %arg4[%mul3A_193, %dma_start3A] : memref<50000x128xf32, #tpu.memory_space<hbm>> -> memref<80x128xf32, #tpu.memory_space<hbm>>
        %dma_start3A_195 = arith.constant 0 : i32
        %dma_start3A_196 = tpu.memref_slice %arg4[%mul3A_193, %dma_start3A_195] : memref<50000x128xf32, #tpu.memory_space<hbm>> -> memref<80x128xf32, #tpu.memory_space<hbm>>
        tpu.enqueue_dma source(%arg9 : memref<80x128xf32, #tpu.memory_space<vmem>>) target(%dma_start3A_196 : memref<80x128xf32, #tpu.memory_space<hbm>>) target_semaphore(%arg13 : memref<!tpu.dma_semaphore, #tpu.memory_space<semaphore_mem>>)
      } else {
      }
      %mul3A_130 = arith.constant 2 : i32
      %mul3A_131 = arith.muli %mul3A_130, %scan3A_102 : i32
      %add3A_132 = arith.constant 1 : i32
      %add3A_133 = arith.addi %mul3A_131, %add3A_132 : i32
      %add3A_134 = arith.constant 0 : i32
      %add3A_135 = arith.addi %add3A_134, %add3A : i32
      %mul3A_136 = arith.constant 32 : i32
      %mul3A_137 = arith.muli %add3A_133, %mul3A_136 : i32
      %add3A_138 = arith.addi %add3A_135, %mul3A_137 : i32
      %add3A_139 = arith.constant 32 : i32
      %add3A_140 = arith.addi %add3A_138, %add3A_139 : i32
      %sub3A_141 = arith.constant 64 : i32
      %sub3A_142 = arith.subi %add3A_138, %sub3A_141 : i32
      %lt3A_143 = arith.constant 625 : i32
      %lt3A_144 = arith.cmpi slt, %add3A_140, %lt3A_143 : i32
      %convert_element_type3A_145 = arith.extui %lt3A_144 : i1 to i32
      %cond3A_146 = arith.constant 0 : i32
      %cond3A_147 = arith.cmpi ne, %convert_element_type3A_145, %cond3A_146 : i32
      scf.if %cond3A_147 {
        %mul3A_161 = arith.constant 240 : i32
        %mul3A_162 = arith.muli %add3A_140, %mul3A_161 : i32
        "tpu.region"() ({
          %run_scoped3A = tpu.sem_alloc : memref<!tpu.dma_semaphore, #tpu.memory_space<semaphore_mem>>
          %dma_start3A_304 = arith.constant 0 : i32
          %dma_start3A_305 = tpu.memref_slice %arg5[%dma_start3A_304] : memref<240xi32, #tpu.memory_space<vmem>> -> memref<240xi32, #tpu.memory_space<vmem>>
          %dma_start3A_306 = tpu.memref_slice %arg3[%mul3A_162] : memref<300000xi32, #tpu.memory_space<hbm>> -> memref<240xi32, #tpu.memory_space<hbm>>
          %dma_start3A_307 = arith.constant 0 : i32
          %dma_start3A_308 = tpu.memref_slice %arg5[%dma_start3A_307] : memref<240xi32, #tpu.memory_space<vmem>> -> memref<240xi32, #tpu.memory_space<vmem>>
          %dma_start3A_309 = tpu.memref_slice %arg3[%mul3A_162] : memref<300000xi32, #tpu.memory_space<hbm>> -> memref<240xi32, #tpu.memory_space<hbm>>
          tpu.enqueue_dma source(%dma_start3A_309 : memref<240xi32, #tpu.memory_space<hbm>>) target(%dma_start3A_308 : memref<240xi32, #tpu.memory_space<vmem>>) target_semaphore(%run_scoped3A : memref<!tpu.dma_semaphore, #tpu.memory_space<semaphore_mem>>)
          %dma_wait3A = arith.constant 0 : i32
          %dma_wait3A_310 = tpu.memref_slice %arg5[%dma_wait3A] : memref<240xi32, #tpu.memory_space<vmem>> -> memref<240xi32, #tpu.memory_space<vmem>>
          %dma_wait3A_311 = tpu.memref_slice %arg3[%mul3A_162] : memref<300000xi32, #tpu.memory_space<hbm>> -> memref<240xi32, #tpu.memory_space<hbm>>
          %dma_wait3A_312 = arith.constant 0 : i32
          %dma_wait3A_313 = tpu.memref_slice %arg5[%dma_wait3A_312] : memref<240xi32, #tpu.memory_space<vmem>> -> memref<240xi32, #tpu.memory_space<vmem>>
          %dma_wait3A_314 = tpu.memref_slice %arg3[%mul3A_162] : memref<300000xi32, #tpu.memory_space<hbm>> -> memref<240xi32, #tpu.memory_space<hbm>>
          tpu.wait_dma2 semaphore(%run_scoped3A : memref<!tpu.dma_semaphore, #tpu.memory_space<semaphore_mem>>) src(%dma_wait3A_314 : memref<240xi32, #tpu.memory_space<hbm>>) dst(%dma_wait3A_313 : memref<240xi32, #tpu.memory_space<vmem>>)
          tpu.yield
        }) : () -> ()
        %get3A = arith.constant 0 : index
        %get3A_163 = tpu.vector_load %arg5[%get3A] {strides = array<i32>} : memref<240xi32, #tpu.memory_space<vmem>>, vector<16xi32>,
        %get3A_164 = vector.shape_cast %get3A_163 : vector<16xi32> to vector<16xi32>
        %add3A_165 = arith.addi %get3A_164, %mul3A_23 : vector<16xi32>
        %swap3A = arith.constant 0 : index
        %swap3A_166 = tpu.vector_load %arg5[%swap3A] {strides = array<i32>} : memref<240xi32, #tpu.memory_space<vmem>>, vector<16xi32>,
        %swap3A_167 = vector.shape_cast %swap3A_166 : vector<16xi32> to vector<16xi32>
        %swap3A_168 = vector.shape_cast %add3A_165 : vector<16xi32> to vector<16xi32>
        tpu.vector_store %arg5[%swap3A], %swap3A_168 {strides = array<i32>} : memref<240xi32, #tpu.memory_space<vmem>>, vector<16xi32>,
        %get3A_169 = arith.constant 16 : index
        %get3A_170 = tpu.vector_load %arg5[%get3A_169] {strides = array<i32>} : memref<240xi32, #tpu.memory_space<vmem>>, vector<16xi32>,
        %get3A_171 = vector.shape_cast %get3A_170 : vector<16xi32> to vector<16xi32>
        %add3A_172 = arith.addi %get3A_171, %mul3A_54 : vector<16xi32>
        %swap3A_173 = arith.constant 16 : index
        %swap3A_174 = tpu.vector_load %arg5[%swap3A_173] {strides = array<i32>} : memref<240xi32, #tpu.memory_space<vmem>>, vector<16xi32>,
        %swap3A_175 = vector.shape_cast %swap3A_174 : vector<16xi32> to vector<16xi32>
        %swap3A_176 = vector.shape_cast %add3A_172 : vector<16xi32> to vector<16xi32>
        tpu.vector_store %arg5[%swap3A_173], %swap3A_176 {strides = array<i32>} : memref<240xi32, #tpu.memory_space<vmem>>, vector<16xi32>,
        %get3A_177 = arith.constant 32 : index
        %get3A_178 = tpu.vector_load %arg5[%get3A_177] {strides = array<i32>} : memref<240xi32, #tpu.memory_space<vmem>>, vector<16xi32>,
        %get3A_179 = vector.shape_cast %get3A_178 : vector<16xi32> to vector<16xi32>
        %add3A_180 = arith.addi %get3A_179, %mul3A_85 : vector<16xi32>
        %swap3A_181 = arith.constant 32 : index
        %swap3A_182 = tpu.vector_load %arg5[%swap3A_181] {strides = array<i32>} : memref<240xi32, #tpu.memory_space<vmem>>, vector<16xi32>,
        %swap3A_183 = vector.shape_cast %swap3A_182 : vector<16xi32> to vector<16xi32>
        %swap3A_184 = vector.shape_cast %add3A_180 : vector<16xi32> to vector<16xi32>
        tpu.vector_store %arg5[%swap3A_181], %swap3A_184 {strides = array<i32>} : memref<240xi32, #tpu.memory_space<vmem>>, vector<16xi32>,
        %get3A_185 = arith.constant 48 : index
        %get3A_186 = tpu.vector_load %arg5[%get3A_185] {strides = array<i32>} : memref<240xi32, #tpu.memory_space<vmem>>, vector<16xi32>,
        %get3A_187 = vector.shape_cast %get3A_186 : vector<16xi32> to vector<16xi32>
        %add3A_188 = arith.addi %get3A_187, %mul3A_23 : vector<16xi32>
        %swap3A_189 = arith.constant 48 : index
        %swap3A_190 = tpu.vector_load %arg5[%swap3A_189] {strides = array<i32>} : memref<240xi32, #tpu.memory_space<vmem>>, vector<16xi32>,
        %swap3A_191 = vector.shape_cast %swap3A_190 : vector<16xi32> to vector<16xi32>
        %swap3A_192 = vector.shape_cast %add3A_188 : vector<16xi32> to vector<16xi32>
        tpu.vector_store %arg5[%swap3A_189], %swap3A_192 {strides = array<i32>} : memref<240xi32, #tpu.memory_space<vmem>>, vector<16xi32>,
        %get3A_193 = arith.constant 64 : index
        %get3A_194 = tpu.vector_load %arg5[%get3A_193] {strides = array<i32>} : memref<240xi32, #tpu.memory_space<vmem>>, vector<16xi32>,
        %get3A_195 = vector.shape_cast %get3A_194 : vector<16xi32> to vector<16xi32>
        %add3A_196 = arith.addi %get3A_195, %mul3A_54 : vector<16xi32>
        %swap3A_197 = arith.constant 64 : index
        %swap3A_198 = tpu.vector_load %arg5[%swap3A_197] {strides = array<i32>} : memref<240xi32, #tpu.memory_space<vmem>>, vector<16xi32>,
        %swap3A_199 = vector.shape_cast %swap3A_198 : vector<16xi32> to vector<16xi32>
        %swap3A_200 = vector.shape_cast %add3A_196 : vector<16xi32> to vector<16xi32>
        tpu.vector_store %arg5[%swap3A_197], %swap3A_200 {strides = array<i32>} : memref<240xi32, #tpu.memory_space<vmem>>, vector<16xi32>,
        %get3A_201 = arith.constant 80 : index
        %get3A_202 = tpu.vector_load %arg5[%get3A_201] {strides = array<i32>} : memref<240xi32, #tpu.memory_space<vmem>>, vector<16xi32>,
        %get3A_203 = vector.shape_cast %get3A_202 : vector<16xi32> to vector<16xi32>
        %add3A_204 = arith.addi %get3A_203, %mul3A_85 : vector<16xi32>
        %swap3A_205 = arith.constant 80 : index
        %swap3A_206 = tpu.vector_load %arg5[%swap3A_205] {strides = array<i32>} : memref<240xi32, #tpu.memory_space<vmem>>, vector<16xi32>,
        %swap3A_207 = vector.shape_cast %swap3A_206 : vector<16xi32> to vector<16xi32>
        %swap3A_208 = vector.shape_cast %add3A_204 : vector<16xi32> to vector<16xi32>
        tpu.vector_store %arg5[%swap3A_205], %swap3A_208 {strides = array<i32>} : memref<240xi32, #tpu.memory_space<vmem>>, vector<16xi32>,
        %get3A_209 = arith.constant 96 : index
        %get3A_210 = tpu.vector_load %arg5[%get3A_209] {strides = array<i32>} : memref<240xi32, #tpu.memory_space<vmem>>, vector<16xi32>,
        %get3A_211 = vector.shape_cast %get3A_210 : vector<16xi32> to vector<16xi32>
        %add3A_212 = arith.addi %get3A_211, %mul3A_23 : vector<16xi32>
        %swap3A_213 = arith.constant 96 : index
        %swap3A_214 = tpu.vector_load %arg5[%swap3A_213] {strides = array<i32>} : memref<240xi32, #tpu.memory_space<vmem>>, vector<16xi32>,
        %swap3A_215 = vector.shape_cast %swap3A_214 : vector<16xi32> to vector<16xi32>
        %swap3A_216 = vector.shape_cast %add3A_212 : vector<16xi32> to vector<16xi32>
        tpu.vector_store %arg5[%swap3A_213], %swap3A_216 {strides = array<i32>} : memref<240xi32, #tpu.memory_space<vmem>>, vector<16xi32>,
        %get3A_217 = arith.constant 112 : index
        %get3A_218 = tpu.vector_load %arg5[%get3A_217] {strides = array<i32>} : memref<240xi32, #tpu.memory_space<vmem>>, vector<16xi32>,
        %get3A_219 = vector.shape_cast %get3A_218 : vector<16xi32> to vector<16xi32>
        %add3A_220 = arith.addi %get3A_219, %mul3A_54 : vector<16xi32>
        %swap3A_221 = arith.constant 112 : index
        %swap3A_222 = tpu.vector_load %arg5[%swap3A_221] {strides = array<i32>} : memref<240xi32, #tpu.memory_space<vmem>>, vector<16xi32>,
        %swap3A_223 = vector.shape_cast %swap3A_222 : vector<16xi32> to vector<16xi32>
        %swap3A_224 = vector.shape_cast %add3A_220 : vector<16xi32> to vector<16xi32>
        tpu.vector_store %arg5[%swap3A_221], %swap3A_224 {strides = array<i32>} : memref<240xi32, #tpu.memory_space<vmem>>, vector<16xi32>,
        %get3A_225 = arith.constant 128 : index
        %get3A_226 = tpu.vector_load %arg5[%get3A_225] {strides = array<i32>} : memref<240xi32, #tpu.memory_space<vmem>>, vector<16xi32>,
        %get3A_227 = vector.shape_cast %get3A_226 : vector<16xi32> to vector<16xi32>
        %add3A_228 = arith.addi %get3A_227, %mul3A_85 : vector<16xi32>
        %swap3A_229 = arith.constant 128 : index
        %swap3A_230 = tpu.vector_load %arg5[%swap3A_229] {strides = array<i32>} : memref<240xi32, #tpu.memory_space<vmem>>, vector<16xi32>,
        %swap3A_231 = vector.shape_cast %swap3A_230 : vector<16xi32> to vector<16xi32>
        %swap3A_232 = vector.shape_cast %add3A_228 : vector<16xi32> to vector<16xi32>
        tpu.vector_store %arg5[%swap3A_229], %swap3A_232 {strides = array<i32>} : memref<240xi32, #tpu.memory_space<vmem>>, vector<16xi32>,
        %get3A_233 = arith.constant 144 : index
        %get3A_234 = tpu.vector_load %arg5[%get3A_233] {strides = array<i32>} : memref<240xi32, #tpu.memory_space<vmem>>, vector<16xi32>,
        %get3A_235 = vector.shape_cast %get3A_234 : vector<16xi32> to vector<16xi32>
        %add3A_236 = arith.addi %get3A_235, %mul3A_23 : vector<16xi32>
        %swap3A_237 = arith.constant 144 : index
        %swap3A_238 = tpu.vector_load %arg5[%swap3A_237] {strides = array<i32>} : memref<240xi32, #tpu.memory_space<vmem>>, vector<16xi32>,
        %swap3A_239 = vector.shape_cast %swap3A_238 : vector<16xi32> to vector<16xi32>
        %swap3A_240 = vector.shape_cast %add3A_236 : vector<16xi32> to vector<16xi32>
        tpu.vector_store %arg5[%swap3A_237], %swap3A_240 {strides = array<i32>} : memref<240xi32, #tpu.memory_space<vmem>>, vector<16xi32>,
        %get3A_241 = arith.constant 160 : index
        %get3A_242 = tpu.vector_load %arg5[%get3A_241] {strides = array<i32>} : memref<240xi32, #tpu.memory_space<vmem>>, vector<16xi32>,
        %get3A_243 = vector.shape_cast %get3A_242 : vector<16xi32> to vector<16xi32>
        %add3A_244 = arith.addi %get3A_243, %mul3A_54 : vector<16xi32>
        %swap3A_245 = arith.constant 160 : index
        %swap3A_246 = tpu.vector_load %arg5[%swap3A_245] {strides = array<i32>} : memref<240xi32, #tpu.memory_space<vmem>>, vector<16xi32>,
        %swap3A_247 = vector.shape_cast %swap3A_246 : vector<16xi32> to vector<16xi32>
        %swap3A_248 = vector.shape_cast %add3A_244 : vector<16xi32> to vector<16xi32>
        tpu.vector_store %arg5[%swap3A_245], %swap3A_248 {strides = array<i32>} : memref<240xi32, #tpu.memory_space<vmem>>, vector<16xi32>,
        %get3A_249 = arith.constant 176 : index
        %get3A_250 = tpu.vector_load %arg5[%get3A_249] {strides = array<i32>} : memref<240xi32, #tpu.memory_space<vmem>>, vector<16xi32>,
        %get3A_251 = vector.shape_cast %get3A_250 : vector<16xi32> to vector<16xi32>
        %add3A_252 = arith.addi %get3A_251, %mul3A_85 : vector<16xi32>
        %swap3A_253 = arith.constant 176 : index
        %swap3A_254 = tpu.vector_load %arg5[%swap3A_253] {strides = array<i32>} : memref<240xi32, #tpu.memory_space<vmem>>, vector<16xi32>,
        %swap3A_255 = vector.shape_cast %swap3A_254 : vector<16xi32> to vector<16xi32>
        %swap3A_256 = vector.shape_cast %add3A_252 : vector<16xi32> to vector<16xi32>
        tpu.vector_store %arg5[%swap3A_253], %swap3A_256 {strides = array<i32>} : memref<240xi32, #tpu.memory_space<vmem>>, vector<16xi32>,
        %get3A_257 = arith.constant 192 : index
        %get3A_258 = tpu.vector_load %arg5[%get3A_257] {strides = array<i32>} : memref<240xi32, #tpu.memory_space<vmem>>, vector<16xi32>,
        %get3A_259 = vector.shape_cast %get3A_258 : vector<16xi32> to vector<16xi32>
        %add3A_260 = arith.addi %get3A_259, %mul3A_23 : vector<16xi32>
        %swap3A_261 = arith.constant 192 : index
        %swap3A_262 = tpu.vector_load %arg5[%swap3A_261] {strides = array<i32>} : memref<240xi32, #tpu.memory_space<vmem>>, vector<16xi32>,
        %swap3A_263 = vector.shape_cast %swap3A_262 : vector<16xi32> to vector<16xi32>
        %swap3A_264 = vector.shape_cast %add3A_260 : vector<16xi32> to vector<16xi32>
        tpu.vector_store %arg5[%swap3A_261], %swap3A_264 {strides = array<i32>} : memref<240xi32, #tpu.memory_space<vmem>>, vector<16xi32>,
        %get3A_265 = arith.constant 208 : index
        %get3A_266 = tpu.vector_load %arg5[%get3A_265] {strides = array<i32>} : memref<240xi32, #tpu.memory_space<vmem>>, vector<16xi32>,
        %get3A_267 = vector.shape_cast %get3A_266 : vector<16xi32> to vector<16xi32>
        %add3A_268 = arith.addi %get3A_267, %mul3A_54 : vector<16xi32>
        %swap3A_269 = arith.constant 208 : index
        %swap3A_270 = tpu.vector_load %arg5[%swap3A_269] {strides = array<i32>} : memref<240xi32, #tpu.memory_space<vmem>>, vector<16xi32>,
        %swap3A_271 = vector.shape_cast %swap3A_270 : vector<16xi32> to vector<16xi32>
        %swap3A_272 = vector.shape_cast %add3A_268 : vector<16xi32> to vector<16xi32>
        tpu.vector_store %arg5[%swap3A_269], %swap3A_272 {strides = array<i32>} : memref<240xi32, #tpu.memory_space<vmem>>, vector<16xi32>,
        %get3A_273 = arith.constant 224 : index
        %get3A_274 = tpu.vector_load %arg5[%get3A_273] {strides = array<i32>} : memref<240xi32, #tpu.memory_space<vmem>>, vector<16xi32>,
        %get3A_275 = vector.shape_cast %get3A_274 : vector<16xi32> to vector<16xi32>
        %add3A_276 = arith.addi %get3A_275, %mul3A_85 : vector<16xi32>
        %swap3A_277 = arith.constant 224 : index
        %swap3A_278 = tpu.vector_load %arg5[%swap3A_277] {strides = array<i32>} : memref<240xi32, #tpu.memory_space<vmem>>, vector<16xi32>,
        %swap3A_279 = vector.shape_cast %swap3A_278 : vector<16xi32> to vector<16xi32>
        %swap3A_280 = vector.shape_cast %add3A_276 : vector<16xi32> to vector<16xi32>
        tpu.vector_store %arg5[%swap3A_277], %swap3A_280 {strides = array<i32>} : memref<240xi32, #tpu.memory_space<vmem>>, vector<16xi32>,
        %dma_start3A = arith.constant 0 : i32
        %dma_start3A_281 = arith.constant 0 : i32
        %dma_start3A_282 = tpu.memref_slice %arg7[%dma_start3A, %dma_start3A_281] : memref<240x128xf32, #tpu.memory_space<vmem>> -> memref<80x128xf32, #tpu.memory_space<vmem>>
        %dma_start3A_283 = arith.constant 0 : i32
        %dma_start3A_284 = tpu.memref_slice %arg5[%dma_start3A_283] : memref<240xi32, #tpu.memory_space<vmem>> -> memref<80xi32, #tpu.memory_space<vmem>>
        %dma_start3A_285 = arith.constant 0 : i32
        %dma_start3A_286 = arith.constant 0 : i32
        %dma_start3A_287 = tpu.memref_slice %arg2[%dma_start3A_285, %dma_start3A_286] : memref<200000x128xf32, #tpu.memory_space<hbm>> -> memref<200000x128xf32, #tpu.memory_space<hbm>>
        tpu.enqueue_indirect_dma source(%dma_start3A_287 : memref<200000x128xf32, #tpu.memory_space<hbm>>) target(%dma_start3A_282 : memref<80x128xf32, #tpu.memory_space<vmem>>) offsets(%dma_start3A_284 : memref<80xi32, #tpu.memory_space<vmem>>) semaphore(%arg11 : memref<!tpu.dma_semaphore, #tpu.memory_space<semaphore_mem>>)
        %dma_start3A_288 = arith.constant 80 : i32
        %dma_start3A_289 = arith.constant 0 : i32
        %dma_start3A_290 = tpu.memref_slice %arg7[%dma_start3A_288, %dma_start3A_289] : memref<240x128xf32, #tpu.memory_space<vmem>> -> memref<80x128xf32, #tpu.memory_space<vmem>>
        %dma_start3A_291 = arith.constant 80 : i32
        %dma_start3A_292 = tpu.memref_slice %arg5[%dma_start3A_291] : memref<240xi32, #tpu.memory_space<vmem>> -> memref<80xi32, #tpu.memory_space<vmem>>
        %dma_start3A_293 = arith.constant 0 : i32
        %dma_start3A_294 = arith.constant 0 : i32
        %dma_start3A_295 = tpu.memref_slice %arg2[%dma_start3A_293, %dma_start3A_294] : memref<200000x128xf32, #tpu.memory_space<hbm>> -> memref<200000x128xf32, #tpu.memory_space<hbm>>
        tpu.enqueue_indirect_dma source(%dma_start3A_295 : memref<200000x128xf32, #tpu.memory_space<hbm>>) target(%dma_start3A_290 : memref<80x128xf32, #tpu.memory_space<vmem>>) offsets(%dma_start3A_292 : memref<80xi32, #tpu.memory_space<vmem>>) semaphore(%arg11 : memref<!tpu.dma_semaphore, #tpu.memory_space<semaphore_mem>>)
        %dma_start3A_296 = arith.constant 160 : i32
        %dma_start3A_297 = arith.constant 0 : i32
        %dma_start3A_298 = tpu.memref_slice %arg7[%dma_start3A_296, %dma_start3A_297] : memref<240x128xf32, #tpu.memory_space<vmem>> -> memref<80x128xf32, #tpu.memory_space<vmem>>
        %dma_start3A_299 = arith.constant 160 : i32
        %dma_start3A_300 = tpu.memref_slice %arg5[%dma_start3A_299] : memref<240xi32, #tpu.memory_space<vmem>> -> memref<80xi32, #tpu.memory_space<vmem>>
        %dma_start3A_301 = arith.constant 0 : i32
        %dma_start3A_302 = arith.constant 0 : i32
        %dma_start3A_303 = tpu.memref_slice %arg2[%dma_start3A_301, %dma_start3A_302] : memref<200000x128xf32, #tpu.memory_space<hbm>> -> memref<200000x128xf32, #tpu.memory_space<hbm>>
        tpu.enqueue_indirect_dma source(%dma_start3A_303 : memref<200000x128xf32, #tpu.memory_space<hbm>>) target(%dma_start3A_298 : memref<80x128xf32, #tpu.memory_space<vmem>>) offsets(%dma_start3A_300 : memref<80xi32, #tpu.memory_space<vmem>>) semaphore(%arg11 : memref<!tpu.dma_semaphore, #tpu.memory_space<semaphore_mem>>)
      } else {
      }
      %ge3A_148 = arith.constant 0 : i32
      %ge3A_149 = arith.cmpi sge, %sub3A_142, %ge3A_148 : i32
      %lt3A_150 = arith.constant 625 : i32
      %lt3A_151 = arith.cmpi slt, %sub3A_142, %lt3A_150 : i32
      %and3A_152 = arith.andi %ge3A_149, %lt3A_151 : i1
      %convert_element_type3A_153 = arith.extui %and3A_152 : i1 to i32
      %cond3A_154 = arith.constant 0 : i32
      %cond3A_155 = arith.cmpi ne, %convert_element_type3A_153, %cond3A_154 : i32
      scf.if %cond3A_155 {
        %sub3A_161 = arith.constant 0 : i32
        %sub3A_162 = arith.subi %sub3A_142, %sub3A_161 : i32
        %mul3A_163 = arith.constant 80 : i32
        %mul3A_164 = arith.muli %sub3A_162, %mul3A_163 : i32
        %dma_wait3A = arith.constant 0 : i32
        %dma_wait3A_165 = tpu.memref_slice %arg4[%mul3A_164, %dma_wait3A] : memref<50000x128xf32, #tpu.memory_space<hbm>> -> memref<80x128xf32, #tpu.memory_space<hbm>>
        %dma_wait3A_166 = arith.constant 0 : i32
        %dma_wait3A_167 = tpu.memref_slice %arg4[%mul3A_164, %dma_wait3A_166] : memref<50000x128xf32, #tpu.memory_space<hbm>> -> memref<80x128xf32, #tpu.memory_space<hbm>>
        tpu.wait_dma2 semaphore(%arg14 : memref<!tpu.dma_semaphore, #tpu.memory_space<semaphore_mem>>) src(%arg10 : memref<80x128xf32, #tpu.memory_space<vmem>>) dst(%dma_wait3A_167 : memref<80x128xf32, #tpu.memory_space<hbm>>)
      } else {
      }
      %lt3A_156 = arith.constant 625 : i32
      %lt3A_157 = arith.cmpi slt, %add3A_138, %lt3A_156 : i32
      %convert_element_type3A_158 = arith.extui %lt3A_157 : i1 to i32
      %cond3A_159 = arith.constant 0 : i32
      %cond3A_160 = arith.cmpi ne, %convert_element_type3A_158, %cond3A_159 : i32
      scf.if %cond3A_160 {
        %dma_wait3A = arith.constant 0 : i32
        %dma_wait3A_161 = arith.constant 0 : i32
        %dma_wait3A_162 = tpu.memref_slice %arg8[%dma_wait3A, %dma_wait3A_161] : memref<240x128xf32, #tpu.memory_space<vmem>> -> memref<80x128xf32, #tpu.memory_space<vmem>>
        %dma_wait3A_163 = arith.constant 0 : i32
        %dma_wait3A_164 = tpu.memref_slice %arg6[%dma_wait3A_163] : memref<240xi32, #tpu.memory_space<vmem>> -> memref<80xi32, #tpu.memory_space<vmem>>
        %dma_wait3A_165 = arith.constant 0 : i32
        %dma_wait3A_166 = arith.constant 0 : i32
        %dma_wait3A_167 = tpu.memref_slice %arg2[%dma_wait3A_165, %dma_wait3A_166] : memref<200000x128xf32, #tpu.memory_space<hbm>> -> memref<200000x128xf32, #tpu.memory_space<hbm>>
        tpu.wait_indirect_dma semaphore(%arg12 : memref<!tpu.dma_semaphore, #tpu.memory_space<semaphore_mem>>) src(%dma_wait3A_167 : memref<200000x128xf32, #tpu.memory_space<hbm>>) dst(%dma_wait3A_162 : memref<80x128xf32, #tpu.memory_space<vmem>>)
        %dma_wait3A_168 = arith.constant 80 : i32
        %dma_wait3A_169 = arith.constant 0 : i32
        %dma_wait3A_170 = tpu.memref_slice %arg8[%dma_wait3A_168, %dma_wait3A_169] : memref<240x128xf32, #tpu.memory_space<vmem>> -> memref<80x128xf32, #tpu.memory_space<vmem>>
        %dma_wait3A_171 = arith.constant 80 : i32
        %dma_wait3A_172 = tpu.memref_slice %arg6[%dma_wait3A_171] : memref<240xi32, #tpu.memory_space<vmem>> -> memref<80xi32, #tpu.memory_space<vmem>>
        %dma_wait3A_173 = arith.constant 0 : i32
        %dma_wait3A_174 = arith.constant 0 : i32
        %dma_wait3A_175 = tpu.memref_slice %arg2[%dma_wait3A_173, %dma_wait3A_174] : memref<200000x128xf32, #tpu.memory_space<hbm>> -> memref<200000x128xf32, #tpu.memory_space<hbm>>
        tpu.wait_indirect_dma semaphore(%arg12 : memref<!tpu.dma_semaphore, #tpu.memory_space<semaphore_mem>>) src(%dma_wait3A_175 : memref<200000x128xf32, #tpu.memory_space<hbm>>) dst(%dma_wait3A_170 : memref<80x128xf32, #tpu.memory_space<vmem>>)
        %dma_wait3A_176 = arith.constant 160 : i32
        %dma_wait3A_177 = arith.constant 0 : i32
        %dma_wait3A_178 = tpu.memref_slice %arg8[%dma_wait3A_176, %dma_wait3A_177] : memref<240x128xf32, #tpu.memory_space<vmem>> -> memref<80x128xf32, #tpu.memory_space<vmem>>
        %dma_wait3A_179 = arith.constant 160 : i32
        %dma_wait3A_180 = tpu.memref_slice %arg6[%dma_wait3A_179] : memref<240xi32, #tpu.memory_space<vmem>> -> memref<80xi32, #tpu.memory_space<vmem>>
        %dma_wait3A_181 = arith.constant 0 : i32
        %dma_wait3A_182 = arith.constant 0 : i32
        %dma_wait3A_183 = tpu.memref_slice %arg2[%dma_wait3A_181, %dma_wait3A_182] : memref<200000x128xf32, #tpu.memory_space<hbm>> -> memref<200000x128xf32, #tpu.memory_space<hbm>>
        tpu.wait_indirect_dma semaphore(%arg12 : memref<!tpu.dma_semaphore, #tpu.memory_space<semaphore_mem>>) src(%dma_wait3A_183 : memref<200000x128xf32, #tpu.memory_space<hbm>>) dst(%dma_wait3A_178 : memref<80x128xf32, #tpu.memory_space<vmem>>)
        %scan3A_184 = arith.constant 0 : i32
        %scan3A_185 = arith.constant 0 : i32
        %scan3A_186 = arith.constant 80 : i32
        %scan3A_187 = arith.addi %scan3A_185, %scan3A_186 : i32
        %scan3A_188 = arith.constant 1 : i32
        scf.for %scan3A_197 = %scan3A_185 to %scan3A_187 step %scan3A_188  : i32 {
          %mul3A_198 = arith.constant 3 : i32
          %mul3A_199 = arith.muli %mul3A_198, %scan3A_197 : i32
          %get3A = arith.index_cast %mul3A_199 : i32 to index
          %get3A_200 = arith.constant 0 : index
          %get3A_201 = tpu.vector_load %arg8[%get3A, %get3A_200] {strides = array<i32>} : memref<240x128xf32, #tpu.memory_space<vmem>>, vector<1x16xf32>,
          %get3A_202 = vector.shape_cast %get3A_201 : vector<1x16xf32> to vector<16xf32>
          %mul3A_203 = arith.constant 3 : i32
          %mul3A_204 = arith.muli %mul3A_203, %scan3A_197 : i32
          %add3A_205 = arith.constant 1 : i32
          %add3A_206 = arith.addi %mul3A_204, %add3A_205 : i32
          %get3A_207 = arith.index_cast %add3A_206 : i32 to index
          %get3A_208 = arith.constant 64 : index
          %get3A_209 = tpu.vector_load %arg8[%get3A_207, %get3A_208] {strides = array<i32>} : memref<240x128xf32, #tpu.memory_space<vmem>>, vector<1x16xf32>,
          %get3A_210 = vector.shape_cast %get3A_209 : vector<1x16xf32> to vector<16xf32>
          %add3A_211 = arith.addf %get3A_202, %get3A_210 : vector<16xf32>
          %mul3A_212 = arith.constant 3 : i32
          %mul3A_213 = arith.muli %mul3A_212, %scan3A_197 : i32
          %add3A_214 = arith.constant 2 : i32
          %add3A_215 = arith.addi %mul3A_213, %add3A_214 : i32
          %get3A_216 = arith.index_cast %add3A_215 : i32 to index
          %get3A_217 = arith.constant 0 : index
          %get3A_218 = tpu.vector_load %arg8[%get3A_216, %get3A_217] {strides = array<i32>} : memref<240x128xf32, #tpu.memory_space<vmem>>, vector<1x16xf32>,
          %get3A_219 = vector.shape_cast %get3A_218 : vector<1x16xf32> to vector<16xf32>
          %add3A_220 = arith.addf %add3A_211, %get3A_219 : vector<16xf32>
          %swap3A = arith.index_cast %scan3A_197 : i32 to index
          %swap3A_221 = arith.constant 0 : index
          %swap3A_222 = tpu.vector_load %arg10[%swap3A, %swap3A_221] {strides = array<i32>} : memref<80x128xf32, #tpu.memory_space<vmem>>, vector<1x16xf32>,
          %swap3A_223 = vector.shape_cast %swap3A_222 : vector<1x16xf32> to vector<16xf32>
          %swap3A_224 = vector.shape_cast %add3A_220 : vector<16xf32> to vector<1x16xf32>
          tpu.vector_store %arg10[%swap3A, %swap3A_221], %swap3A_224 {strides = array<i32>} : memref<80x128xf32, #tpu.memory_space<vmem>>, vector<1x16xf32>,
          %mul3A_225 = arith.constant 3 : i32
          %mul3A_226 = arith.muli %mul3A_225, %scan3A_197 : i32
          %get3A_227 = arith.index_cast %mul3A_226 : i32 to index
          %get3A_228 = arith.constant 16 : index
          %get3A_229 = tpu.vector_load %arg8[%get3A_227, %get3A_228] {strides = array<i32>} : memref<240x128xf32, #tpu.memory_space<vmem>>, vector<1x16xf32>,
          %get3A_230 = vector.shape_cast %get3A_229 : vector<1x16xf32> to vector<16xf32>
          %mul3A_231 = arith.constant 3 : i32
          %mul3A_232 = arith.muli %mul3A_231, %scan3A_197 : i32
          %add3A_233 = arith.constant 1 : i32
          %add3A_234 = arith.addi %mul3A_232, %add3A_233 : i32
          %get3A_235 = arith.index_cast %add3A_234 : i32 to index
          %get3A_236 = arith.constant 80 : index
          %get3A_237 = tpu.vector_load %arg8[%get3A_235, %get3A_236] {strides = array<i32>} : memref<240x128xf32, #tpu.memory_space<vmem>>, vector<1x16xf32>,
          %get3A_238 = vector.shape_cast %get3A_237 : vector<1x16xf32> to vector<16xf32>
          %add3A_239 = arith.addf %get3A_230, %get3A_238 : vector<16xf32>
          %mul3A_240 = arith.constant 3 : i32
          %mul3A_241 = arith.muli %mul3A_240, %scan3A_197 : i32
          %add3A_242 = arith.constant 2 : i32
          %add3A_243 = arith.addi %mul3A_241, %add3A_242 : i32
          %get3A_244 = arith.index_cast %add3A_243 : i32 to index
          %get3A_245 = arith.constant 16 : index
          %get3A_246 = tpu.vector_load %arg8[%get3A_244, %get3A_245] {strides = array<i32>} : memref<240x128xf32, #tpu.memory_space<vmem>>, vector<1x16xf32>,
          %get3A_247 = vector.shape_cast %get3A_246 : vector<1x16xf32> to vector<16xf32>
          %add3A_248 = arith.addf %add3A_239, %get3A_247 : vector<16xf32>
          %swap3A_249 = arith.index_cast %scan3A_197 : i32 to index
          %swap3A_250 = arith.constant 16 : index
          %swap3A_251 = tpu.vector_load %arg10[%swap3A_249, %swap3A_250] {strides = array<i32>} : memref<80x128xf32, #tpu.memory_space<vmem>>, vector<1x16xf32>,
          %swap3A_252 = vector.shape_cast %swap3A_251 : vector<1x16xf32> to vector<16xf32>
          %swap3A_253 = vector.shape_cast %add3A_248 : vector<16xf32> to vector<1x16xf32>
          tpu.vector_store %arg10[%swap3A_249, %swap3A_250], %swap3A_253 {strides = array<i32>} : memref<80x128xf32, #tpu.memory_space<vmem>>, vector<1x16xf32>,
          %mul3A_254 = arith.constant 3 : i32
          %mul3A_255 = arith.muli %mul3A_254, %scan3A_197 : i32
          %get3A_256 = arith.index_cast %mul3A_255 : i32 to index
          %get3A_257 = arith.constant 32 : index
          %get3A_258 = tpu.vector_load %arg8[%get3A_256, %get3A_257] {strides = array<i32>} : memref<240x128xf32, #tpu.memory_space<vmem>>, vector<1x16xf32>,
          %get3A_259 = vector.shape_cast %get3A_258 : vector<1x16xf32> to vector<16xf32>
          %mul3A_260 = arith.constant 3 : i32
          %mul3A_261 = arith.muli %mul3A_260, %scan3A_197 : i32
          %add3A_262 = arith.constant 1 : i32
          %add3A_263 = arith.addi %mul3A_261, %add3A_262 : i32
          %get3A_264 = arith.index_cast %add3A_263 : i32 to index
          %get3A_265 = arith.constant 96 : index
          %get3A_266 = tpu.vector_load %arg8[%get3A_264, %get3A_265] {strides = array<i32>} : memref<240x128xf32, #tpu.memory_space<vmem>>, vector<1x16xf32>,
          %get3A_267 = vector.shape_cast %get3A_266 : vector<1x16xf32> to vector<16xf32>
          %add3A_268 = arith.addf %get3A_259, %get3A_267 : vector<16xf32>
          %mul3A_269 = arith.constant 3 : i32
          %mul3A_270 = arith.muli %mul3A_269, %scan3A_197 : i32
          %add3A_271 = arith.constant 2 : i32
          %add3A_272 = arith.addi %mul3A_270, %add3A_271 : i32
          %get3A_273 = arith.index_cast %add3A_272 : i32 to index
          %get3A_274 = arith.constant 32 : index
          %get3A_275 = tpu.vector_load %arg8[%get3A_273, %get3A_274] {strides = array<i32>} : memref<240x128xf32, #tpu.memory_space<vmem>>, vector<1x16xf32>,
          %get3A_276 = vector.shape_cast %get3A_275 : vector<1x16xf32> to vector<16xf32>
          %add3A_277 = arith.addf %add3A_268, %get3A_276 : vector<16xf32>
          %swap3A_278 = arith.index_cast %scan3A_197 : i32 to index
          %swap3A_279 = arith.constant 32 : index
          %swap3A_280 = tpu.vector_load %arg10[%swap3A_278, %swap3A_279] {strides = array<i32>} : memref<80x128xf32, #tpu.memory_space<vmem>>, vector<1x16xf32>,
          %swap3A_281 = vector.shape_cast %swap3A_280 : vector<1x16xf32> to vector<16xf32>
          %swap3A_282 = vector.shape_cast %add3A_277 : vector<16xf32> to vector<1x16xf32>
          tpu.vector_store %arg10[%swap3A_278, %swap3A_279], %swap3A_282 {strides = array<i32>} : memref<80x128xf32, #tpu.memory_space<vmem>>, vector<1x16xf32>,
          %mul3A_283 = arith.constant 3 : i32
          %mul3A_284 = arith.muli %mul3A_283, %scan3A_197 : i32
          %get3A_285 = arith.index_cast %mul3A_284 : i32 to index
          %get3A_286 = arith.constant 48 : index
          %get3A_287 = tpu.vector_load %arg8[%get3A_285, %get3A_286] {strides = array<i32>} : memref<240x128xf32, #tpu.memory_space<vmem>>, vector<1x16xf32>,
          %get3A_288 = vector.shape_cast %get3A_287 : vector<1x16xf32> to vector<16xf32>
          %mul3A_289 = arith.constant 3 : i32
          %mul3A_290 = arith.muli %mul3A_289, %scan3A_197 : i32
          %add3A_291 = arith.constant 1 : i32
          %add3A_292 = arith.addi %mul3A_290, %add3A_291 : i32
          %get3A_293 = arith.index_cast %add3A_292 : i32 to index
          %get3A_294 = arith.constant 112 : index
          %get3A_295 = tpu.vector_load %arg8[%get3A_293, %get3A_294] {strides = array<i32>} : memref<240x128xf32, #tpu.memory_space<vmem>>, vector<1x16xf32>,
          %get3A_296 = vector.shape_cast %get3A_295 : vector<1x16xf32> to vector<16xf32>
          %add3A_297 = arith.addf %get3A_288, %get3A_296 : vector<16xf32>
          %mul3A_298 = arith.constant 3 : i32
          %mul3A_299 = arith.muli %mul3A_298, %scan3A_197 : i32
          %add3A_300 = arith.constant 2 : i32
          %add3A_301 = arith.addi %mul3A_299, %add3A_300 : i32
          %get3A_302 = arith.index_cast %add3A_301 : i32 to index
          %get3A_303 = arith.constant 48 : index
          %get3A_304 = tpu.vector_load %arg8[%get3A_302, %get3A_303] {strides = array<i32>} : memref<240x128xf32, #tpu.memory_space<vmem>>, vector<1x16xf32>,
          %get3A_305 = vector.shape_cast %get3A_304 : vector<1x16xf32> to vector<16xf32>
          %add3A_306 = arith.addf %add3A_297, %get3A_305 : vector<16xf32>
          %swap3A_307 = arith.index_cast %scan3A_197 : i32 to index
          %swap3A_308 = arith.constant 48 : index
          %swap3A_309 = tpu.vector_load %arg10[%swap3A_307, %swap3A_308] {strides = array<i32>} : memref<80x128xf32, #tpu.memory_space<vmem>>, vector<1x16xf32>,
          %swap3A_310 = vector.shape_cast %swap3A_309 : vector<1x16xf32> to vector<16xf32>
          %swap3A_311 = vector.shape_cast %add3A_306 : vector<16xf32> to vector<1x16xf32>
          tpu.vector_store %arg10[%swap3A_307, %swap3A_308], %swap3A_311 {strides = array<i32>} : memref<80x128xf32, #tpu.memory_space<vmem>>, vector<1x16xf32>,
        }
        %scan3A_189 = arith.constant 80 : i32
        %sub3A_190 = arith.constant 0 : i32
        %sub3A_191 = arith.subi %add3A_138, %sub3A_190 : i32
        %mul3A_192 = arith.constant 80 : i32
        %mul3A_193 = arith.muli %sub3A_191, %mul3A_192 : i32
        %dma_start3A = arith.constant 0 : i32
        %dma_start3A_194 = tpu.memref_slice %arg4[%mul3A_193, %dma_start3A] : memref<50000x128xf32, #tpu.memory_space<hbm>> -> memref<80x128xf32, #tpu.memory_space<hbm>>
        %dma_start3A_195 = arith.constant 0 : i32
        %dma_start3A_196 = tpu.memref_slice %arg4[%mul3A_193, %dma_start3A_195] : memref<50000x128xf32, #tpu.memory_space<hbm>> -> memref<80x128xf32, #tpu.memory_space<hbm>>
        tpu.enqueue_dma source(%arg10 : memref<80x128xf32, #tpu.memory_space<vmem>>) target(%dma_start3A_196 : memref<80x128xf32, #tpu.memory_space<hbm>>) target_semaphore(%arg14 : memref<!tpu.dma_semaphore, #tpu.memory_space<semaphore_mem>>)
      } else {
      }
    }
    %scan3A_101 = arith.constant 11 : i32
    return
  }
}

module attributes {stable_mosaic.version = 14 : i64} {
  func.func @_k1_body(%arg0: i32, %arg1: memref<2000x128xf32, #tpu.memory_space<vmem>>, %arg2: memref<128x128xf32, #tpu.memory_space<vmem>>, %arg3: memref<128x128xf32, #tpu.memory_space<vmem>>, %arg4: memref<2x2000x128xf32, #tpu.memory_space<vmem>>) attributes {dimension_semantics = [#tpu.dimension_semantics<arbitrary>], iteration_bounds = array<i64: 50>, scalar_prefetch = 0 : i64, scratch_operands = 0 : i64, tpu.core_type = #tpu.core_type<tc>, window_params = [{transform_indices = @transform_0, window_bounds = array<i64: 2000, 128>}, {pipeline_mode = #tpu.pipeline_mode<synchronous>, transform_indices = @transform_1, window_bounds = array<i64: 128, 128>}, {pipeline_mode = #tpu.pipeline_mode<synchronous>, transform_indices = @transform_2, window_bounds = array<i64: 128, 128>}, {transform_indices = @transform_3, window_bounds = array<i64: 2, 2000, 128>}]} {
    %get3A = arith.constant 0 : index
    %get3A_0 = arith.constant 0 : index
    %get3A_1 = vector.load %arg1[%get3A, %get3A_0] : memref<2000x128xf32, #tpu.memory_space<vmem>>, vector<2000x128xf32>
    %get3A_2 = arith.constant 0 : index
    %get3A_3 = arith.constant 0 : index
    %get3A_4 = vector.load %arg2[%get3A_2, %get3A_3] : memref<128x128xf32, #tpu.memory_space<vmem>>, vector<128x128xf32>
    %dot_general3A = arith.constant dense<0.000000e+00> : vector<2000x128xf32>
    %dot_general3A_5 = tpu.matmul %get3A_1, %get3A_4, %dot_general3A {dimension_numbers = #tpu.dot_dimension_numbers<[1], [0], [0], [1], [0, 0, 1, 1], [], []>, transpose_lhs_hint = false} : vector<2000x128xf32>, vector<128x128xf32>, vector<2000x128xf32> -> vector<2000x128xf32>
    %swap3A = arith.constant 0 : index
    %swap3A_6 = arith.constant 0 : index
    %swap3A_7 = arith.constant 0 : index
    %swap3A_8 = vector.load %arg4[%swap3A, %swap3A_6, %swap3A_7] : memref<2x2000x128xf32, #tpu.memory_space<vmem>>, vector<1x2000x128xf32>
    %swap3A_9 = vector.shape_cast %swap3A_8 : vector<1x2000x128xf32> to vector<2000x128xf32>
    %swap3A_10 = vector.shape_cast %dot_general3A_5 : vector<2000x128xf32> to vector<1x2000x128xf32>
    tpu.vector_store %arg4[%swap3A, %swap3A_6, %swap3A_7], %swap3A_10 {strides = array<i32>} : memref<2x2000x128xf32, #tpu.memory_space<vmem>>, vector<1x2000x128xf32>,
    %get3A_11 = arith.constant 0 : index
    %get3A_12 = arith.constant 0 : index
    %get3A_13 = vector.load %arg3[%get3A_11, %get3A_12] : memref<128x128xf32, #tpu.memory_space<vmem>>, vector<128x128xf32>
    %dot_general3A_14 = arith.constant dense<0.000000e+00> : vector<2000x128xf32>
    %dot_general3A_15 = tpu.matmul %get3A_1, %get3A_13, %dot_general3A_14 {dimension_numbers = #tpu.dot_dimension_numbers<[1], [0], [0], [1], [0, 0, 1, 1], [], []>, transpose_lhs_hint = false} : vector<2000x128xf32>, vector<128x128xf32>, vector<2000x128xf32> -> vector<2000x128xf32>
    %swap3A_16 = arith.constant 1 : index
    %swap3A_17 = arith.constant 0 : index
    %swap3A_18 = arith.constant 0 : index
    %swap3A_19 = vector.load %arg4[%swap3A_16, %swap3A_17, %swap3A_18] : memref<2x2000x128xf32, #tpu.memory_space<vmem>>, vector<1x2000x128xf32>
    %swap3A_20 = vector.shape_cast %swap3A_19 : vector<1x2000x128xf32> to vector<2000x128xf32>
    %swap3A_21 = vector.shape_cast %dot_general3A_15 : vector<2000x128xf32> to vector<1x2000x128xf32>
    tpu.vector_store %arg4[%swap3A_16, %swap3A_17, %swap3A_18], %swap3A_21 {strides = array<i32>} : memref<2x2000x128xf32, #tpu.memory_space<vmem>>, vector<1x2000x128xf32>,
    return
  }
  func.func @transform_0(%arg0: i32) -> (i32, i32) {
    %c0_i32 = arith.constant 0 : i32
    %c0_i32_0 = arith.constant 0 : i32
    return %arg0, %c0_i32 : i32, i32
  }
  func.func @transform_1(%arg0: i32) -> (i32, i32) {
    %c0_i32 = arith.constant 0 : i32
    %c0_i32_0 = arith.constant 0 : i32
    %c0_i32_1 = arith.constant 0 : i32
    return %c0_i32, %c0_i32_0 : i32, i32
  }
  func.func @transform_2(%arg0: i32) -> (i32, i32) {
    %c0_i32 = arith.constant 0 : i32
    %c0_i32_0 = arith.constant 0 : i32
    %c0_i32_1 = arith.constant 0 : i32
    return %c0_i32, %c0_i32_0 : i32, i32
  }
  func.func @transform_3(%arg0: i32) -> (i32, i32, i32) {
    %c0_i32 = arith.constant 0 : i32
    %c0_i32_0 = arith.constant 0 : i32
    %c0_i32_1 = arith.constant 0 : i32
    return %c0_i32, %arg0, %c0_i32_0 : i32, i32, i32
  }
}

module attributes {stable_mosaic.version = 14 : i64} {
  func.func @_k3b_body(%arg0: i32, %arg1: memref<5000x128xf32, #tpu.memory_space<vmem>>, %arg2: memref<5000x128xf32, #tpu.memory_space<vmem>>, %arg3: memref<128x128xf32, #tpu.memory_space<vmem>>, %arg4: memref<1x128xf32, #tpu.memory_space<vmem>>, %arg5: memref<128x128xf32, #tpu.memory_space<vmem>>, %arg6: memref<1x128xf32, #tpu.memory_space<vmem>>, %arg7: memref<100000x128xf32, #tpu.memory_space<hbm>>, %arg8: memref<5000x128xf32, #tpu.memory_space<vmem>>) attributes {dimension_semantics = [#tpu.dimension_semantics<arbitrary>], iteration_bounds = array<i64: 10>, scalar_prefetch = 0 : i64, scratch_operands = 0 : i64, tpu.core_type = #tpu.core_type<tc>, window_params = [{transform_indices = @transform_0, window_bounds = array<i64: 5000, 128>}, {transform_indices = @transform_1, window_bounds = array<i64: 5000, 128>}, {pipeline_mode = #tpu.pipeline_mode<synchronous>, transform_indices = @transform_2, window_bounds = array<i64: 128, 128>}, {pipeline_mode = #tpu.pipeline_mode<synchronous>, transform_indices = @transform_3, window_bounds = array<i64: 1, 128>}, {pipeline_mode = #tpu.pipeline_mode<synchronous>, transform_indices = @transform_4, window_bounds = array<i64: 128, 128>}, {pipeline_mode = #tpu.pipeline_mode<synchronous>, transform_indices = @transform_5, window_bounds = array<i64: 1, 128>}, {}, {transform_indices = @transform_7, window_bounds = array<i64: 5000, 128>}]} {
    %get3A = arith.constant 0 : index
    %get3A_0 = arith.constant 0 : index
    %get3A_1 = vector.load %arg1[%get3A, %get3A_0] : memref<5000x128xf32, #tpu.memory_space<vmem>>, vector<5000x128xf32>
    %get3A_2 = arith.constant 0 : index
    %get3A_3 = arith.constant 0 : index
    %get3A_4 = vector.load %arg3[%get3A_2, %get3A_3] : memref<128x128xf32, #tpu.memory_space<vmem>>, vector<128x128xf32>
    %dot_general3A = arith.constant dense<0.000000e+00> : vector<5000x128xf32>
    %dot_general3A_5 = tpu.matmul %get3A_1, %get3A_4, %dot_general3A {dimension_numbers = #tpu.dot_dimension_numbers<[1], [0], [0], [1], [0, 0, 1, 1], [], []>, transpose_lhs_hint = false} : vector<5000x128xf32>, vector<128x128xf32>, vector<5000x128xf32> -> vector<5000x128xf32>
    %get3A_6 = arith.constant 0 : index
    %get3A_7 = arith.constant 0 : index
    %get3A_8 = vector.load %arg2[%get3A_6, %get3A_7] : memref<5000x128xf32, #tpu.memory_space<vmem>>, vector<5000x128xf32>
    %add3A = arith.addf %dot_general3A_5, %get3A_8 : vector<5000x128xf32>
    %get3A_9 = arith.constant 0 : index
    %get3A_10 = arith.constant 0 : index
    %get3A_11 = vector.load %arg4[%get3A_9, %get3A_10] : memref<1x128xf32, #tpu.memory_space<vmem>>, vector<1x128xf32>
    %add3A_12 = vector.broadcast %get3A_11 : vector<1x128xf32> to vector<5000x128xf32>
    %add3A_13 = arith.addf %add3A, %add3A_12 : vector<5000x128xf32>
    %max3A = arith.constant 0.000000e+00 : f32
    %max3A_14 = vector.broadcast %max3A : f32 to vector<5000x128xf32>
    %max3A_15 = arith.maximumf %add3A_13, %max3A_14 : vector<5000x128xf32>
    %get3A_16 = arith.constant 0 : index
    %get3A_17 = arith.constant 0 : index
    %get3A_18 = vector.load %arg5[%get3A_16, %get3A_17] : memref<128x128xf32, #tpu.memory_space<vmem>>, vector<128x128xf32>
    %dot_general3A_19 = arith.constant dense<0.000000e+00> : vector<5000x128xf32>
    %dot_general3A_20 = tpu.matmul %max3A_15, %get3A_18, %dot_general3A_19 {dimension_numbers = #tpu.dot_dimension_numbers<[1], [0], [0], [1], [0, 0, 1, 1], [], []>, transpose_lhs_hint = false} : vector<5000x128xf32>, vector<128x128xf32>, vector<5000x128xf32> -> vector<5000x128xf32>
    %add3A_21 = arith.addf %get3A_1, %dot_general3A_20 : vector<5000x128xf32>
    %get3A_22 = arith.constant 0 : index
    %get3A_23 = arith.constant 0 : index
    %get3A_24 = vector.load %arg6[%get3A_22, %get3A_23] : memref<1x128xf32, #tpu.memory_space<vmem>>, vector<1x128xf32>
    %add3A_25 = vector.broadcast %get3A_24 : vector<1x128xf32> to vector<5000x128xf32>
    %add3A_26 = arith.addf %add3A_21, %add3A_25 : vector<5000x128xf32>
    %swap3A = arith.constant 0 : index
    %swap3A_27 = arith.constant 0 : index
    %swap3A_28 = vector.load %arg8[%swap3A, %swap3A_27] : memref<5000x128xf32, #tpu.memory_space<vmem>>, vector<5000x128xf32>
    tpu.vector_store %arg8[%swap3A, %swap3A_27], %add3A_26 {strides = array<i32>} : memref<5000x128xf32, #tpu.memory_space<vmem>>, vector<5000x128xf32>,
    return
  }
  func.func @transform_0(%arg0: i32) -> (i32, i32) {
    %add3A = arith.constant 10 : i32
    %add3A_0 = arith.addi %arg0, %add3A : i32
    %c0_i32 = arith.constant 0 : i32
    %c0_i32_1 = arith.constant 0 : i32
    return %add3A_0, %c0_i32 : i32, i32
  }
  func.func @transform_1(%arg0: i32) -> (i32, i32) {
    %c0_i32 = arith.constant 0 : i32
    %c0_i32_0 = arith.constant 0 : i32
    return %arg0, %c0_i32 : i32, i32
  }
  func.func @transform_2(%arg0: i32) -> (i32, i32) {
    %c0_i32 = arith.constant 0 : i32
    %c0_i32_0 = arith.constant 0 : i32
    %c0_i32_1 = arith.constant 0 : i32
    return %c0_i32, %c0_i32_0 : i32, i32
  }
  func.func @transform_3(%arg0: i32) -> (i32, i32) {
    %c0_i32 = arith.constant 0 : i32
    %c0_i32_0 = arith.constant 0 : i32
    %c0_i32_1 = arith.constant 0 : i32
    return %c0_i32, %c0_i32_0 : i32, i32
  }
  func.func @transform_4(%arg0: i32) -> (i32, i32) {
    %c0_i32 = arith.constant 0 : i32
    %c0_i32_0 = arith.constant 0 : i32
    %c0_i32_1 = arith.constant 0 : i32
    return %c0_i32, %c0_i32_0 : i32, i32
  }
  func.func @transform_5(%arg0: i32) -> (i32, i32) {
    %c0_i32 = arith.constant 0 : i32
    %c0_i32_0 = arith.constant 0 : i32
    %c0_i32_1 = arith.constant 0 : i32
    return %c0_i32, %c0_i32_0 : i32, i32
  }
  func.func @transform_7(%arg0: i32) -> (i32, i32) {
    %add3A = arith.constant 10 : i32
    %add3A_0 = arith.addi %arg0, %add3A : i32
    %c0_i32 = arith.constant 0 : i32
    %c0_i32_1 = arith.constant 0 : i32
    return %add3A_0, %c0_i32 : i32, i32
  }
}

module attributes {stable_mosaic.version = 14 : i64} {
  func.func @_k3_body(%arg0: i32, %arg1: memref<5000x128xf32, #tpu.memory_space<vmem>>, %arg2: memref<5000x128xf32, #tpu.memory_space<vmem>>, %arg3: memref<128x128xf32, #tpu.memory_space<vmem>>, %arg4: memref<1x128xf32, #tpu.memory_space<vmem>>, %arg5: memref<128x128xf32, #tpu.memory_space<vmem>>, %arg6: memref<1x128xf32, #tpu.memory_space<vmem>>, %arg7: memref<5000x128xf32, #tpu.memory_space<vmem>>) attributes {dimension_semantics = [#tpu.dimension_semantics<arbitrary>], iteration_bounds = array<i64: 10>, scalar_prefetch = 0 : i64, scratch_operands = 0 : i64, tpu.core_type = #tpu.core_type<tc>, window_params = [{transform_indices = @transform_0, window_bounds = array<i64: 5000, 128>}, {transform_indices = @transform_1, window_bounds = array<i64: 5000, 128>}, {pipeline_mode = #tpu.pipeline_mode<synchronous>, transform_indices = @transform_2, window_bounds = array<i64: 128, 128>}, {pipeline_mode = #tpu.pipeline_mode<synchronous>, transform_indices = @transform_3, window_bounds = array<i64: 1, 128>}, {pipeline_mode = #tpu.pipeline_mode<synchronous>, transform_indices = @transform_4, window_bounds = array<i64: 128, 128>}, {pipeline_mode = #tpu.pipeline_mode<synchronous>, transform_indices = @transform_5, window_bounds = array<i64: 1, 128>}, {transform_indices = @transform_6, window_bounds = array<i64: 5000, 128>}]} {
    %get3A = arith.constant 0 : index
    %get3A_0 = arith.constant 0 : index
    %get3A_1 = vector.load %arg1[%get3A, %get3A_0] : memref<5000x128xf32, #tpu.memory_space<vmem>>, vector<5000x128xf32>
    %get3A_2 = arith.constant 0 : index
    %get3A_3 = arith.constant 0 : index
    %get3A_4 = vector.load %arg3[%get3A_2, %get3A_3] : memref<128x128xf32, #tpu.memory_space<vmem>>, vector<128x128xf32>
    %dot_general3A = arith.constant dense<0.000000e+00> : vector<5000x128xf32>
    %dot_general3A_5 = tpu.matmul %get3A_1, %get3A_4, %dot_general3A {dimension_numbers = #tpu.dot_dimension_numbers<[1], [0], [0], [1], [0, 0, 1, 1], [], []>, transpose_lhs_hint = false} : vector<5000x128xf32>, vector<128x128xf32>, vector<5000x128xf32> -> vector<5000x128xf32>
    %get3A_6 = arith.constant 0 : index
    %get3A_7 = arith.constant 0 : index
    %get3A_8 = vector.load %arg2[%get3A_6, %get3A_7] : memref<5000x128xf32, #tpu.memory_space<vmem>>, vector<5000x128xf32>
    %add3A = arith.addf %dot_general3A_5, %get3A_8 : vector<5000x128xf32>
    %get3A_9 = arith.constant 0 : index
    %get3A_10 = arith.constant 0 : index
    %get3A_11 = vector.load %arg4[%get3A_9, %get3A_10] : memref<1x128xf32, #tpu.memory_space<vmem>>, vector<1x128xf32>
    %add3A_12 = vector.broadcast %get3A_11 : vector<1x128xf32> to vector<5000x128xf32>
    %add3A_13 = arith.addf %add3A, %add3A_12 : vector<5000x128xf32>
    %max3A = arith.constant 0.000000e+00 : f32
    %max3A_14 = vector.broadcast %max3A : f32 to vector<5000x128xf32>
    %max3A_15 = arith.maximumf %add3A_13, %max3A_14 : vector<5000x128xf32>
    %get3A_16 = arith.constant 0 : index
    %get3A_17 = arith.constant 0 : index
    %get3A_18 = vector.load %arg5[%get3A_16, %get3A_17] : memref<128x128xf32, #tpu.memory_space<vmem>>, vector<128x128xf32>
    %dot_general3A_19 = arith.constant dense<0.000000e+00> : vector<5000x128xf32>
    %dot_general3A_20 = tpu.matmul %max3A_15, %get3A_18, %dot_general3A_19 {dimension_numbers = #tpu.dot_dimension_numbers<[1], [0], [0], [1], [0, 0, 1, 1], [], []>, transpose_lhs_hint = false} : vector<5000x128xf32>, vector<128x128xf32>, vector<5000x128xf32> -> vector<5000x128xf32>
    %add3A_21 = arith.addf %get3A_1, %dot_general3A_20 : vector<5000x128xf32>
    %get3A_22 = arith.constant 0 : index
    %get3A_23 = arith.constant 0 : index
    %get3A_24 = vector.load %arg6[%get3A_22, %get3A_23] : memref<1x128xf32, #tpu.memory_space<vmem>>, vector<1x128xf32>
    %add3A_25 = vector.broadcast %get3A_24 : vector<1x128xf32> to vector<5000x128xf32>
    %add3A_26 = arith.addf %add3A_21, %add3A_25 : vector<5000x128xf32>
    %swap3A = arith.constant 0 : index
    %swap3A_27 = arith.constant 0 : index
    %swap3A_28 = vector.load %arg7[%swap3A, %swap3A_27] : memref<5000x128xf32, #tpu.memory_space<vmem>>, vector<5000x128xf32>
    tpu.vector_store %arg7[%swap3A, %swap3A_27], %add3A_26 {strides = array<i32>} : memref<5000x128xf32, #tpu.memory_space<vmem>>, vector<5000x128xf32>,
    return
  }
  func.func @transform_0(%arg0: i32) -> (i32, i32) {
    %add3A = arith.constant 0 : i32
    %add3A_0 = arith.addi %arg0, %add3A : i32
    %c0_i32 = arith.constant 0 : i32
    %c0_i32_1 = arith.constant 0 : i32
    return %add3A_0, %c0_i32 : i32, i32
  }
  func.func @transform_1(%arg0: i32) -> (i32, i32) {
    %c0_i32 = arith.constant 0 : i32
    %c0_i32_0 = arith.constant 0 : i32
    return %arg0, %c0_i32 : i32, i32
  }
  func.func @transform_2(%arg0: i32) -> (i32, i32) {
    %c0_i32 = arith.constant 0 : i32
    %c0_i32_0 = arith.constant 0 : i32
    %c0_i32_1 = arith.constant 0 : i32
    return %c0_i32, %c0_i32_0 : i32, i32
  }
  func.func @transform_3(%arg0: i32) -> (i32, i32) {
    %c0_i32 = arith.constant 0 : i32
    %c0_i32_0 = arith.constant 0 : i32
    %c0_i32_1 = arith.constant 0 : i32
    return %c0_i32, %c0_i32_0 : i32, i32
  }
  func.func @transform_4(%arg0: i32) -> (i32, i32) {
    %c0_i32 = arith.constant 0 : i32
    %c0_i32_0 = arith.constant 0 : i32
    %c0_i32_1 = arith.constant 0 : i32
    return %c0_i32, %c0_i32_0 : i32, i32
  }
  func.func @transform_5(%arg0: i32) -> (i32, i32) {
    %c0_i32 = arith.constant 0 : i32
    %c0_i32_0 = arith.constant 0 : i32
    %c0_i32_1 = arith.constant 0 : i32
    return %c0_i32, %c0_i32_0 : i32, i32
  }
  func.func @transform_6(%arg0: i32) -> (i32, i32) {
    %add3A = arith.constant 0 : i32
    %add3A_0 = arith.addi %arg0, %add3A : i32
    %c0_i32 = arith.constant 0 : i32
    %c0_i32_1 = arith.constant 0 : i32
    return %add3A_0, %c0_i32 : i32, i32
  }
}

</mosaic_0001>

<sc_bundles>
// kernel: kernel.10.cloned.1.call-start
scs
__scs_entry_jumppad:
0x0: {  	(pc) =	sbr.rel $0x88, $3  }
0x1: {  	(tag) =	ssettag $0x0;
	lr =	simm.s32 $0x1  }
0x2: {  	[smem:$0x3F9B] =	sst lr;
	_ =	strace $0xD0000000  }
0x3: {  	_ = 	snop  }
0x4: {  	_ = 	snop  }
0x5: {  	_ = 	snop  }
0x6: {  	_ = 	snop  }
0x7: {  	_ = 	snop  }
__scs_overlays_trampoline_lowered:
0x8: {  	[smem:$0x3FAA] =	sst s0  }
0x9: {  	[smem:$0x3FAB] =	sst s1  }
0xa: {  	[smem:$0x3FAC] =	sst s2  }
0xb: {  	[smem:$0x3FAD] =	sst s3  }
0xc: {  	[smem:$0x3FAE] =	sst s4  }
0xd: {  	[smem:$0x3FAF] =	sst s5  }
0xe: {  	[smem:$0x3FB0] =	sst s6  }
0xf: {  	[smem:$0x3FB1] =	sst s7  }
0x10: {  	[smem:$0x3FB2] =	sst s8  }
0x11: {  	[smem:$0x3FB3] =	sst s9;
	s0 =	simm.s32 @!p0 $0x0  }
0x12: {  	s1 =	sld [smem:$0x3F99];
	s0 =	simm.s32 @p0 $0x1  }
0x13: {  	[smem:$0x3FB4] =	sst s0;
	s0 =	simm.s32 @!p1 $0x0  }
0x14: {  	s2 =	sld [smem:$0x3F98];
	s0 =	simm.s32 @p1 $0x1  }
0x15: {  	[smem:$0x3FB5] =	sst s0;
	s0 =	simm.s32 @!p2 $0x0  }
0x16: {  	s3 =	sld [smem:$0x3FDB];
	s0 =	simm.s32 @p2 $0x1  }
0x17: {  	s4 =	simm.s32 $0x1BF5;
	[smem:$0x3FB7] =	sst s0  }
0x18: {  	s0 =	sld [smem:$0x3F9A];
	_ =	swait.ge [sflag:s4], $0x0  }
0x19: {  	s7 =	sld [smem:$0x3F9B]  }
0x1a: {  	s8 =	sadd.s32 $0xFFFFE003, lr  }
0x1b: {  	s9 =	sadd.s32 $0xFFFFFEF7, lr;
	s5 =	simm.s32 $0xFFFFFFFF;
	p2 =	slt.u32 s8, $0xFFFFF086  }
0x1c: {  	p1 =	slt.u32 s9, $0xF7A;
	s5 =	simm.s32 @!p2 $0x0  }
0x1d: {  	s5 =	simm.s32 @p1 $0x1;
	p0 =	seq.s32 s7, s2  }
0x1e: {  	s7 =	smul.u32 @!p0 $0xF7A, s2;
	p2 =	seq.s32 @!p0 s5, $0x0  }
0x1f: {  	s9 =	smul.u32 $0xF7A, s1;
	s8 =	simm.s32 @!p0 $0x1BF5;
	p2 =	por !p2, p0  }
0x20: {  	[sflag:s8] =	ssyncset.s32 @!p0 $0xFFFFF086;
	s6 =	sadd.s32 @!p0 s3, s7;
	s7 =	simm.s32 @!p0 $0x108  }
0x21: {  	s3 =	sadd.s32 s3, s9;
	s6 =	sadd.s32 @!p0 $0x88, s6;
	s7 =	simm.s32 @p2 $0x1082  }
0x22: {  	[simem:s7], [sflag:s8] =	dma.local @!p0 [hbm:s6], $0xF7A  }
0x23: {  	s9 =	sor.u32 $0xD0000000, s2;
	s6 =	simm.s32 $0x108;
	_ =	swait.ge @!p0 [sflag:s8], $0x0  }
0x24: {  	s3 =	sadd.s32 $0x88, s3;
	s6 =	simm.s32 @!p1 $0x1082;
	[sflag:s4] =	ssyncset.s32 $0xFFFFF086  }
0x25: {  	[simem:s6], [sflag:s4] =	dma.local [hbm:s3], $0xF7A  }
0x26: {  	[smem:$0x3F9B] =	sst s1;
	(tag) =	ssettag s2;
	_ =	strace s9  }
0x27: {  	s1 =	sld [smem:$0x3FAB]  }
0x28: {  	s2 =	sld [smem:$0x3FAC]  }
0x29: {  	s4 =	sld [smem:$0x3FAE]  }
0x2a: {  	p0 =	seq.s32 s5, $0x0;
	s5 =	sld [smem:$0x3FAF]  }
0x2b: {  	s6 =	sld [smem:$0x3FB0]  }
0x2c: {  	s7 =	sld [smem:$0x3FB1]  }
0x2d: {  	s3 =	simm.s32 $0x108;
	s8 =	sld [smem:$0x3FB2]  }
0x2e: {  	s3 =	simm.s32 @!p0 $0x1082;
	s9 =	sld [smem:$0x3FB3]  }
0x2f: {  	lr =	sadd.s32 s0, s3;
	s0 =	sld [smem:$0x3FAA]  }
0x30: {  	s3 =	sld [smem:$0x3FAD]  }
0x31: {  	[smem:$0x3FB6] =	sst s10  }
0x32: {  	s10 =	sld [smem:$0x3FB4];
	_ =	sdelay $0x3  }
0x33: {  	p0 =	seq.s32 s10, $0x1;
	s10 =	sld [smem:$0x3FB6];
	_ =	sdelay $0x3  }
0x34: {  	[smem:$0x3FB6] =	sst s10  }
0x35: {  	s10 =	sld [smem:$0x3FB5];
	_ =	sdelay $0x3  }
0x36: {  	p1 =	seq.s32 s10, $0x1;
	s10 =	sld [smem:$0x3FB6];
	_ =	sdelay $0x3  }
0x37: {  	[smem:$0x3FB6] =	sst s10  }
0x38: {  	s10 =	sld [smem:$0x3FB7]  }
0x39: {  	_ = 	snop;
	(pc) =	sbr.ind lr, $3  }
0x3a: {  	_ = 	snop  }
0x3b: {  	_ = 	snop  }
0x3c: {  	p2 =	seq.s32 s10, $0x1;
	s10 =	sld [smem:$0x3FB6]  }
0x3d: {  	_ =	shalt  }
0x3e: {  	_ =	shalt  }
0x3f: {  	_ =	shalt  }
0x40: {  	_ =	shalt  }
0x41: {  	_ =	shalt  }
0x42: {  	_ =	shalt  }
0x43: {  	_ =	shalt  }
0x44: {  	_ =	shalt  }
0x45: {  	_ =	shalt  }
0x46: {  	_ =	shalt  }
0x47: {  	_ =	shalt  }
0x48: {  	_ =	shalt  }
0x49: {  	_ =	shalt  }
0x4a: {  	_ =	shalt  }
0x4b: {  	_ =	shalt  }
0x4c: {  	_ =	shalt  }
0x4d: {  	_ =	shalt  }
0x4e: {  	_ =	shalt  }
0x4f: {  	_ =	shalt  }
0x50: {  	_ =	shalt  }
0x51: {  	_ =	shalt  }
0x52: {  	_ =	shalt  }
0x53: {  	_ =	shalt  }
0x54: {  	_ =	shalt  }
0x55: {  	_ =	shalt  }
0x56: {  	_ =	shalt  }
0x57: {  	_ =	shalt  }
0x58: {  	_ =	shalt  }
0x59: {  	_ =	shalt  }
0x5a: {  	_ =	shalt  }
0x5b: {  	_ =	shalt  }
0x5c: {  	_ =	shalt  }
0x5d: {  	_ =	shalt  }
0x5e: {  	_ =	shalt  }
0x5f: {  	_ =	shalt  }
0x60: {  	_ =	shalt  }
0x61: {  	_ =	shalt  }
0x62: {  	_ =	shalt  }
0x63: {  	_ =	shalt  }
0x64: {  	_ =	shalt  }
0x65: {  	_ =	shalt  }
0x66: {  	_ =	shalt  }
0x67: {  	_ =	shalt  }
0x68: {  	_ =	shalt  }
0x69: {  	_ =	shalt  }
0x6a: {  	_ =	shalt  }
0x6b: {  	_ =	shalt  }
0x6c: {  	_ =	shalt  }
0x6d: {  	_ =	shalt  }
0x6e: {  	_ =	shalt  }
0x6f: {  	_ =	shalt  }
0x70: {  	_ =	shalt  }
0x71: {  	_ =	shalt  }
0x72: {  	_ =	shalt  }
0x73: {  	_ =	shalt  }
0x74: {  	_ =	shalt  }
0x75: {  	_ =	shalt  }
0x76: {  	_ =	shalt  }
0x77: {  	_ =	shalt  }
0x78: {  	_ =	shalt  }
0x79: {  	_ =	shalt  }
0x7a: {  	_ =	shalt  }
0x7b: {  	_ =	shalt  }
0x7c: {  	_ =	shalt  }
0x7d: {  	_ =	shalt  }
0x7e: {  	_ =	shalt  }
0x7f: {  	_ =	shalt  }
0x80: {  	_ =	shalt  }
0x81: {  	_ =	shalt  }
0x82: {  	_ =	shalt  }
0x83: {  	_ =	shalt  }
0x84: {  	_ =	shalt  }
0x85: {  	_ =	shalt  }
0x86: {  	_ =	shalt  }
0x87: {  	_ =	shalt  }
.Lfunc_end0:
.L_simem_size_0:
called_computation.1_lowered:
.L_overlay_start_0:
0x88: {  	s2 =	sld [smem:$0x3FD9]  }
0x89: {  	s3 =	sld [smem:$0x3FFE];
	_ =	sdelay $0x1  }
0x8a: {  	s1 =	srdreg.scid  }
0x8b: {  	s0 =	sand.u32 $0x1, s1  }
0x8c: {  	s17 =	sshll.u32 s0, $0xA;
	s2 =	sadd.s32 s3, s2  }
0x8d: {  	s2 =	sadd.s32 s2, s17  }
0x8e: {  	[smem:$0x3FC2] =	sst s2  }
0x8f: {  	_ = 	snop  }
0x90: {  	(tm) =	ssettm $0x1  }
0x91: {  	s18 =	sld [smem:$0x3FFB];
	_ =	sdelay $0x3  }
0x92: {  	_ =	strace s18  }
0x93: {  	s2 =	sld [smem:$0x3FFC];
	_ =	sdelay $0x3  }
0x94: {  	_ =	strace s2  }
0x95: {  	s2 =	sld [smem:$0x3FFD];
	_ =	sdelay $0x3  }
0x96: {  	_ =	strace s2  }
0x97: {  	_ =	strace $0x8FFFFFFF  }
0x98: {  	s19 =	sld [smem:$0x3FDB];
	_ =	sdelay $0x1  }
0x99: {  	s20 =	simm.s32 $_scs_section_size  }
0x9a: {  	s4 =	simm.s32 $_size__tile_overlayer_lowered;
	s5 =	simm.s32 $_tile_overlayer_lowered  }
0x9b: {  	s6 =	simm.s32 $0x1BFF;
	s21 =	sshll.u32 s5, $0x1;
	s3 =	sadd.s32 s20, s19  }
0x9c: {  	s22 =	simm.s32 $0x0;
	s4 =	sshll.u32 s4, $0x1;
	s5 =	sadd.s32 s21, s3  }
0x9d: {  	[timem:s22], [sflag:s6] =	dma.local [hbm:s5], s4  }
0x9e: {  	_ =	swait.ge [sflag:s6], s4  }
0x9f: {  	s4 =	ssub.s32 $0x0, s4;
	[sflag:s6] =	ssyncset.done $0x0  }
0xa0: {  	[sflag:s6] =	ssyncadd.s32 s4;
	_ =	sdelay $0x1  }
0xa1: {  	s23 =	simm.s32 $0x1B8B  }
0xa2: {  	_ =	swait.ge [sflag:s23], $0x1  }
0xa3: {  	[sflag:s23] =	ssyncset.done $0x0  }
0xa4: {  	[sflag:s23] =	ssyncadd.s32 $0xFFFFFFFF  }
0xa5: {  	s4 =	sld [smem:$0x0]  }
0xa6: {  	s5 =	sand.u32 $0xFFFFFFFE, s1  }
0xa7: {  	p0 =	sne.s32 s1, s5  }
0xa8: {  	s5 =	sshll.u32 @p0 s5, $0xE  }
0xa9: {  	s5 =	sadd.s32 @p0 $0x11B8D, s5;
	s6 =	sshll.u32 @p0 s4, $0x11  }
0xaa: {  	s5 =	sor.u32 @p0 s6, s5  }
0xab: {  	[sflag:s5] =	ssyncadd.remote.s32 @p0 $0x1;
	_ =	sdelay $0x1  }
0xac: {  	s5 =	simm.s32 @p0 $0x1B8D  }
0xad: {  	_ =	swait.eq @p0 [sflag:s5], $0x1  }
0xae: {  	[sflag:s5] =	ssyncadd.s32 @p0 $0xFFFFFFFF  }
0xaf: {  	s6 =	sshll.u32 @!p0 s1, $0xE  }
0xb0: {  	s6 =	sor.u32 @!p0 $0x4000, s6;
	s5 =	simm.s32 @!p0 $0x1B8D  }
0xb1: {  	s4 =	sshll.u32 @!p0 s4, $0x11;
	s6 =	sadd.s32 @!p0 $0x11B8D, s6;
	_ =	swait.eq @!p0 [sflag:s5], $0x1  }
0xb2: {  	s4 =	sor.u32 @!p0 s4, s6;
	[sflag:s5] =	ssyncadd.s32 @!p0 $0xFFFFFFFF  }
0xb3: {  	s25 =	simm.s32 $0x1B8E;
	s24 =	sld [smem:$0x3FFE];
	[sflag:s4] =	ssyncadd.remote.s32 @!p0 $0x1  }
0xb4: {  	s26 =	simm.s32 $execute0_lowered;
	[smem:$0x3FD2] =	sst s25  }
0xb5: {  	s5 =	sshll.u32 s26, $0x1;
	_ =	strace $0x80000049;
	[dreg:$0x1] =	wrdreg $0xFFFFFFFF  }
0xb6: {  	s28 =	simm.s32 $_size_execute0_lowered;
	s3 =	sadd.s32 s3, s5;
	[dreg:$0x0] =	wrdreg $0x0  }
0xb7: {  	s5 =	sshll.u32 s28, $0x1;
	[dreg:$0x2] =	wrdreg s3  }
0xb8: {  	[dreg:$0x3] =	wrdreg s5  }
0xb9: {  	[dreg:$0x4] =	wrdreg $0xC0  }
0xba: {  	_ =	task [dreg:s22], $0x5FFFF  }
0xbb: {  	[dreg:$0x1] =	wrdreg $0xFFFFFFFF  }
0xbc: {  	[dreg:$0x0] =	wrdreg $0x60  }
0xbd: {  	[dreg:$0x2] =	wrdreg s24  }
0xbe: {  	[dreg:$0x3] =	wrdreg $0xA  }
0xbf: {  	_ =	task.clear_ibuf [dreg:s22], $0x4FFFF;
	_ =	strace $0x90000049  }
0xc0: {  	s29 =	simm.s32 $0xA;
	_ =	strace $0x8000004B  }
0xc1: {  	_ =	swait.ge [sflag:s29], $0x1  }
0xc2: {  	[sflag:s29] =	ssyncadd.s32 $0xFFFFFFFF  }
0xc3: {  	_ =	strace $0x9000004B  }
0xc4: {  	_ =	sfence  }
0xc5: {  	s30 =	sld [smem:$0x0];
	_ =	sdelay $0x2  }
0xc6: {  	s31 =	sshll.u32 s1, $0xD;
	s1 =	sshrl.u32 s1, $0x2  }
0xc7: {  	s4 =	sand.u32 $0x4000, s31;
	s1 =	sadd.s32 s1, s30  }
0xc8: {  	s0 =	sor.u32 s4, s0;
	s1 =	sshll.u32 s1, $0x11  }
0xc9: {  	s0 =	sor.u32 s1, s0  }
0xca: {  	s0 =	sadd.s32 $0x8F2B, s0  }
0xcb: {  	[sflag:s0] =	ssyncadd.remote.s32 $0x1  }
0xcc: {  	_ =	sfence.sel $0xFFFF  }
0xcd: {  	[dreg:$0x0] =	wrdreg $0xFFFFFFFF;
	(pc) =	sbr.abs _section_cstart, $3  }
0xce: {  	[dreg:$0x1] =	wrdreg $0xFFFFFFFF  }
0xcf: {  	_ =	task.clear_ibuf [dreg:s22], $0x2FFFF;
	_ =	strace $0x9FFFFFFF  }
0xd0: {  	(tm) =	ssettm $0x7FFFFFFF  }
0xd1: {  	_ =	shalt  }
tec
execute0_lowered:
.L_overlay_start_1:
0x0: {  	(tag) =	ssettag $0x1  }
0x1: {  	s1 =	srdreg.scid  }
0x2: {  	s0 =	stileid.u32;
	s7 =	rddreg [dreg:$0x0];
	s2 =	simm.s32 $0x0  }
0x3: {  	vm0 =	vcmask $0xB08;
	v0 =	vimm.s32 $0x0;
	vm15 =	vcmask $0x1714;
	s10 =	simm.s32 $0x5;
	s11 =	simm.s32 $0x50;
	s12 =	simm.s32 $0x1E0  }
0x4: {  	vm4 =	vcmask $0x2320;
	vm5 =	vcmask $0x2F2C;
	s13 =	simm.s32 $0x29E0;
	s14 =	simm.s32 $0xA0;
	s15 =	simm.s32 $0x51E0;
	v1 =	vsel vm0, $0x186A0, v0  }
0x5: {  	vm6 =	vcmask $0x704;
	vm1 =	vcmask $0x3B38;
	s16 =	simm.s32 $0xF0;
	s17 =	simm.s32 $0x79E0;
	s18 =	simm.s32 $0x140;
	v1 =	vsel vm15, $0x186A0, v1  }
0x6: {  	vm7 =	vcmask $0x1310;
	vm8 =	vcmask $0x1F1C;
	s19 =	simm.s32 $0xA1E0;
	s20 =	simm.s32 $0x190;
	s21 =	simm.s32 $0xC9E0;
	v1 =	vsel vm4, $0x186A0, v1  }
0x7: {  	vm9 =	vcmask $0xB04;
	s22 =	simm.s32 $0x1;
	s23 =	simm.s32 $0xF1E0;
	s24 =	simm.s32 $0x2;
	v2 =	vsel vm6, $0x186A0, v0;
	v1 =	vsel vm5, $0x186A0, v1  }
0x8: {  	s25 =	simm.s32 $0x119E0;
	s1 =	sand.u32 $0x1, s1;
	s3 =	sshll.u32 s0, $0x1;
	v0 =	vsel vm1, $0x186A0, v1;
	v1 =	vsel vm7, $0x186A0, v2;
	v2 =	vimm.s32 $0x186A0  }
.Ltmp0:
0x9: {  	vm10 =	vcmask $0x1710;
	vm11 =	vcmask $0x2B28;
	s26 =	simm.s32 $0x0;
	s3 =	sor.u32 s1, s3;
	v2 =	vsel vm9, $0x0, v2;
	(pc) =	sbr.rel .LBB2_1-.Ltmp0, $4  }
0xa: {  	vm12 =	vcmask $0x231C;
	vm13 =	vcmask $0x2F28;
	[smem:$0x7FF] =	sst s2;
	s1 =	ssub.s32 $0x2, s1;
	s4 =	sadd.s32 $0x271, s3;
	v2 =	vsel vm10, $0x0, v2  }
0xb: {  	vm14 =	vcmask $0x3734;
	s5 =	sadd.s32 $0xA400, s7;
	s9 =	sshrl.u32 s1, $0x1;
	s8 =	smul.u32 $0x1E, s4;
	v1 =	vsel vm8, $0x186A0, v1;
	v2 =	vsel vm12, $0x0, v2  }
0xc: {  	s6 =	sadd.s32 $0x1000, s7;
	s7 =	sadd.s32 $0x3DAE00, s7;
	vm15 =	vcmask $0x3B34;
	s1 =	ssub.s32 s1, s9;
	v1 =	vsel vm11, $0x186A0, v1;
	v3 =	vsel vm13, $0x0, v2  }
0xd: {  	_ =	strace $0x8000004A;
	s9 =	smax.u32 s1, $0x1;
	s8 =	sadd.s32 s6, s8;
	v1 =	vsel vm14, $0x186A0, v1;
	v2 =	vimm.f32 $0.0e+00;
	v3 =	vsel vm15, $0x0, v3  }
.LBB2_17:
0xe: {  	s26 =	sadd.s32 $0x1, s26  }
0xf: {  	p0 =	sne.s32 s26, s9  }
.Ltmp1:
0x10: {  	_ = 	snop;
	(pc) =	sbr.rel @!p0 .LBB2_18-.Ltmp1, $1  }
0x11: {  	_ =	sdelay $0x3  }
.LBB2_1:
0x12: {  	s1 =	simm.s32 $0x0;
	s28 =	simm.s32 $0x200  }
.LBB2_2:
0x13: {  	p0 =	sne.s32 s28, $0x9E00;
	[tilespmem:s1+$0x11A50] =	vst v2  }
0x14: {  	[tilespmem:s1+$0xF220] =	vst v2  }
0x15: {  	[tilespmem:s1+$0x11A20] =	vst v2  }
.Ltmp2:
0x16: {  	[tilespmem:s1+$0xF230] =	vst v2;
	(pc) =	sbr.rel @p0 .LBB2_2-.Ltmp2, $4  }
0x17: {  	[tilespmem:s1+$0x11A30] =	vst v2  }
0x18: {  	[tilespmem:s1+$0xF240] =	vst v2  }
0x19: {  	[tilespmem:s1+$0x11A40] =	vst v2  }
0x1a: {  	[tilespmem:s1+$0xF250] =	vst v2;
	s1 =	sshra.s32 s28, $0x2;
	s28 =	sadd.s32 $0x200, s28  }
0x1b: {  	[tilespmem:s1+$0x11A50] =	vst v2  }
0x1c: {  	[tilespmem:s1+$0xF220] =	vst v2  }
0x1d: {  	[tilespmem:s1+$0x11A20] =	vst v2  }
0x1e: {  	[tilespmem:s1+$0xF230] =	vst v2  }
0x1f: {  	[tilespmem:s1+$0x11A30] =	vst v2  }
0x20: {  	[tilespmem:s1+$0xF240] =	vst v2  }
0x21: {  	[tilespmem:s1+$0x11A40] =	vst v2  }
0x22: {  	[tilespmem:s1+$0xF250] =	vst v2;
	s28 =	simm.s32 $0x0  }
0x23: {  	[tilespmem:s28], [sflag:$0x5] =	stream.linear.gather [hbm4b:s8+s28], $0xF0, $0x38;
	[tilespmem:$0x141E0] =	vst v63  }
0x24: {  	_ =	swait.ge [sflag:s10], $0xF0  }
0x25: {  	[sflag:s10] =	ssyncset.done $0x0  }
0x26: {  	[sflag:s10] =	ssyncadd.s32 $0xFFFFFF10  }
0x27: {  	v4 =	vld [tilespmem:$0x0]  }
0x28: {  	v5 =	vld [tilespmem:$0x10]  }
0x29: {  	v6 =	vld [tilespmem:$0x20]  }
0x2a: {  	v7 =	vld [tilespmem:$0x30]  }
0x2b: {  	v8 =	vld [tilespmem:$0x40]  }
0x2c: {  	v9 =	vld [tilespmem:$0x50];
	v4 =	vadd.s32 v0, v4  }
0x2d: {  	[tilespmem:$0x0] =	vst v4;
	v4 =	vadd.s32 v1, v5;
	v5 =	vld [tilespmem:$0x60]  }
0x2e: {  	v57 =	vld [tilespmem:$0x70];
	[tilespmem:$0x10] =	vst v4;
	v4 =	vadd.s32 v3, v6  }
0x2f: {  	v58 =	vld [tilespmem:$0x80];
	[tilespmem:$0x20] =	vst v4;
	v4 =	vadd.s32 v0, v7  }
0x30: {  	v59 =	vld [tilespmem:$0x90];
	[tilespmem:$0x30] =	vst v4;
	v4 =	vadd.s32 v1, v8  }
0x31: {  	v60 =	vld [tilespmem:$0xA0];
	[tilespmem:$0x40] =	vst v4;
	v4 =	vadd.s32 v3, v9  }
0x32: {  	[tilespmem:$0x50] =	vst v4;
	v4 =	vadd.s32 v0, v5;
	v5 =	vld [tilespmem:$0xB0]  }
0x33: {  	v61 =	vld [tilespmem:$0xC0];
	[tilespmem:$0x60] =	vst v4;
	v4 =	vadd.s32 v1, v57  }
0x34: {  	v62 =	vld [tilespmem:$0xD0];
	[tilespmem:$0x70] =	vst v4;
	v4 =	vadd.s32 v3, v58  }
0x35: {  	v63 =	vld [tilespmem:$0xE0];
	[tilespmem:$0x80] =	vst v4;
	v4 =	vadd.s32 v0, v59  }
0x36: {  	[tilespmem:$0x90] =	vst v4;
	v4 =	vadd.s32 v1, v60  }
0x37: {  	[tilespmem:$0xA0] =	vst v4;
	v4 =	vadd.s32 v3, v5  }
0x38: {  	[tilespmem:$0xB0] =	vst v4;
	v4 =	vadd.s32 v0, v61  }
0x39: {  	[tilespmem:$0xC0] =	vst v4;
	v4 =	vadd.s32 v1, v62  }
0x3a: {  	[tilespmem:$0xD0] =	vst v4;
	v4 =	vadd.s32 v3, v63  }
0x3b: {  	[tilespmem:$0xE0] =	vst v4  }
0x3c: {  	[tilespmem:s12], [sflag:$0x1] =	stream.indirect.gather [hbm4b:s5+s11], $0x80, s28, s11, $0xb8;
	[tilespmem:$0x141E0] =	vst v63  }
.Ltmp3:
0x3d: {  	_ = 	snop;
	(pc) =	sbr.rel .LBB2_4-.Ltmp3, $4  }
0x3e: {  	_ = 	snop  }
0x3f: {  	[tilespmem:s13], [sflag:$0x1] =	stream.indirect.gather [hbm4b:s5+s11], $0x80, s11, s11, $0xb8;
	[tilespmem:$0x141E0] =	vst v63  }
0x40: {  	_ = 	snop  }
0x41: {  	[tilespmem:s15], [sflag:$0x1] =	stream.indirect.gather [hbm4b:s5+s11], $0x80, s14, s11, $0xb8;
	[tilespmem:$0x141E0] =	vst v63  }
.LBB2_16:
0x42: {  	s28 =	sadd.s32 $0x1, s28  }
0x43: {  	p0 =	sne.s32 s28, $0xB  }
.Ltmp4:
0x44: {  	_ = 	snop;
	(pc) =	sbr.rel @!p0 .LBB2_17-.Ltmp4, $1  }
0x45: {  	_ =	sdelay $0x3  }
.LBB2_4:
0x46: {  	s29 =	sshll.u32 s28, $0x6  }
0x47: {  	s1 =	sadd.s32 s4, s29  }
0x48: {  	p0 =	sgt.u32 s1, $0x4C1  }
.Ltmp5:
0x49: {  	_ = 	snop;
	(pc) =	sbr.rel @p0 .LBB2_6-.Ltmp5, $1  }
0x4a: {  	_ =	sdelay $0x3  }
0x4b: {  	s30 =	smul.u32 $0xF0, s1;
	_ =	sdelay $0x1  }
0x4c: {  	s30 =	sshrl.u32 s30, $0x3  }
0x4d: {  	s30 =	sadd.s32 s6, s30  }
0x4e: {  	s30 =	sadd.s32 $0x3C0, s30  }
0x4f: {  	[tilespmem:s16], [sflag:$0x5] =	stream.linear.gather [hbm4b:s30+s2], $0xF0, $0x38;
	[tilespmem:$0x141E0] =	vst v63  }
0x50: {  	_ =	swait.ge [sflag:s10], $0xF0  }
0x51: {  	[sflag:s10] =	ssyncset.done $0x0  }
0x52: {  	[sflag:s10] =	ssyncadd.s32 $0xFFFFFF10  }
0x53: {  	v4 =	vld [tilespmem:$0xF0]  }
0x54: {  	v5 =	vld [tilespmem:$0x100]  }
0x55: {  	v6 =	vld [tilespmem:$0x110]  }
0x56: {  	v7 =	vld [tilespmem:$0x120]  }
0x57: {  	v8 =	vld [tilespmem:$0x130]  }
0x58: {  	v9 =	vld [tilespmem:$0x140];
	v4 =	vadd.s32 v0, v4  }
0x59: {  	[tilespmem:$0xF0] =	vst v4;
	v4 =	vadd.s32 v1, v5;
	v5 =	vld [tilespmem:$0x150]  }
0x5a: {  	v57 =	vld [tilespmem:$0x160];
	[tilespmem:$0x100] =	vst v4;
	v4 =	vadd.s32 v3, v6  }
0x5b: {  	v58 =	vld [tilespmem:$0x170];
	[tilespmem:$0x110] =	vst v4;
	v4 =	vadd.s32 v0, v7  }
0x5c: {  	v59 =	vld [tilespmem:$0x180];
	[tilespmem:$0x120] =	vst v4;
	v4 =	vadd.s32 v1, v8  }
0x5d: {  	v60 =	vld [tilespmem:$0x190];
	[tilespmem:$0x130] =	vst v4;
	v4 =	vadd.s32 v3, v9  }
0x5e: {  	[tilespmem:$0x140] =	vst v4;
	v4 =	vadd.s32 v0, v5;
	v5 =	vld [tilespmem:$0x1A0]  }
0x5f: {  	v61 =	vld [tilespmem:$0x1B0];
	[tilespmem:$0x150] =	vst v4;
	v4 =	vadd.s32 v1, v57  }
0x60: {  	v62 =	vld [tilespmem:$0x1C0];
	[tilespmem:$0x160] =	vst v4;
	v4 =	vadd.s32 v3, v58  }
0x61: {  	v63 =	vld [tilespmem:$0x1D0];
	[tilespmem:$0x170] =	vst v4;
	v4 =	vadd.s32 v0, v59  }
0x62: {  	[tilespmem:$0x180] =	vst v4;
	v4 =	vadd.s32 v1, v60  }
0x63: {  	[tilespmem:$0x190] =	vst v4;
	v4 =	vadd.s32 v3, v5  }
0x64: {  	[tilespmem:$0x1A0] =	vst v4;
	v4 =	vadd.s32 v0, v61  }
0x65: {  	[tilespmem:$0x1B0] =	vst v4;
	v4 =	vadd.s32 v1, v62  }
0x66: {  	[tilespmem:$0x1C0] =	vst v4;
	v4 =	vadd.s32 v3, v63  }
0x67: {  	[tilespmem:$0x1D0] =	vst v4  }
0x68: {  	[tilespmem:s17], [sflag:$0x2] =	stream.indirect.gather [hbm4b:s5+s11], $0x80, s16, s11, $0xb8;
	[tilespmem:$0x141E0] =	vst v63  }
0x69: {  	_ = 	snop  }
0x6a: {  	[tilespmem:s19], [sflag:$0x2] =	stream.indirect.gather [hbm4b:s5+s11], $0x80, s18, s11, $0xb8;
	[tilespmem:$0x141E0] =	vst v63  }
0x6b: {  	_ = 	snop  }
0x6c: {  	[tilespmem:s21], [sflag:$0x2] =	stream.indirect.gather [hbm4b:s5+s11], $0x80, s20, s11, $0xb8;
	[tilespmem:$0x141E0] =	vst v63  }
.LBB2_6:
0x6d: {  	s30 =	sadd.s32 $0xFFFFFD4F, s1;
	p1 =	sgt.u32 s1, $0x4E1  }
.Ltmp6:
0x6e: {  	p0 =	sgt.u32 s30, $0x270;
	(pc) =	sbr.rel @p1 .LBB2_10-.Ltmp6, $4  }
0x6f: {  	s30 =	simm.s32 @!p0 $0x3  }
0x70: {  	_ =	swait.ge @!p0 [sflag:s30], $0x2800  }
0x71: {  	[sflag:s30] =	ssyncset.done @!p0 $0x0  }
0x72: {  	[sflag:s30] =	ssyncadd.s32 @!p0 $0xFFFFD800  }
0x73: {  	_ =	swait.ge [sflag:s22], $0x2800  }
0x74: {  	[sflag:s22] =	ssyncset.done $0x0  }
0x75: {  	[sflag:s22] =	ssyncadd.s32 $0xFFFFD800  }
0x76: {  	_ =	swait.ge [sflag:s22], $0x2800  }
0x77: {  	[sflag:s22] =	ssyncset.done $0x0  }
0x78: {  	[sflag:s22] =	ssyncadd.s32 $0xFFFFD800  }
0x79: {  	_ =	swait.ge [sflag:s22], $0x2800  }
0x7a: {  	[sflag:s22] =	ssyncset.done $0x0  }
0x7b: {  	s30 =	simm.s32 $0x310;
	[sflag:s22] =	ssyncadd.s32 $0xFFFFD800  }
0x7c: {  	v4 =	vld [tilespmem:s30+$0xFFFFFF90]  }
0x7d: {  	v5 =	vld [tilespmem:s30+$0xFFFFFED0];
	_ =	sdelay $0x1  }
0x7e: {  	v6 =	vld [tilespmem:s30+$0xFFFFFFD0];
	_ =	sdelay $0x2  }
0x7f: {  	v4 =	vadd.f32 v4, v5;
	_ =	sdelay $0x1  }
0x80: {  	v4 =	vadd.f32 v6, v4  }
0x81: {  	s31 =	simm.s32 $0x0  }
0x82: {  	[tilespmem:s31+$0xF1E0] =	vst v4  }
0x83: {  	v4 =	vld [tilespmem:s30+$0xFFFFFEE0]  }
0x84: {  	v5 =	vld [tilespmem:s30+$0xFFFFFFA0];
	_ =	sdelay $0x1  }
0x85: {  	v6 =	vld [tilespmem:s30+$0xFFFFFFE0];
	_ =	sdelay $0x2  }
0x86: {  	v4 =	vadd.f32 v5, v4;
	_ =	sdelay $0x1  }
0x87: {  	v4 =	vadd.f32 v6, v4;
	_ =	sdelay $0x1  }
0x88: {  	[tilespmem:s31+$0xF1F0] =	vst v4  }
0x89: {  	v4 =	vld [tilespmem:s30+$0xFFFFFEF0]  }
0x8a: {  	v5 =	vld [tilespmem:s30+$0xFFFFFFB0];
	_ =	sdelay $0x1  }
0x8b: {  	v6 =	vld [tilespmem:s30+$0xFFFFFFF0];
	_ =	sdelay $0x2  }
0x8c: {  	v4 =	vadd.f32 v5, v4;
	_ =	sdelay $0x1  }
0x8d: {  	v4 =	vadd.f32 v6, v4;
	_ =	sdelay $0x1  }
0x8e: {  	[tilespmem:s31+$0xF200] =	vst v4  }
0x8f: {  	v5 =	vld [tilespmem:s30+$0xFFFFFF00]  }
0x90: {  	v6 =	vld [tilespmem:s30+$0xFFFFFFC0]  }
0x91: {  	s1 =	simm.s32 $0x200;
	v4 =	vld [tilespmem:s30+$0x0]  }
.LBB2_8:
0x92: {  	_ =	sdelay $0x1  }
0x93: {  	p0 =	sne.s32 s1, $0x9E00  }
0x94: {  	s30 =	sadd.s32 $0x180, s30;
	s0 =	smov.u32 s1;
	s1 =	sadd.s32 $0x200, s1;
	v5 =	vadd.f32 v6, v5  }
0x95: {  	_ = 	snop  }
0x96: {  	v4 =	vadd.f32 v4, v5;
	_ =	sdelay $0x1  }
0x97: {  	[tilespmem:s31+$0xF210] =	vst v4  }
0x98: {  	v4 =	vld [tilespmem:s30+$0xFFFFFF90]  }
0x99: {  	v5 =	vld [tilespmem:s30+$0xFFFFFED0];
	_ =	sdelay $0x1  }
0x9a: {  	v6 =	vld [tilespmem:s30+$0xFFFFFFD0];
	_ =	sdelay $0x2  }
0x9b: {  	v4 =	vadd.f32 v4, v5;
	_ =	sdelay $0x1  }
0x9c: {  	v4 =	vadd.f32 v6, v4  }
0x9d: {  	s31 =	sshra.s32 s0, $0x2  }
0x9e: {  	[tilespmem:s31+$0xF1E0] =	vst v4  }
0x9f: {  	v4 =	vld [tilespmem:s30+$0xFFFFFEE0]  }
0xa0: {  	v5 =	vld [tilespmem:s30+$0xFFFFFFA0];
	_ =	sdelay $0x1  }
0xa1: {  	v6 =	vld [tilespmem:s30+$0xFFFFFFE0];
	_ =	sdelay $0x2  }
0xa2: {  	v4 =	vadd.f32 v5, v4;
	_ =	sdelay $0x1  }
0xa3: {  	v4 =	vadd.f32 v6, v4;
	_ =	sdelay $0x1  }
0xa4: {  	[tilespmem:s31+$0xF1F0] =	vst v4  }
0xa5: {  	v4 =	vld [tilespmem:s30+$0xFFFFFEF0]  }
0xa6: {  	v5 =	vld [tilespmem:s30+$0xFFFFFFB0];
	_ =	sdelay $0x1  }
0xa7: {  	v6 =	vld [tilespmem:s30+$0xFFFFFFF0];
	_ =	sdelay $0x2  }
0xa8: {  	v4 =	vadd.f32 v5, v4;
	_ =	sdelay $0x1  }
0xa9: {  	v4 =	vadd.f32 v6, v4  }
.Ltmp7:
0xaa: {  	(pc) =	sbr.rel @p0 .LBB2_8-.Ltmp7, $4  }
0xab: {  	[tilespmem:s31+$0xF200] =	vst v4  }
0xac: {  	v5 =	vld [tilespmem:s30+$0xFFFFFF00]  }
0xad: {  	v6 =	vld [tilespmem:s30+$0xFFFFFFC0]  }
0xae: {  	v4 =	vld [tilespmem:s30+$0x0]  }
0xaf: {  	_ =	sdelay $0x2  }
0xb0: {  	v5 =	vadd.f32 v6, v5  }
0xb1: {  	s0 =	sor.u32 s3, s29  }
0xb2: {  	s0 =	smul.u32 $0x500, s0;
	v4 =	vadd.f32 v4, v5;
	_ =	sdelay $0x1  }
0xb3: {  	s0 =	sadd.s32 s7, s0;
	[tilespmem:s31+$0xF210] =	vst v4  }
0xb4: {  	[hbm4b:s0+s2] =	stream.linear.scatter [tilespmem:s23], [sflag:$0x3], $0x2800, $0x38;
	[tilespmem:$0x141E0] =	vst v63  }
.LBB2_10:
0xb5: {  	s29 =	sor.u32 $0x20, s29  }
0xb6: {  	s1 =	sadd.s32 s4, s29  }
0xb7: {  	p0 =	sgt.u32 s1, $0x4C1  }
.Ltmp8:
0xb8: {  	_ = 	snop;
	(pc) =	sbr.rel @p0 .LBB2_12-.Ltmp8, $1  }
0xb9: {  	_ =	sdelay $0x3  }
0xba: {  	s0 =	smul.u32 $0xF0, s1;
	_ =	sdelay $0x1  }
0xbb: {  	s0 =	sshrl.u32 s0, $0x3  }
0xbc: {  	s0 =	sadd.s32 s6, s0  }
0xbd: {  	s0 =	sadd.s32 $0x3C0, s0  }
0xbe: {  	[tilespmem:s2], [sflag:$0x5] =	stream.linear.gather [hbm4b:s0+s2], $0xF0, $0x38;
	[tilespmem:$0x141E0] =	vst v63  }
0xbf: {  	_ =	swait.ge [sflag:s10], $0xF0  }
0xc0: {  	[sflag:s10] =	ssyncset.done $0x0  }
0xc1: {  	[sflag:s10] =	ssyncadd.s32 $0xFFFFFF10  }
0xc2: {  	v4 =	vld [tilespmem:$0x0]  }
0xc3: {  	v5 =	vld [tilespmem:$0x10]  }
0xc4: {  	v6 =	vld [tilespmem:$0x20]  }
0xc5: {  	v7 =	vld [tilespmem:$0x30]  }
0xc6: {  	v8 =	vld [tilespmem:$0x40]  }
0xc7: {  	v9 =	vld [tilespmem:$0x50];
	v4 =	vadd.s32 v0, v4  }
0xc8: {  	[tilespmem:$0x0] =	vst v4;
	v4 =	vadd.s32 v1, v5;
	v5 =	vld [tilespmem:$0x60]  }
0xc9: {  	v57 =	vld [tilespmem:$0x70];
	[tilespmem:$0x10] =	vst v4;
	v4 =	vadd.s32 v3, v6  }
0xca: {  	v58 =	vld [tilespmem:$0x80];
	[tilespmem:$0x20] =	vst v4;
	v4 =	vadd.s32 v0, v7  }
0xcb: {  	v59 =	vld [tilespmem:$0x90];
	[tilespmem:$0x30] =	vst v4;
	v4 =	vadd.s32 v1, v8  }
0xcc: {  	v60 =	vld [tilespmem:$0xA0];
	[tilespmem:$0x40] =	vst v4;
	v4 =	vadd.s32 v3, v9  }
0xcd: {  	[tilespmem:$0x50] =	vst v4;
	v4 =	vadd.s32 v0, v5;
	v5 =	vld [tilespmem:$0xB0]  }
0xce: {  	v61 =	vld [tilespmem:$0xC0];
	[tilespmem:$0x60] =	vst v4;
	v4 =	vadd.s32 v1, v57  }
0xcf: {  	v62 =	vld [tilespmem:$0xD0];
	[tilespmem:$0x70] =	vst v4;
	v4 =	vadd.s32 v3, v58  }
0xd0: {  	v63 =	vld [tilespmem:$0xE0];
	[tilespmem:$0x80] =	vst v4;
	v4 =	vadd.s32 v0, v59  }
0xd1: {  	[tilespmem:$0x90] =	vst v4;
	v4 =	vadd.s32 v1, v60  }
0xd2: {  	[tilespmem:$0xA0] =	vst v4;
	v4 =	vadd.s32 v3, v5  }
0xd3: {  	[tilespmem:$0xB0] =	vst v4;
	v4 =	vadd.s32 v0, v61  }
0xd4: {  	[tilespmem:$0xC0] =	vst v4;
	v4 =	vadd.s32 v1, v62  }
0xd5: {  	[tilespmem:$0xD0] =	vst v4;
	v4 =	vadd.s32 v3, v63  }
0xd6: {  	[tilespmem:$0xE0] =	vst v4  }
0xd7: {  	[tilespmem:s12], [sflag:$0x1] =	stream.indirect.gather [hbm4b:s5+s11], $0x80, s2, s11, $0xb8;
	[tilespmem:$0x141E0] =	vst v63  }
0xd8: {  	_ = 	snop  }
0xd9: {  	[tilespmem:s13], [sflag:$0x1] =	stream.indirect.gather [hbm4b:s5+s11], $0x80, s11, s11, $0xb8;
	[tilespmem:$0x141E0] =	vst v63  }
0xda: {  	_ = 	snop  }
0xdb: {  	[tilespmem:s15], [sflag:$0x1] =	stream.indirect.gather [hbm4b:s5+s11], $0x80, s14, s11, $0xb8;
	[tilespmem:$0x141E0] =	vst v63  }
.LBB2_12:
0xdc: {  	s0 =	sadd.s32 $0xFFFFFD4F, s1;
	p1 =	sgt.u32 s1, $0x4E1  }
.Ltmp9:
0xdd: {  	p0 =	sgt.u32 s0, $0x270;
	(pc) =	sbr.rel @p1 .LBB2_16-.Ltmp9, $4  }
0xde: {  	s0 =	simm.s32 @!p0 $0x4  }
0xdf: {  	_ =	swait.ge @!p0 [sflag:s0], $0x2800  }
0xe0: {  	[sflag:s0] =	ssyncset.done @!p0 $0x0  }
0xe1: {  	[sflag:s0] =	ssyncadd.s32 @!p0 $0xFFFFD800  }
0xe2: {  	_ =	swait.ge [sflag:s24], $0x2800  }
0xe3: {  	[sflag:s24] =	ssyncset.done $0x0  }
0xe4: {  	[sflag:s24] =	ssyncadd.s32 $0xFFFFD800  }
0xe5: {  	_ =	swait.ge [sflag:s24], $0x2800  }
0xe6: {  	[sflag:s24] =	ssyncset.done $0x0  }
0xe7: {  	[sflag:s24] =	ssyncadd.s32 $0xFFFFD800  }
0xe8: {  	_ =	swait.ge [sflag:s24], $0x2800  }
0xe9: {  	[sflag:s24] =	ssyncset.done $0x0  }
0xea: {  	s30 =	simm.s32 $0x7B10;
	[sflag:s24] =	ssyncadd.s32 $0xFFFFD800  }
0xeb: {  	v4 =	vld [tilespmem:s30+$0xFFFFFF90]  }
0xec: {  	v5 =	vld [tilespmem:s30+$0xFFFFFED0];
	_ =	sdelay $0x1  }
0xed: {  	v6 =	vld [tilespmem:s30+$0xFFFFFFD0];
	_ =	sdelay $0x2  }
0xee: {  	v4 =	vadd.f32 v4, v5;
	_ =	sdelay $0x1  }
0xef: {  	v4 =	vadd.f32 v6, v4  }
0xf0: {  	s31 =	simm.s32 $0x0  }
0xf1: {  	[tilespmem:s31+$0x119E0] =	vst v4  }
0xf2: {  	v4 =	vld [tilespmem:s30+$0xFFFFFEE0]  }
0xf3: {  	v5 =	vld [tilespmem:s30+$0xFFFFFFA0];
	_ =	sdelay $0x1  }
0xf4: {  	v6 =	vld [tilespmem:s30+$0xFFFFFFE0];
	_ =	sdelay $0x2  }
0xf5: {  	v4 =	vadd.f32 v5, v4;
	_ =	sdelay $0x1  }
0xf6: {  	v4 =	vadd.f32 v6, v4;
	_ =	sdelay $0x1  }
0xf7: {  	[tilespmem:s31+$0x119F0] =	vst v4  }
0xf8: {  	v4 =	vld [tilespmem:s30+$0xFFFFFEF0]  }
0xf9: {  	v5 =	vld [tilespmem:s30+$0xFFFFFFB0];
	_ =	sdelay $0x1  }
0xfa: {  	v6 =	vld [tilespmem:s30+$0xFFFFFFF0];
	_ =	sdelay $0x2  }
0xfb: {  	v4 =	vadd.f32 v5, v4;
	_ =	sdelay $0x1  }
0xfc: {  	v4 =	vadd.f32 v6, v4;
	_ =	sdelay $0x1  }
0xfd: {  	[tilespmem:s31+$0x11A00] =	vst v4  }
0xfe: {  	v5 =	vld [tilespmem:s30+$0xFFFFFF00]  }
0xff: {  	v6 =	vld [tilespmem:s30+$0xFFFFFFC0]  }
0x100: {  	s1 =	simm.s32 $0x200;
	v4 =	vld [tilespmem:s30+$0x0]  }
.LBB2_14:
0x101: {  	_ =	sdelay $0x1  }
0x102: {  	p0 =	sne.s32 s1, $0x9E00  }
0x103: {  	s30 =	sadd.s32 $0x180, s30;
	s0 =	smov.u32 s1;
	s1 =	sadd.s32 $0x200, s1;
	v5 =	vadd.f32 v6, v5  }
0x104: {  	_ = 	snop  }
0x105: {  	v4 =	vadd.f32 v4, v5;
	_ =	sdelay $0x1  }
0x106: {  	[tilespmem:s31+$0x11A10] =	vst v4  }
0x107: {  	v4 =	vld [tilespmem:s30+$0xFFFFFF90]  }
0x108: {  	v5 =	vld [tilespmem:s30+$0xFFFFFED0];
	_ =	sdelay $0x1  }
0x109: {  	v6 =	vld [tilespmem:s30+$0xFFFFFFD0];
	_ =	sdelay $0x2  }
0x10a: {  	v4 =	vadd.f32 v4, v5;
	_ =	sdelay $0x1  }
0x10b: {  	v4 =	vadd.f32 v6, v4  }
0x10c: {  	s31 =	sshra.s32 s0, $0x2  }
0x10d: {  	[tilespmem:s31+$0x119E0] =	vst v4  }
0x10e: {  	v4 =	vld [tilespmem:s30+$0xFFFFFEE0]  }
0x10f: {  	v5 =	vld [tilespmem:s30+$0xFFFFFFA0];
	_ =	sdelay $0x1  }
0x110: {  	v6 =	vld [tilespmem:s30+$0xFFFFFFE0];
	_ =	sdelay $0x2  }
0x111: {  	v4 =	vadd.f32 v5, v4;
	_ =	sdelay $0x1  }
0x112: {  	v4 =	vadd.f32 v6, v4;
	_ =	sdelay $0x1  }
0x113: {  	[tilespmem:s31+$0x119F0] =	vst v4  }
0x114: {  	v4 =	vld [tilespmem:s30+$0xFFFFFEF0]  }
0x115: {  	v5 =	vld [tilespmem:s30+$0xFFFFFFB0];
	_ =	sdelay $0x1  }
0x116: {  	v6 =	vld [tilespmem:s30+$0xFFFFFFF0];
	_ =	sdelay $0x2  }
0x117: {  	v4 =	vadd.f32 v5, v4;
	_ =	sdelay $0x1  }
0x118: {  	v4 =	vadd.f32 v6, v4  }
.Ltmp10:
0x119: {  	(pc) =	sbr.rel @p0 .LBB2_14-.Ltmp10, $4  }
0x11a: {  	[tilespmem:s31+$0x11A00] =	vst v4  }
0x11b: {  	v5 =	vld [tilespmem:s30+$0xFFFFFF00]  }
0x11c: {  	v6 =	vld [tilespmem:s30+$0xFFFFFFC0]  }
0x11d: {  	v4 =	vld [tilespmem:s30+$0x0]  }
0x11e: {  	_ =	sdelay $0x2  }
0x11f: {  	v5 =	vadd.f32 v6, v5  }
.Ltmp11:
0x120: {  	s0 =	sor.u32 s3, s29;
	(pc) =	sbr.rel .LBB2_16-.Ltmp11, $3  }
0x121: {  	s0 =	smul.u32 $0x500, s0;
	v4 =	vadd.f32 v4, v5;
	_ =	sdelay $0x1  }
0x122: {  	s0 =	sadd.s32 s7, s0;
	[tilespmem:s31+$0x11A10] =	vst v4  }
0x123: {  	[hbm4b:s0+s2] =	stream.linear.scatter [tilespmem:s25], [sflag:$0x4], $0x2800, $0x38;
	[tilespmem:$0x141E0] =	vst v63  }
.LBB2_18:
0x124: {  	_ =	sfence.sel $0x180000  }
0x125: {  	[bflag:$0x0] =	sbarrier.arrive $0xFFFF  }
0x126: {  	_ =	strace $0x9000004A  }
0x127: {  	s0 =	stileid.u32;
	[bflag:$0x2] =	sbarrier.arrive $0xFFFF  }
0x128: {  	p0 =	sne.s32 s0, $0x0;
	s0 =	rddreg [dreg:$0x1]  }
0x129: {  	s0 =	sadd.s32 @!p0 $0x100000, s0  }
0x12a: {  	[sflag:s0] =	ssyncadd.tile.s32 @!p0 $0x1;
	_ =	shalt  }
.Lfunc_end2:
_tile_overlayer_lowered:
.L_overlay_start_2:
0x12b: {  	(tag) =	ssettag $0x2  }
0x12c: {  	s0 =	rddreg [dreg:$0x0];
	s2 =	stileid.u32  }
0x12d: {  	s1 =	rddreg [dreg:$0x1];
	p0 =	sne.s32 s2, $0x0  }
0x12e: {  	s3 =	rddreg [dreg:$0x2];
	[bflag:$0x3] =	sbarrier.arrive $0xFFFF;
	s2 =	simm.s32 @!p0 $0x1C05  }
0x12f: {  	[timem:s3], [sflag:s2] =	dma.local @!p0 [hbm:s0], s1  }
0x130: {  	s0 =	simm.s32 @!p0 $0x5  }
0x131: {  	_ =	swait.ge @!p0 [sflag:s0], s1  }
0x132: {  	s1 =	ssub.s32 @!p0 $0x0, s1;
	[sflag:s0] =	ssyncset.done @!p0 $0x0  }
0x133: {  	[sflag:s0] =	ssyncadd.s32 @!p0 s1  }
0x134: {  	[bflag:$0x3] =	sbarrier.arrive $0xFFFF  }
0x135: {  	_ =	shalt  }

// kernel: kernel.7.cloned.1.call-start
scs
__scs_entry_jumppad:
0x0: {  	(pc) =	sbr.rel $0x88, $3  }
0x1: {  	(tag) =	ssettag $0x0;
	lr =	simm.s32 $0x1  }
0x2: {  	[smem:$0x3F9B] =	sst lr;
	_ =	strace $0xD0000000  }
0x3: {  	_ = 	snop  }
0x4: {  	_ = 	snop  }
0x5: {  	_ = 	snop  }
0x6: {  	_ = 	snop  }
0x7: {  	_ = 	snop  }
__scs_overlays_trampoline_lowered:
0x8: {  	[smem:$0x3FAA] =	sst s0  }
0x9: {  	[smem:$0x3FAB] =	sst s1  }
0xa: {  	[smem:$0x3FAC] =	sst s2  }
0xb: {  	[smem:$0x3FAD] =	sst s3  }
0xc: {  	[smem:$0x3FAE] =	sst s4  }
0xd: {  	[smem:$0x3FAF] =	sst s5  }
0xe: {  	[smem:$0x3FB0] =	sst s6  }
0xf: {  	[smem:$0x3FB1] =	sst s7  }
0x10: {  	[smem:$0x3FB2] =	sst s8  }
0x11: {  	[smem:$0x3FB3] =	sst s9;
	s0 =	simm.s32 @!p0 $0x0  }
0x12: {  	s1 =	sld [smem:$0x3F99];
	s0 =	simm.s32 @p0 $0x1  }
0x13: {  	[smem:$0x3FB4] =	sst s0;
	s0 =	simm.s32 @!p1 $0x0  }
0x14: {  	s2 =	sld [smem:$0x3F98];
	s0 =	simm.s32 @p1 $0x1  }
0x15: {  	[smem:$0x3FB5] =	sst s0;
	s0 =	simm.s32 @!p2 $0x0  }
0x16: {  	s3 =	sld [smem:$0x3FDB];
	s0 =	simm.s32 @p2 $0x1  }
0x17: {  	s4 =	simm.s32 $0x1BF5;
	[smem:$0x3FB7] =	sst s0  }
0x18: {  	s0 =	sld [smem:$0x3F9A];
	_ =	swait.ge [sflag:s4], $0x0  }
0x19: {  	s7 =	sld [smem:$0x3F9B]  }
0x1a: {  	s8 =	sadd.s32 $0xFFFFE003, lr  }
0x1b: {  	s9 =	sadd.s32 $0xFFFFFEF7, lr;
	s5 =	simm.s32 $0xFFFFFFFF;
	p2 =	slt.u32 s8, $0xFFFFF086  }
0x1c: {  	p1 =	slt.u32 s9, $0xF7A;
	s5 =	simm.s32 @!p2 $0x0  }
0x1d: {  	s5 =	simm.s32 @p1 $0x1;
	p0 =	seq.s32 s7, s2  }
0x1e: {  	s7 =	smul.u32 @!p0 $0xF7A, s2;
	p2 =	seq.s32 @!p0 s5, $0x0  }
0x1f: {  	s9 =	smul.u32 $0xF7A, s1;
	s8 =	simm.s32 @!p0 $0x1BF5;
	p2 =	por !p2, p0  }
0x20: {  	[sflag:s8] =	ssyncset.s32 @!p0 $0xFFFFF086;
	s6 =	sadd.s32 @!p0 s3, s7;
	s7 =	simm.s32 @!p0 $0x108  }
0x21: {  	s3 =	sadd.s32 s3, s9;
	s6 =	sadd.s32 @!p0 $0x88, s6;
	s7 =	simm.s32 @p2 $0x1082  }
0x22: {  	[simem:s7], [sflag:s8] =	dma.local @!p0 [hbm:s6], $0xF7A  }
0x23: {  	s9 =	sor.u32 $0xD0000000, s2;
	s6 =	simm.s32 $0x108;
	_ =	swait.ge @!p0 [sflag:s8], $0x0  }
0x24: {  	s3 =	sadd.s32 $0x88, s3;
	s6 =	simm.s32 @!p1 $0x1082;
	[sflag:s4] =	ssyncset.s32 $0xFFFFF086  }
0x25: {  	[simem:s6], [sflag:s4] =	dma.local [hbm:s3], $0xF7A  }
0x26: {  	[smem:$0x3F9B] =	sst s1;
	(tag) =	ssettag s2;
	_ =	strace s9  }
0x27: {  	s1 =	sld [smem:$0x3FAB]  }
0x28: {  	s2 =	sld [smem:$0x3FAC]  }
0x29: {  	s4 =	sld [smem:$0x3FAE]  }
0x2a: {  	p0 =	seq.s32 s5, $0x0;
	s5 =	sld [smem:$0x3FAF]  }
0x2b: {  	s6 =	sld [smem:$0x3FB0]  }
0x2c: {  	s7 =	sld [smem:$0x3FB1]  }
0x2d: {  	s3 =	simm.s32 $0x108;
	s8 =	sld [smem:$0x3FB2]  }
0x2e: {  	s3 =	simm.s32 @!p0 $0x1082;
	s9 =	sld [smem:$0x3FB3]  }
0x2f: {  	lr =	sadd.s32 s0, s3;
	s0 =	sld [smem:$0x3FAA]  }
0x30: {  	s3 =	sld [smem:$0x3FAD]  }
0x31: {  	[smem:$0x3FB6] =	sst s10  }
0x32: {  	s10 =	sld [smem:$0x3FB4];
	_ =	sdelay $0x3  }
0x33: {  	p0 =	seq.s32 s10, $0x1;
	s10 =	sld [smem:$0x3FB6];
	_ =	sdelay $0x3  }
0x34: {  	[smem:$0x3FB6] =	sst s10  }
0x35: {  	s10 =	sld [smem:$0x3FB5];
	_ =	sdelay $0x3  }
0x36: {  	p1 =	seq.s32 s10, $0x1;
	s10 =	sld [smem:$0x3FB6];
	_ =	sdelay $0x3  }
0x37: {  	[smem:$0x3FB6] =	sst s10  }
0x38: {  	s10 =	sld [smem:$0x3FB7]  }
0x39: {  	_ = 	snop;
	(pc) =	sbr.ind lr, $3  }
0x3a: {  	_ = 	snop  }
0x3b: {  	_ = 	snop  }
0x3c: {  	p2 =	seq.s32 s10, $0x1;
	s10 =	sld [smem:$0x3FB6]  }
0x3d: {  	_ =	shalt  }
0x3e: {  	_ =	shalt  }
0x3f: {  	_ =	shalt  }
0x40: {  	_ =	shalt  }
0x41: {  	_ =	shalt  }
0x42: {  	_ =	shalt  }
0x43: {  	_ =	shalt  }
0x44: {  	_ =	shalt  }
0x45: {  	_ =	shalt  }
0x46: {  	_ =	shalt  }
0x47: {  	_ =	shalt  }
0x48: {  	_ =	shalt  }
0x49: {  	_ =	shalt  }
0x4a: {  	_ =	shalt  }
0x4b: {  	_ =	shalt  }
0x4c: {  	_ =	shalt  }
0x4d: {  	_ =	shalt  }
0x4e: {  	_ =	shalt  }
0x4f: {  	_ =	shalt  }
0x50: {  	_ =	shalt  }
0x51: {  	_ =	shalt  }
0x52: {  	_ =	shalt  }
0x53: {  	_ =	shalt  }
0x54: {  	_ =	shalt  }
0x55: {  	_ =	shalt  }
0x56: {  	_ =	shalt  }
0x57: {  	_ =	shalt  }
0x58: {  	_ =	shalt  }
0x59: {  	_ =	shalt  }
0x5a: {  	_ =	shalt  }
0x5b: {  	_ =	shalt  }
0x5c: {  	_ =	shalt  }
0x5d: {  	_ =	shalt  }
0x5e: {  	_ =	shalt  }
0x5f: {  	_ =	shalt  }
0x60: {  	_ =	shalt  }
0x61: {  	_ =	shalt  }
0x62: {  	_ =	shalt  }
0x63: {  	_ =	shalt  }
0x64: {  	_ =	shalt  }
0x65: {  	_ =	shalt  }
0x66: {  	_ =	shalt  }
0x67: {  	_ =	shalt  }
0x68: {  	_ =	shalt  }
0x69: {  	_ =	shalt  }
0x6a: {  	_ =	shalt  }
0x6b: {  	_ =	shalt  }
0x6c: {  	_ =	shalt  }
0x6d: {  	_ =	shalt  }
0x6e: {  	_ =	shalt  }
0x6f: {  	_ =	shalt  }
0x70: {  	_ =	shalt  }
0x71: {  	_ =	shalt  }
0x72: {  	_ =	shalt  }
0x73: {  	_ =	shalt  }
0x74: {  	_ =	shalt  }
0x75: {  	_ =	shalt  }
0x76: {  	_ =	shalt  }
0x77: {  	_ =	shalt  }
0x78: {  	_ =	shalt  }
0x79: {  	_ =	shalt  }
0x7a: {  	_ =	shalt  }
0x7b: {  	_ =	shalt  }
0x7c: {  	_ =	shalt  }
0x7d: {  	_ =	shalt  }
0x7e: {  	_ =	shalt  }
0x7f: {  	_ =	shalt  }
0x80: {  	_ =	shalt  }
0x81: {  	_ =	shalt  }
0x82: {  	_ =	shalt  }
0x83: {  	_ =	shalt  }
0x84: {  	_ =	shalt  }
0x85: {  	_ =	shalt  }
0x86: {  	_ =	shalt  }
0x87: {  	_ =	shalt  }
.Lfunc_end0:
.L_simem_size_0:
called_computation_lowered:
.L_overlay_start_0:
0x88: {  	s2 =	sld [smem:$0x3FD9]  }
0x89: {  	s3 =	sld [smem:$0x3FFE];
	_ =	sdelay $0x1  }
0x8a: {  	s1 =	srdreg.scid  }
0x8b: {  	s0 =	sand.u32 $0x1, s1  }
0x8c: {  	s16 =	sshll.u32 s0, $0xA;
	s2 =	sadd.s32 s3, s2  }
0x8d: {  	s2 =	sadd.s32 s2, s16  }
0x8e: {  	[smem:$0x3FC2] =	sst s2  }
0x8f: {  	_ = 	snop  }
0x90: {  	(tm) =	ssettm $0x1  }
0x91: {  	s17 =	sld [smem:$0x3FFB];
	_ =	sdelay $0x3  }
0x92: {  	_ =	strace s17  }
0x93: {  	s2 =	sld [smem:$0x3FFC];
	_ =	sdelay $0x3  }
0x94: {  	_ =	strace s2  }
0x95: {  	s2 =	sld [smem:$0x3FFD];
	_ =	sdelay $0x3  }
0x96: {  	_ =	strace s2  }
0x97: {  	_ =	strace $0x8FFFFFFF  }
0x98: {  	s18 =	sld [smem:$0x3FDB];
	_ =	sdelay $0x1  }
0x99: {  	s19 =	simm.s32 $_scs_section_size  }
0x9a: {  	s4 =	simm.s32 $_size__tile_overlayer_lowered;
	s5 =	simm.s32 $_tile_overlayer_lowered  }
0x9b: {  	s22 =	simm.s32 $0x1BFF;
	s21 =	sshll.u32 s5, $0x1;
	s2 =	sadd.s32 s19, s18  }
0x9c: {  	s6 =	simm.s32 $0x0;
	s20 =	sshll.u32 s4, $0x1;
	s4 =	sadd.s32 s21, s2  }
0x9d: {  	[timem:s6], [sflag:s22] =	dma.local [hbm:s4], s20  }
0x9e: {  	_ =	swait.ge [sflag:s22], s20  }
0x9f: {  	s3 =	ssub.s32 $0x0, s20;
	[sflag:s22] =	ssyncset.done $0x0  }
0xa0: {  	[sflag:s22] =	ssyncadd.s32 s3;
	_ =	sdelay $0x1  }
0xa1: {  	s23 =	simm.s32 $0x1B8B  }
0xa2: {  	_ =	swait.ge [sflag:s23], $0x1  }
0xa3: {  	[sflag:s23] =	ssyncset.done $0x0  }
0xa4: {  	s25 =	simm.s32 $0x1B8E;
	s24 =	sld [smem:$0x3FFE];
	[sflag:s23] =	ssyncadd.s32 $0xFFFFFFFF  }
0xa5: {  	s26 =	simm.s32 $execute0_lowered;
	[smem:$0x3FD2] =	sst s25  }
0xa6: {  	s4 =	sshll.u32 s26, $0x1;
	_ =	strace $0x80000046;
	[dreg:$0x1] =	wrdreg $0xFFFFFFFF  }
0xa7: {  	s28 =	simm.s32 $_size_execute0_lowered;
	s2 =	sadd.s32 s2, s4;
	[dreg:$0x0] =	wrdreg $0x0  }
0xa8: {  	s4 =	sshll.u32 s28, $0x1;
	[dreg:$0x2] =	wrdreg s2  }
0xa9: {  	[dreg:$0x3] =	wrdreg s4  }
0xaa: {  	[dreg:$0x4] =	wrdreg $0xC0  }
0xab: {  	_ =	task [dreg:s6], $0x5FFFF  }
0xac: {  	[dreg:$0x1] =	wrdreg $0xFFFFFFFF  }
0xad: {  	[dreg:$0x0] =	wrdreg $0x60  }
0xae: {  	[dreg:$0x2] =	wrdreg s24  }
0xaf: {  	[dreg:$0x3] =	wrdreg $0x9  }
0xb0: {  	_ =	task.clear_ibuf [dreg:s6], $0x4FFFF;
	_ =	strace $0x90000046  }
0xb1: {  	s29 =	simm.s32 $0x9;
	_ =	strace $0x80000048  }
0xb2: {  	_ =	swait.ge [sflag:s29], $0x1  }
0xb3: {  	[sflag:s29] =	ssyncadd.s32 $0xFFFFFFFF  }
0xb4: {  	_ =	strace $0x90000048  }
0xb5: {  	_ =	sfence  }
0xb6: {  	s30 =	sld [smem:$0x0];
	_ =	sdelay $0x2  }
0xb7: {  	s31 =	sshll.u32 s1, $0xD;
	s1 =	sshrl.u32 s1, $0x2  }
0xb8: {  	s3 =	sand.u32 $0x4000, s31;
	s1 =	sadd.s32 s1, s30  }
0xb9: {  	s0 =	sor.u32 s3, s0;
	s1 =	sshll.u32 s1, $0x11  }
0xba: {  	s0 =	sor.u32 s1, s0  }
0xbb: {  	s0 =	sadd.s32 $0x8F2B, s0  }
0xbc: {  	[sflag:s0] =	ssyncadd.remote.s32 $0x1  }
0xbd: {  	_ =	sfence.sel $0xFFFF  }
0xbe: {  	[dreg:$0x0] =	wrdreg $0xFFFFFFFF;
	(pc) =	sbr.abs _section_cstart, $3  }
0xbf: {  	[dreg:$0x1] =	wrdreg $0xFFFFFFFF  }
0xc0: {  	_ =	task.clear_ibuf [dreg:s6], $0x2FFFF;
	_ =	strace $0x9FFFFFFF  }
0xc1: {  	(tm) =	ssettm $0x7FFFFFFF  }
tec
execute0_lowered:
.L_overlay_start_1:
0x0: {  	(tag) =	ssettag $0x1  }
0x1: {  	s0 =	rddreg [dreg:$0x0]  }
0x2: {  	s3 =	srdreg.scid;
	s1 =	stileid.u32  }
0x3: {  	vm0 =	vcmask $0xB08;
	v0 =	vimm.s32 $0x0;
	vm15 =	vcmask $0x1714;
	s2 =	simm.s32 $0x0;
	s10 =	simm.s32 $0x50;
	s11 =	simm.s32 $0x1E0  }
0x4: {  	vm4 =	vcmask $0x2320;
	vm5 =	vcmask $0x2F2C;
	s12 =	simm.s32 $0x29E0;
	s13 =	simm.s32 $0xA0;
	s14 =	simm.s32 $0x51E0;
	v1 =	vsel vm0, $0x186A0, v0  }
0x5: {  	vm6 =	vcmask $0x704;
	vm1 =	vcmask $0x3B38;
	s15 =	simm.s32 $0xF0;
	s16 =	simm.s32 $0x79E0;
	s17 =	simm.s32 $0x140;
	v1 =	vsel vm15, $0x186A0, v1  }
0x6: {  	vm7 =	vcmask $0x1310;
	vm8 =	vcmask $0x1F1C;
	s18 =	simm.s32 $0xA1E0;
	s19 =	simm.s32 $0x190;
	s20 =	simm.s32 $0xC9E0;
	v1 =	vsel vm4, $0x186A0, v1  }
0x7: {  	vm9 =	vcmask $0xB04;
	s21 =	simm.s32 $0x1;
	s22 =	simm.s32 $0xF1E0;
	s23 =	simm.s32 $0x2;
	v2 =	vsel vm6, $0x186A0, v0;
	v1 =	vsel vm5, $0x186A0, v1  }
0x8: {  	s24 =	simm.s32 $0x119E0;
	s25 =	simm.s32 $0x0;
	s4 =	sand.u32 $0x1, s3;
	v0 =	vsel vm1, $0x186A0, v1;
	v1 =	vsel vm7, $0x186A0, v2;
	v2 =	vimm.s32 $0x186A0  }
.Ltmp0:
0x9: {  	vm10 =	vcmask $0x1710;
	vm11 =	vcmask $0x2B28;
	s30 =	sshll.u32 s1, $0x1;
	[smem:$0x7FF] =	sst s2;
	v2 =	vsel vm9, $0x0, v2;
	(pc) =	sbr.rel .LBB2_1-.Ltmp0, $4  }
0xa: {  	vm12 =	vcmask $0x231C;
	vm13 =	vcmask $0x2F28;
	s5 =	sadd.s32 $0x1000, s0;
	s3 =	sor.u32 s4, s30;
	s7 =	ssub.s32 $0x2, s4;
	v2 =	vsel vm10, $0x0, v2  }
0xb: {  	vm14 =	vcmask $0x3734;
	s6 =	sadd.s32 $0x317800, s0;
	s8 =	smul.u32 $0x1E, s3;
	s9 =	sshrl.u32 s7, $0x1;
	v1 =	vsel vm8, $0x186A0, v1;
	v2 =	vsel vm12, $0x0, v2  }
0xc: {  	_ =	strace $0x80000047;
	s4 =	sadd.s32 $0xA400, s0;
	vm15 =	vcmask $0x3B34;
	s31 =	ssub.s32 s7, s9;
	v1 =	vsel vm11, $0x186A0, v1;
	v3 =	vsel vm13, $0x0, v2  }
0xd: {  	s9 =	simm.s32 $0x5;
	s7 =	sadd.s32 s5, s8;
	s8 =	smax.u32 s31, $0x1;
	v1 =	vsel vm14, $0x186A0, v1;
	v2 =	vimm.f32 $0.0e+00;
	v3 =	vsel vm15, $0x0, v3  }
.LBB2_14:
0xe: {  	s25 =	sadd.s32 $0x1, s25  }
0xf: {  	p0 =	sne.s32 s25, s8  }
.Ltmp1:
0x10: {  	_ = 	snop;
	(pc) =	sbr.rel @!p0 .LBB2_15-.Ltmp1, $1  }
0x11: {  	_ =	sdelay $0x3  }
.LBB2_1:
0x12: {  	s0 =	simm.s32 $0x0;
	s26 =	simm.s32 $0x200  }
.LBB2_2:
0x13: {  	p0 =	sne.s32 s26, $0x9E00;
	[tilespmem:s0+$0x11A50] =	vst v2  }
0x14: {  	[tilespmem:s0+$0xF220] =	vst v2  }
0x15: {  	[tilespmem:s0+$0x11A20] =	vst v2  }
.Ltmp2:
0x16: {  	[tilespmem:s0+$0xF230] =	vst v2;
	(pc) =	sbr.rel @p0 .LBB2_2-.Ltmp2, $4  }
0x17: {  	[tilespmem:s0+$0x11A30] =	vst v2  }
0x18: {  	[tilespmem:s0+$0xF240] =	vst v2  }
0x19: {  	[tilespmem:s0+$0x11A40] =	vst v2  }
0x1a: {  	[tilespmem:s0+$0xF250] =	vst v2;
	s0 =	sshra.s32 s26, $0x2;
	s26 =	sadd.s32 $0x200, s26  }
0x1b: {  	[tilespmem:s0+$0x11A50] =	vst v2  }
0x1c: {  	[tilespmem:s0+$0xF220] =	vst v2  }
0x1d: {  	[tilespmem:s0+$0x11A20] =	vst v2  }
0x1e: {  	[tilespmem:s0+$0xF230] =	vst v2  }
0x1f: {  	[tilespmem:s0+$0x11A30] =	vst v2  }
0x20: {  	[tilespmem:s0+$0xF240] =	vst v2  }
0x21: {  	[tilespmem:s0+$0x11A40] =	vst v2  }
0x22: {  	[tilespmem:s0+$0xF250] =	vst v2;
	s26 =	simm.s32 $0x0  }
0x23: {  	[tilespmem:s26], [sflag:$0x5] =	stream.linear.gather [hbm4b:s7+s26], $0xF0, $0x38;
	[tilespmem:$0x141E0] =	vst v63  }
0x24: {  	_ =	swait.ge [sflag:s9], $0xF0  }
0x25: {  	[sflag:s9] =	ssyncset.done $0x0  }
0x26: {  	[sflag:s9] =	ssyncadd.s32 $0xFFFFFF10  }
0x27: {  	v4 =	vld [tilespmem:$0x0]  }
0x28: {  	v5 =	vld [tilespmem:$0x10]  }
0x29: {  	v6 =	vld [tilespmem:$0x20]  }
0x2a: {  	v7 =	vld [tilespmem:$0x30]  }
0x2b: {  	v8 =	vld [tilespmem:$0x40]  }
0x2c: {  	v9 =	vld [tilespmem:$0x50];
	v4 =	vadd.s32 v0, v4  }
0x2d: {  	[tilespmem:$0x0] =	vst v4;
	v4 =	vadd.s32 v1, v5;
	v5 =	vld [tilespmem:$0x60]  }
0x2e: {  	v57 =	vld [tilespmem:$0x70];
	[tilespmem:$0x10] =	vst v4;
	v4 =	vadd.s32 v3, v6  }
0x2f: {  	v58 =	vld [tilespmem:$0x80];
	[tilespmem:$0x20] =	vst v4;
	v4 =	vadd.s32 v0, v7  }
0x30: {  	v59 =	vld [tilespmem:$0x90];
	[tilespmem:$0x30] =	vst v4;
	v4 =	vadd.s32 v1, v8  }
0x31: {  	v60 =	vld [tilespmem:$0xA0];
	[tilespmem:$0x40] =	vst v4;
	v4 =	vadd.s32 v3, v9  }
0x32: {  	[tilespmem:$0x50] =	vst v4;
	v4 =	vadd.s32 v0, v5;
	v5 =	vld [tilespmem:$0xB0]  }
0x33: {  	v61 =	vld [tilespmem:$0xC0];
	[tilespmem:$0x60] =	vst v4;
	v4 =	vadd.s32 v1, v57  }
0x34: {  	v62 =	vld [tilespmem:$0xD0];
	[tilespmem:$0x70] =	vst v4;
	v4 =	vadd.s32 v3, v58  }
0x35: {  	v63 =	vld [tilespmem:$0xE0];
	[tilespmem:$0x80] =	vst v4;
	v4 =	vadd.s32 v0, v59  }
0x36: {  	[tilespmem:$0x90] =	vst v4;
	v4 =	vadd.s32 v1, v60  }
0x37: {  	[tilespmem:$0xA0] =	vst v4;
	v4 =	vadd.s32 v3, v5  }
0x38: {  	[tilespmem:$0xB0] =	vst v4;
	v4 =	vadd.s32 v0, v61  }
0x39: {  	[tilespmem:$0xC0] =	vst v4;
	v4 =	vadd.s32 v1, v62  }
0x3a: {  	[tilespmem:$0xD0] =	vst v4;
	v4 =	vadd.s32 v3, v63  }
0x3b: {  	[tilespmem:$0xE0] =	vst v4  }
0x3c: {  	[tilespmem:s11], [sflag:$0x1] =	stream.indirect.gather [hbm4b:s4+s10], $0x80, s26, s10, $0xb8;
	[tilespmem:$0x141E0] =	vst v63  }
.Ltmp3:
0x3d: {  	_ = 	snop;
	(pc) =	sbr.rel .LBB2_4-.Ltmp3, $4  }
0x3e: {  	_ = 	snop  }
0x3f: {  	[tilespmem:s12], [sflag:$0x1] =	stream.indirect.gather [hbm4b:s4+s10], $0x80, s10, s10, $0xb8;
	[tilespmem:$0x141E0] =	vst v63  }
0x40: {  	_ = 	snop  }
0x41: {  	[tilespmem:s14], [sflag:$0x1] =	stream.indirect.gather [hbm4b:s4+s10], $0x80, s13, s10, $0xb8;
	[tilespmem:$0x141E0] =	vst v63  }
.LBB2_13:
0x42: {  	s26 =	sadd.s32 $0x1, s26  }
0x43: {  	p0 =	sne.s32 s26, $0xB  }
.Ltmp4:
0x44: {  	_ = 	snop;
	(pc) =	sbr.rel @!p0 .LBB2_14-.Ltmp4, $1  }
0x45: {  	_ =	sdelay $0x3  }
.LBB2_4:
0x46: {  	s0 =	sshll.u32 s26, $0x6  }
0x47: {  	s29 =	sor.u32 s3, s0  }
0x48: {  	s28 =	sor.u32 $0x20, s29  }
0x49: {  	p0 =	sgt.u32 s28, $0x270  }
0x4a: {  	s0 =	smul.u32 @!p0 $0x1E, s28;
	_ =	sdelay $0x1  }
0x4b: {  	s0 =	sadd.s32 @!p0 s5, s0  }
0x4c: {  	[tilespmem:s15], [sflag:$0x5] =	stream.linear.gather @!p0 [hbm4b:s0+s2], $0xF0, $0x38;
	[tilespmem:$0x141E0] =	vst v63  }
0x4d: {  	_ =	swait.ge @!p0 [sflag:s9], $0xF0  }
0x4e: {  	[sflag:s9] =	ssyncset.done @!p0 $0x0  }
0x4f: {  	[sflag:s9] =	ssyncadd.s32 @!p0 $0xFFFFFF10  }
0x50: {  	v4 =	vld @!p0 [tilespmem:$0xF0]  }
0x51: {  	v5 =	vld @!p0 [tilespmem:$0x100]  }
0x52: {  	v6 =	vld @!p0 [tilespmem:$0x110]  }
0x53: {  	v7 =	vld @!p0 [tilespmem:$0x120]  }
0x54: {  	v8 =	vld @!p0 [tilespmem:$0x130]  }
0x55: {  	v9 =	vld @!p0 [tilespmem:$0x140];
	v4 =	vadd.s32 @!p0 v0, v4  }
0x56: {  	[tilespmem:$0xF0] =	vst @!p0 v4;
	v4 =	vadd.s32 @!p0 v1, v5;
	v5 =	vld @!p0 [tilespmem:$0x150]  }
0x57: {  	[tilespmem:$0x100] =	vst @!p0 v4;
	v4 =	vadd.s32 @!p0 v3, v6;
	v6 =	vld @!p0 [tilespmem:$0x160]  }
0x58: {  	[tilespmem:$0x110] =	vst @!p0 v4;
	v4 =	vadd.s32 @!p0 v0, v7;
	v7 =	vld @!p0 [tilespmem:$0x170]  }
0x59: {  	[tilespmem:$0x120] =	vst @!p0 v4;
	v4 =	vadd.s32 @!p0 v1, v8;
	v8 =	vld @!p0 [tilespmem:$0x180]  }
0x5a: {  	[tilespmem:$0x130] =	vst @!p0 v4;
	v4 =	vadd.s32 @!p0 v3, v9;
	v9 =	vld @!p0 [tilespmem:$0x190]  }
0x5b: {  	[tilespmem:$0x140] =	vst @!p0 v4;
	v4 =	vadd.s32 @!p0 v0, v5;
	v5 =	vld @!p0 [tilespmem:$0x1A0]  }
0x5c: {  	[tilespmem:$0x150] =	vst @!p0 v4;
	v4 =	vadd.s32 @!p0 v1, v6;
	v6 =	vld @!p0 [tilespmem:$0x1B0]  }
0x5d: {  	[tilespmem:$0x160] =	vst @!p0 v4;
	v4 =	vadd.s32 @!p0 v3, v7;
	v7 =	vld @!p0 [tilespmem:$0x1C0]  }
0x5e: {  	[tilespmem:$0x170] =	vst @!p0 v4;
	v4 =	vadd.s32 @!p0 v0, v8;
	v8 =	vld @!p0 [tilespmem:$0x1D0]  }
0x5f: {  	[tilespmem:$0x180] =	vst @!p0 v4;
	v4 =	vadd.s32 @!p0 v1, v9  }
0x60: {  	[tilespmem:$0x190] =	vst @!p0 v4;
	v4 =	vadd.s32 @!p0 v3, v5  }
0x61: {  	[tilespmem:$0x1A0] =	vst @!p0 v4;
	v4 =	vadd.s32 @!p0 v0, v6  }
0x62: {  	[tilespmem:$0x1B0] =	vst @!p0 v4;
	v4 =	vadd.s32 @!p0 v1, v7  }
0x63: {  	[tilespmem:$0x1C0] =	vst @!p0 v4;
	v4 =	vadd.s32 @!p0 v3, v8  }
0x64: {  	s31 =	sadd.s32 $0xFFFFFFC0, s29;
	[tilespmem:$0x1D0] =	vst @!p0 v4  }
0x65: {  	[tilespmem:s16], [sflag:$0x2] =	stream.indirect.gather @!p0 [hbm4b:s4+s10], $0x80, s15, s10, $0xb8;
	[tilespmem:$0x141E0] =	vst v63  }
0x66: {  	p2 =	sgt.u32 s29, $0x270;
	p1 =	sgt.u32 s31, $0x270  }
0x67: {  	[tilespmem:s18], [sflag:$0x2] =	stream.indirect.gather @!p0 [hbm4b:s4+s10], $0x80, s17, s10, $0xb8;
	[tilespmem:$0x141E0] =	vst v63  }
.Ltmp5:
0x68: {  	s0 =	simm.s32 @!p1 $0x3;
	(pc) =	sbr.rel @p2 .LBB2_9-.Ltmp5, $4  }
0x69: {  	[tilespmem:s20], [sflag:$0x2] =	stream.indirect.gather @!p0 [hbm4b:s4+s10], $0x80, s19, s10, $0xb8;
	[tilespmem:$0x141E0] =	vst v63  }
0x6a: {  	_ =	swait.ge @!p1 [sflag:s0], $0x2800  }
0x6b: {  	[sflag:s0] =	ssyncset.done @!p1 $0x0  }
0x6c: {  	[sflag:s0] =	ssyncadd.s32 @!p1 $0xFFFFD800  }
0x6d: {  	_ =	swait.ge [sflag:s21], $0x2800  }
0x6e: {  	[sflag:s21] =	ssyncset.done $0x0  }
0x6f: {  	[sflag:s21] =	ssyncadd.s32 $0xFFFFD800  }
0x70: {  	_ =	swait.ge [sflag:s21], $0x2800  }
0x71: {  	[sflag:s21] =	ssyncset.done $0x0  }
0x72: {  	[sflag:s21] =	ssyncadd.s32 $0xFFFFD800  }
0x73: {  	_ =	swait.ge [sflag:s21], $0x2800  }
0x74: {  	[sflag:s21] =	ssyncset.done $0x0  }
0x75: {  	s30 =	simm.s32 $0x310;
	[sflag:s21] =	ssyncadd.s32 $0xFFFFD800  }
0x76: {  	v4 =	vld [tilespmem:s30+$0xFFFFFF90]  }
0x77: {  	v5 =	vld [tilespmem:s30+$0xFFFFFED0];
	_ =	sdelay $0x1  }
0x78: {  	v6 =	vld [tilespmem:s30+$0xFFFFFFD0];
	_ =	sdelay $0x2  }
0x79: {  	v4 =	vadd.f32 v4, v5;
	_ =	sdelay $0x1  }
0x7a: {  	v4 =	vadd.f32 v6, v4  }
0x7b: {  	s31 =	simm.s32 $0x0  }
0x7c: {  	[tilespmem:s31+$0xF1E0] =	vst v4  }
0x7d: {  	v4 =	vld [tilespmem:s30+$0xFFFFFEE0]  }
0x7e: {  	v5 =	vld [tilespmem:s30+$0xFFFFFFA0];
	_ =	sdelay $0x1  }
0x7f: {  	v6 =	vld [tilespmem:s30+$0xFFFFFFE0];
	_ =	sdelay $0x2  }
0x80: {  	v4 =	vadd.f32 v5, v4;
	_ =	sdelay $0x1  }
0x81: {  	v4 =	vadd.f32 v6, v4;
	_ =	sdelay $0x1  }
0x82: {  	[tilespmem:s31+$0xF1F0] =	vst v4  }
0x83: {  	v4 =	vld [tilespmem:s30+$0xFFFFFEF0]  }
0x84: {  	v5 =	vld [tilespmem:s30+$0xFFFFFFB0];
	_ =	sdelay $0x1  }
0x85: {  	v6 =	vld [tilespmem:s30+$0xFFFFFFF0];
	_ =	sdelay $0x2  }
0x86: {  	v4 =	vadd.f32 v5, v4;
	_ =	sdelay $0x1  }
0x87: {  	v4 =	vadd.f32 v6, v4;
	_ =	sdelay $0x1  }
0x88: {  	[tilespmem:s31+$0xF200] =	vst v4  }
0x89: {  	v4 =	vld [tilespmem:s30+$0xFFFFFF00]  }
0x8a: {  	v6 =	vld [tilespmem:s30+$0xFFFFFFC0]  }
0x8b: {  	s0 =	simm.s32 $0x200;
	v5 =	vld [tilespmem:s30+$0x0]  }
.LBB2_6:
0x8c: {  	_ =	sdelay $0x1  }
0x8d: {  	p1 =	sne.s32 s0, $0x9E00  }
0x8e: {  	s30 =	sadd.s32 $0x180, s30;
	s1 =	smov.u32 s0;
	s0 =	sadd.s32 $0x200, s0;
	v4 =	vadd.f32 v6, v4  }
0x8f: {  	_ = 	snop  }
0x90: {  	v4 =	vadd.f32 v5, v4;
	_ =	sdelay $0x1  }
0x91: {  	[tilespmem:s31+$0xF210] =	vst v4  }
0x92: {  	v4 =	vld [tilespmem:s30+$0xFFFFFF90]  }
0x93: {  	v5 =	vld [tilespmem:s30+$0xFFFFFED0];
	_ =	sdelay $0x1  }
0x94: {  	v6 =	vld [tilespmem:s30+$0xFFFFFFD0];
	_ =	sdelay $0x2  }
0x95: {  	v4 =	vadd.f32 v4, v5;
	_ =	sdelay $0x1  }
0x96: {  	v4 =	vadd.f32 v6, v4  }
0x97: {  	s31 =	sshra.s32 s1, $0x2  }
0x98: {  	[tilespmem:s31+$0xF1E0] =	vst v4  }
0x99: {  	v4 =	vld [tilespmem:s30+$0xFFFFFEE0]  }
0x9a: {  	v5 =	vld [tilespmem:s30+$0xFFFFFFA0];
	_ =	sdelay $0x1  }
0x9b: {  	v6 =	vld [tilespmem:s30+$0xFFFFFFE0];
	_ =	sdelay $0x2  }
0x9c: {  	v4 =	vadd.f32 v5, v4;
	_ =	sdelay $0x1  }
0x9d: {  	v4 =	vadd.f32 v6, v4;
	_ =	sdelay $0x1  }
0x9e: {  	[tilespmem:s31+$0xF1F0] =	vst v4  }
0x9f: {  	v4 =	vld [tilespmem:s30+$0xFFFFFEF0]  }
0xa0: {  	v5 =	vld [tilespmem:s30+$0xFFFFFFB0];
	_ =	sdelay $0x1  }
0xa1: {  	v6 =	vld [tilespmem:s30+$0xFFFFFFF0];
	_ =	sdelay $0x2  }
0xa2: {  	v4 =	vadd.f32 v5, v4;
	_ =	sdelay $0x1  }
0xa3: {  	v4 =	vadd.f32 v6, v4  }
.Ltmp6:
0xa4: {  	(pc) =	sbr.rel @p1 .LBB2_6-.Ltmp6, $4  }
0xa5: {  	[tilespmem:s31+$0xF200] =	vst v4  }
0xa6: {  	v4 =	vld [tilespmem:s30+$0xFFFFFF00]  }
0xa7: {  	v6 =	vld [tilespmem:s30+$0xFFFFFFC0]  }
0xa8: {  	v5 =	vld [tilespmem:s30+$0x0]  }
0xa9: {  	_ =	sdelay $0x2  }
0xaa: {  	p1 =	sgt.u32 s28, $0x250;
	v4 =	vadd.f32 v6, v4  }
.Ltmp7:
0xab: {  	_ = 	snop;
	(pc) =	sbr.rel @p1 .LBB2_9-.Ltmp7, $3  }
0xac: {  	s0 =	smul.u32 $0x500, s29;
	v4 =	vadd.f32 v5, v4;
	_ =	sdelay $0x1  }
0xad: {  	s0 =	sadd.s32 s6, s0;
	[tilespmem:s31+$0xF210] =	vst v4  }
0xae: {  	[hbm4b:s0+s2] =	stream.linear.scatter [tilespmem:s22], [sflag:$0x3], $0x2800, $0x38;
	[tilespmem:$0x141E0] =	vst v63  }
0xaf: {  	s0 =	smul.u32 $0xF0, s28;
	_ =	sdelay $0x1  }
0xb0: {  	s0 =	sshrl.u32 s0, $0x3  }
0xb1: {  	s0 =	sadd.s32 s5, s0  }
0xb2: {  	s0 =	sadd.s32 $0x3C0, s0  }
0xb3: {  	[tilespmem:s2], [sflag:$0x5] =	stream.linear.gather [hbm4b:s0+s2], $0xF0, $0x38;
	[tilespmem:$0x141E0] =	vst v63  }
0xb4: {  	_ =	swait.ge [sflag:s9], $0xF0  }
0xb5: {  	[sflag:s9] =	ssyncset.done $0x0  }
0xb6: {  	[sflag:s9] =	ssyncadd.s32 $0xFFFFFF10  }
0xb7: {  	v4 =	vld [tilespmem:$0x0]  }
0xb8: {  	v5 =	vld [tilespmem:$0x10]  }
0xb9: {  	v6 =	vld [tilespmem:$0x20]  }
0xba: {  	v7 =	vld [tilespmem:$0x30]  }
0xbb: {  	v8 =	vld [tilespmem:$0x40]  }
0xbc: {  	v9 =	vld [tilespmem:$0x50];
	v4 =	vadd.s32 v0, v4  }
0xbd: {  	[tilespmem:$0x0] =	vst v4;
	v4 =	vadd.s32 v1, v5;
	v5 =	vld [tilespmem:$0x60]  }
0xbe: {  	v57 =	vld [tilespmem:$0x70];
	[tilespmem:$0x10] =	vst v4;
	v4 =	vadd.s32 v3, v6  }
0xbf: {  	v58 =	vld [tilespmem:$0x80];
	[tilespmem:$0x20] =	vst v4;
	v4 =	vadd.s32 v0, v7  }
0xc0: {  	v59 =	vld [tilespmem:$0x90];
	[tilespmem:$0x30] =	vst v4;
	v4 =	vadd.s32 v1, v8  }
0xc1: {  	v60 =	vld [tilespmem:$0xA0];
	[tilespmem:$0x40] =	vst v4;
	v4 =	vadd.s32 v3, v9  }
0xc2: {  	[tilespmem:$0x50] =	vst v4;
	v4 =	vadd.s32 v0, v5;
	v5 =	vld [tilespmem:$0xB0]  }
0xc3: {  	v61 =	vld [tilespmem:$0xC0];
	[tilespmem:$0x60] =	vst v4;
	v4 =	vadd.s32 v1, v57  }
0xc4: {  	v62 =	vld [tilespmem:$0xD0];
	[tilespmem:$0x70] =	vst v4;
	v4 =	vadd.s32 v3, v58  }
0xc5: {  	v63 =	vld [tilespmem:$0xE0];
	[tilespmem:$0x80] =	vst v4;
	v4 =	vadd.s32 v0, v59  }
0xc6: {  	[tilespmem:$0x90] =	vst v4;
	v4 =	vadd.s32 v1, v60  }
0xc7: {  	[tilespmem:$0xA0] =	vst v4;
	v4 =	vadd.s32 v3, v5  }
0xc8: {  	[tilespmem:$0xB0] =	vst v4;
	v4 =	vadd.s32 v0, v61  }
0xc9: {  	[tilespmem:$0xC0] =	vst v4;
	v4 =	vadd.s32 v1, v62  }
0xca: {  	[tilespmem:$0xD0] =	vst v4;
	v4 =	vadd.s32 v3, v63  }
0xcb: {  	[tilespmem:$0xE0] =	vst v4  }
0xcc: {  	[tilespmem:s11], [sflag:$0x1] =	stream.indirect.gather [hbm4b:s4+s10], $0x80, s2, s10, $0xb8;
	[tilespmem:$0x141E0] =	vst v63  }
0xcd: {  	_ = 	snop  }
0xce: {  	[tilespmem:s12], [sflag:$0x1] =	stream.indirect.gather [hbm4b:s4+s10], $0x80, s10, s10, $0xb8;
	[tilespmem:$0x141E0] =	vst v63  }
0xcf: {  	_ = 	snop  }
0xd0: {  	[tilespmem:s14], [sflag:$0x1] =	stream.indirect.gather [hbm4b:s4+s10], $0x80, s13, s10, $0xb8;
	[tilespmem:$0x141E0] =	vst v63  }
.LBB2_9:
0xd1: {  	s0 =	sadd.s32 $0xFFFFFFE0, s29  }
.Ltmp8:
0xd2: {  	p1 =	sgt.u32 s0, $0x270;
	(pc) =	sbr.rel @p0 .LBB2_13-.Ltmp8, $4  }
0xd3: {  	s0 =	simm.s32 @!p1 $0x4  }
0xd4: {  	_ =	swait.ge @!p1 [sflag:s0], $0x2800  }
0xd5: {  	[sflag:s0] =	ssyncset.done @!p1 $0x0  }
0xd6: {  	[sflag:s0] =	ssyncadd.s32 @!p1 $0xFFFFD800  }
0xd7: {  	_ =	swait.ge [sflag:s23], $0x2800  }
0xd8: {  	[sflag:s23] =	ssyncset.done $0x0  }
0xd9: {  	[sflag:s23] =	ssyncadd.s32 $0xFFFFD800  }
0xda: {  	_ =	swait.ge [sflag:s23], $0x2800  }
0xdb: {  	[sflag:s23] =	ssyncset.done $0x0  }
0xdc: {  	[sflag:s23] =	ssyncadd.s32 $0xFFFFD800  }
0xdd: {  	_ =	swait.ge [sflag:s23], $0x2800  }
0xde: {  	[sflag:s23] =	ssyncset.done $0x0  }
0xdf: {  	s29 =	simm.s32 $0x7B10;
	[sflag:s23] =	ssyncadd.s32 $0xFFFFD800  }
0xe0: {  	v4 =	vld [tilespmem:s29+$0xFFFFFF90]  }
0xe1: {  	v5 =	vld [tilespmem:s29+$0xFFFFFED0];
	_ =	sdelay $0x1  }
0xe2: {  	v6 =	vld [tilespmem:s29+$0xFFFFFFD0];
	_ =	sdelay $0x2  }
0xe3: {  	v4 =	vadd.f32 v4, v5;
	_ =	sdelay $0x1  }
0xe4: {  	v4 =	vadd.f32 v6, v4  }
0xe5: {  	s30 =	simm.s32 $0x0  }
0xe6: {  	[tilespmem:s30+$0x119E0] =	vst v4  }
0xe7: {  	v4 =	vld [tilespmem:s29+$0xFFFFFEE0]  }
0xe8: {  	v5 =	vld [tilespmem:s29+$0xFFFFFFA0];
	_ =	sdelay $0x1  }
0xe9: {  	v6 =	vld [tilespmem:s29+$0xFFFFFFE0];
	_ =	sdelay $0x2  }
0xea: {  	v4 =	vadd.f32 v5, v4;
	_ =	sdelay $0x1  }
0xeb: {  	v4 =	vadd.f32 v6, v4;
	_ =	sdelay $0x1  }
0xec: {  	[tilespmem:s30+$0x119F0] =	vst v4  }
0xed: {  	v4 =	vld [tilespmem:s29+$0xFFFFFEF0]  }
0xee: {  	v5 =	vld [tilespmem:s29+$0xFFFFFFB0];
	_ =	sdelay $0x1  }
0xef: {  	v6 =	vld [tilespmem:s29+$0xFFFFFFF0];
	_ =	sdelay $0x2  }
0xf0: {  	v4 =	vadd.f32 v5, v4;
	_ =	sdelay $0x1  }
0xf1: {  	v4 =	vadd.f32 v6, v4;
	_ =	sdelay $0x1  }
0xf2: {  	[tilespmem:s30+$0x11A00] =	vst v4  }
0xf3: {  	v4 =	vld [tilespmem:s29+$0xFFFFFF00]  }
0xf4: {  	v6 =	vld [tilespmem:s29+$0xFFFFFFC0]  }
0xf5: {  	s0 =	simm.s32 $0x200;
	v5 =	vld [tilespmem:s29+$0x0]  }
.LBB2_11:
0xf6: {  	_ =	sdelay $0x1  }
0xf7: {  	p0 =	sne.s32 s0, $0x9E00  }
0xf8: {  	s29 =	sadd.s32 $0x180, s29;
	s1 =	smov.u32 s0;
	s0 =	sadd.s32 $0x200, s0;
	v4 =	vadd.f32 v6, v4  }
0xf9: {  	_ = 	snop  }
0xfa: {  	v4 =	vadd.f32 v5, v4;
	_ =	sdelay $0x1  }
0xfb: {  	[tilespmem:s30+$0x11A10] =	vst v4  }
0xfc: {  	v4 =	vld [tilespmem:s29+$0xFFFFFF90]  }
0xfd: {  	v5 =	vld [tilespmem:s29+$0xFFFFFED0];
	_ =	sdelay $0x1  }
0xfe: {  	v6 =	vld [tilespmem:s29+$0xFFFFFFD0];
	_ =	sdelay $0x2  }
0xff: {  	v4 =	vadd.f32 v4, v5;
	_ =	sdelay $0x1  }
0x100: {  	v4 =	vadd.f32 v6, v4  }
0x101: {  	s30 =	sshra.s32 s1, $0x2  }
0x102: {  	[tilespmem:s30+$0x119E0] =	vst v4  }
0x103: {  	v4 =	vld [tilespmem:s29+$0xFFFFFEE0]  }
0x104: {  	v5 =	vld [tilespmem:s29+$0xFFFFFFA0];
	_ =	sdelay $0x1  }
0x105: {  	v6 =	vld [tilespmem:s29+$0xFFFFFFE0];
	_ =	sdelay $0x2  }
0x106: {  	v4 =	vadd.f32 v5, v4;
	_ =	sdelay $0x1  }
0x107: {  	v4 =	vadd.f32 v6, v4;
	_ =	sdelay $0x1  }
0x108: {  	[tilespmem:s30+$0x119F0] =	vst v4  }
0x109: {  	v4 =	vld [tilespmem:s29+$0xFFFFFEF0]  }
0x10a: {  	v5 =	vld [tilespmem:s29+$0xFFFFFFB0];
	_ =	sdelay $0x1  }
0x10b: {  	v6 =	vld [tilespmem:s29+$0xFFFFFFF0];
	_ =	sdelay $0x2  }
0x10c: {  	v4 =	vadd.f32 v5, v4;
	_ =	sdelay $0x1  }
0x10d: {  	v4 =	vadd.f32 v6, v4  }
.Ltmp9:
0x10e: {  	(pc) =	sbr.rel @p0 .LBB2_11-.Ltmp9, $4  }
0x10f: {  	[tilespmem:s30+$0x11A00] =	vst v4  }
0x110: {  	v4 =	vld [tilespmem:s29+$0xFFFFFF00]  }
0x111: {  	v6 =	vld [tilespmem:s29+$0xFFFFFFC0]  }
0x112: {  	v5 =	vld [tilespmem:s29+$0x0]  }
0x113: {  	_ =	sdelay $0x2  }
0x114: {  	v4 =	vadd.f32 v6, v4  }
.Ltmp10:
0x115: {  	_ = 	snop;
	(pc) =	sbr.rel .LBB2_13-.Ltmp10, $3  }
0x116: {  	s0 =	smul.u32 $0x500, s28;
	v4 =	vadd.f32 v5, v4;
	_ =	sdelay $0x1  }
0x117: {  	s0 =	sadd.s32 s6, s0;
	[tilespmem:s30+$0x11A10] =	vst v4  }
0x118: {  	[hbm4b:s0+s2] =	stream.linear.scatter [tilespmem:s24], [sflag:$0x4], $0x2800, $0x38;
	[tilespmem:$0x141E0] =	vst v63  }
.LBB2_15:
0x119: {  	_ =	sfence.sel $0x180000  }
0x11a: {  	[bflag:$0x0] =	sbarrier.arrive $0xFFFF  }
0x11b: {  	_ =	strace $0x90000047  }
0x11c: {  	s0 =	stileid.u32;
	[bflag:$0x2] =	sbarrier.arrive $0xFFFF  }
0x11d: {  	p0 =	sne.s32 s0, $0x0;
	s0 =	rddreg [dreg:$0x1]  }
0x11e: {  	s0 =	sadd.s32 @!p0 $0x100000, s0  }
0x11f: {  	[sflag:s0] =	ssyncadd.tile.s32 @!p0 $0x1;
	_ =	shalt  }
.Lfunc_end2:
_tile_overlayer_lowered:
.L_overlay_start_2:
0x120: {  	(tag) =	ssettag $0x2  }
0x121: {  	s0 =	rddreg [dreg:$0x0];
	s2 =	stileid.u32  }
0x122: {  	s1 =	rddreg [dreg:$0x1];
	p0 =	sne.s32 s2, $0x0  }
0x123: {  	s3 =	rddreg [dreg:$0x2];
	[bflag:$0x3] =	sbarrier.arrive $0xFFFF;
	s2 =	simm.s32 @!p0 $0x1C05  }
0x124: {  	[timem:s3], [sflag:s2] =	dma.local @!p0 [hbm:s0], s1  }
0x125: {  	s0 =	simm.s32 @!p0 $0x5  }
0x126: {  	_ =	swait.ge @!p0 [sflag:s0], s1  }
0x127: {  	s1 =	ssub.s32 @!p0 $0x0, s1;
	[sflag:s0] =	ssyncset.done @!p0 $0x0  }
0x128: {  	[sflag:s0] =	ssyncadd.s32 @!p0 s1  }
0x129: {  	[bflag:$0x3] =	sbarrier.arrive $0xFFFF  }
0x12a: {  	_ =	shalt  }

</sc_bundles>
